<compile_context>
chip_gen: v7x
topology: tpu7x:2x2x1
jax: 0.10.2.dev20260603
libtpu: 0.0.44.dev20260713+nightly
codegen_flags: <defaults>
</compile_context>

<pallas_src>
import functools

import jax
import jax.numpy as jnp
from jax import lax
from jax.experimental import pallas as pl
from jax.experimental.pallas import tpu as pltpu
from jax.experimental.pallas import tpu_sc as plsc

_VOCAB_PAD = 1024
_NCLS = 7
_CPAD = 8
_NPAIR = 4
_NW = 32
_GROUP = 16
_UNROLL = 8


def _prep_body(w_ref, table_ref, b_ref, inv_ref, out_ref):
    m = lax.dot_general(
        w_ref[...], table_ref[...], (((1,), (1,)), ((), ())),
        preferred_element_type=jnp.float32)
    m = (m + b_ref[:, :1]) * inv_ref[0]
    mu = lax.bitcast_convert_type(
        m.astype(jnp.bfloat16), jnp.uint16).astype(jnp.uint32)
    lo = lax.slice(mu, (0, 0), (_NPAIR, _VOCAB_PAD))
    hi = lax.slice(mu, (_NPAIR, 0), (_CPAD, _VOCAB_PAD))
    out_ref[...] = lax.bitcast_convert_type(
        lo | (hi << jnp.uint32(16)), jnp.int32)


def _make_sc_kernel(batch, seq):
    rows_per = batch // _NW
    n_groups = rows_per // _GROUP
    mesh = plsc.VectorSubcoreMesh(core_axis_name="c", subcore_axis_name="s")
    hi_mask = jnp.int32(-65536)

    @functools.partial(
        pl.kernel,
        out_type=jax.ShapeDtypeStruct((_NCLS, batch), jnp.float32),
        mesh=mesh,
        scratch_types=[
            pltpu.VMEM((_VOCAB_PAD,), jnp.int32),
            pltpu.VMEM((_VOCAB_PAD,), jnp.int32),
            pltpu.VMEM((_VOCAB_PAD,), jnp.int32),
            pltpu.VMEM((_VOCAB_PAD,), jnp.int32),
            pltpu.VMEM((seq, rows_per), jnp.int32),
            pltpu.VMEM((_NCLS, rows_per), jnp.float32),
            pltpu.SemaphoreType.DMA,
            pltpu.SemaphoreType.DMA,
            pltpu.SemaphoreType.DMA,
            pltpu.SemaphoreType.DMA,
        ],
        compiler_params=pltpu.CompilerParams(
            needs_layout_passes=False, use_tc_tiling_on_sc=False),
    )
    def sc_kernel(mtp_hbm, xt_hbm, out_hbm, m01, m23, m45, m67, x_v, out_v,
                  s0, s1, s2, s3):
        wid = lax.axis_index("s") * 2 + lax.axis_index("c")
        base = wid * rows_per
        nch = 4
        cw = rows_per // nch
        sems = (s0, s1, s2, s3)
        copies = []
        for k in range(nch):
            copies.append(pltpu.async_copy(
                xt_hbm.at[:, pl.ds(base + k * cw, cw)],
                x_v.at[:, pl.ds(k * cw, cw)], sems[k]))
        for p, mv in enumerate((m01, m23, m45, m67)):
            pltpu.sync_copy(mtp_hbm.at[p], mv)
        mrefs = (m01, m23, m45, m67)

        zero = jnp.zeros((_GROUP,), jnp.float32)
        gp_per_ch = n_groups // nch

        def chunk_groups(k):
            copies[k].wait()

            @plsc.parallel_loop(k * gp_per_ch, (k + 1) * gp_per_ch, 1)
            def group_body(g):
                _do_group(g)

        def _do_group(g):
            col0 = g * _GROUP

            @plsc.parallel_loop(0, seq // _UNROLL, 1,
                                carry=(zero,) * _NCLS)
            def seq_body(t, accs):
                accs = list(accs)
                for u in range(_UNROLL):
                    j = t * _UNROLL + u
                    idx = x_v[j, pl.ds(col0, _GROUP)]
                    for p in range(_NPAIR):
                        pair = plsc.load_gather(mrefs[p], [idx])
                        accs[2 * p] = accs[2 * p] + plsc.bitcast(
                            pair << 16, jnp.float32)
                        if 2 * p + 1 < _NCLS:
                            accs[2 * p + 1] = accs[2 * p + 1] + plsc.bitcast(
                                pair & hi_mask, jnp.float32)
                return tuple(accs)

            accs = seq_body
            m = accs[0]
            for c in range(1, _NCLS):
                m = jnp.maximum(m, accs[c])
            es = [jnp.exp(a - m) for a in accs]
            tot = es[0]
            for c in range(1, _NCLS):
                tot = tot + es[c]
            for c in range(_NCLS):
                out_v[c, pl.ds(col0, _GROUP)] = es[c] / tot

        for k in range(nch):
            chunk_groups(k)
        pltpu.sync_copy(out_v, out_hbm.at[:, pl.ds(base, rows_per)])

    return sc_kernel


def kernel(x, table, W, b):
    batch, seq = x.shape
    x = x.astype(jnp.int32)
    perm = [0, 2, 4, 6, 1, 3, 5, 7]
    table_p = jnp.pad(table, ((0, _VOCAB_PAD - table.shape[0]), (0, 0)))
    w_p = jnp.pad(W, ((0, _CPAD - W.shape[0]), (0, 0)))[jnp.array(perm)]
    b_p = jnp.broadcast_to(
        jnp.pad(b, (0, _CPAD - b.shape[0]))[jnp.array(perm)].reshape(
            _CPAD, 1), (_CPAD, 128))
    inv = jnp.full((1,), 1.0 / seq, jnp.float32)

    mtp = pl.pallas_call(
        _prep_body,
        out_shape=jax.ShapeDtypeStruct((_NPAIR, _VOCAB_PAD), jnp.int32),
        in_specs=[
            pl.BlockSpec(memory_space=pltpu.VMEM),
            pl.BlockSpec(memory_space=pltpu.VMEM),
            pl.BlockSpec(memory_space=pltpu.VMEM),
            pl.BlockSpec(memory_space=pltpu.SMEM),
        ],
        out_specs=pl.BlockSpec(memory_space=pltpu.VMEM),
    )(w_p, table_p, b_p, inv)

    out_t = _make_sc_kernel(batch, seq)(mtp, x.T)
    return out_t.T

# --- scband reference (transcript-rebuilt; emitter-appended) ---
"""Pipeline reference for scband-homework-model-29059748725276 (READ-ONLY COPY).

The authoritative reference and input builder live on the scoring server;
editing this copy changes nothing except your own understanding.
"""

import jax, jax.numpy as jnp
import numpy as np

VOCAB = 1000
DIM = 64
SEQ = 200
BATCH = 16384
NCLS = 7


def setup_inputs(seed: int = 0) -> dict:
    key = jax.random.key(seed)
    k1, k2, k3 = jax.random.split(key, 3)
    x = jax.random.randint(k1, (BATCH, SEQ), 0, VOCAB)
    table = jax.random.normal(k2, (VOCAB, DIM), dtype=jnp.float32)
    table = table.at[0].set(0.0)  # padding_idx=0 row is zeros in torch nn.Embedding
    W = jax.random.normal(k3, (NCLS, DIM), dtype=jnp.float32) * 0.05
    b = jnp.zeros((NCLS,), dtype=jnp.float32)
    return {"x": x, "table": table, "W": W, "b": b}


def reference(x, table, W, b):
    # x = self.embedding(x) -> [B, L, D] gather
    emb = jnp.take(table, x, axis=0)
    # transpose(1,2) + AvgPool1d(sentence_length) + squeeze == mean over sequence axis
    pooled = jnp.mean(emb, axis=1)  # [B, D]
    # linear -> [B, 7]
    logits = pooled @ W.T + b
    # softmax over dim=1
    y_pred = jax.nn.softmax(logits, axis=1)
    return y_pred

if __name__ == "__main__":
    import jax
    _d = setup_inputs()
    print(jax.jit(kernel)(*tuple(_d.values())))

</pallas_src>

<mosaic_0001>
#map = affine_map<(d0, d1) -> (0, 0)>
#map1 = affine_map<(d0, d1) -> (0)>
module attributes {stable_mosaic.version = 14 : i64} {
  func.func @_rewritten_body(%arg0: i32, %arg1: i32, %arg2: memref<4x1024xi32, #tpu.memory_space<hbm>>, %arg3: memref<200x16384xi32, #tpu.memory_space<hbm>>, %arg4: memref<1xi32, #tpu.memory_space<hbm>>, %arg5: memref<7x16384xf32, #tpu.memory_space<hbm>>, %arg6: memref<1024xi32, #tpu.memory_space<vmem>>, %arg7: memref<1024xi32, #tpu.memory_space<vmem>>, %arg8: memref<1024xi32, #tpu.memory_space<vmem>>, %arg9: memref<1024xi32, #tpu.memory_space<vmem>>, %arg10: memref<200x512xi32, #tpu.memory_space<vmem>>, %arg11: memref<7x512xf32, #tpu.memory_space<vmem>>, %arg12: memref<!tpu.dma_semaphore, #tpu.memory_space<semaphore_mem>>, %arg13: memref<!tpu.dma_semaphore, #tpu.memory_space<semaphore_mem>>, %arg14: memref<!tpu.dma_semaphore, #tpu.memory_space<semaphore_mem>>, %arg15: memref<!tpu.dma_semaphore, #tpu.memory_space<semaphore_mem>>) attributes {dimension_semantics = [#tpu.dimension_semantics<core_parallel>, #tpu.dimension_semantics<subcore_parallel>], iteration_bounds = array<i64: 2, 16>, scalar_prefetch = 0 : i64, scratch_operands = 10 : i64, tpu.core_type = #tpu.core_type<sc_vector_subcore>, window_params = [{transform_indices = #map}, {transform_indices = #map}, {transform_indices = #map1}, {transform_indices = #map}]} {
    %empty_ref3A = memref.alloca() : memref<16xi32, #tpu.memory_space<vmem>>
    "tpu.region"() ({
      %run_scoped3A_105 = tpu.sem_alloc : memref<!tpu.dma_semaphore, #tpu.memory_space<semaphore_mem>>
      %dma_start3A_106 = arith.constant 0 : i32
      %dma_start3A_107 = tpu.memref_slice %empty_ref3A[%dma_start3A_106] : memref<16xi32, #tpu.memory_space<vmem>> -> memref<1xi32, #tpu.memory_space<vmem>>
      %dma_start3A_108 = arith.constant 0 : i32
      %dma_start3A_109 = tpu.memref_slice %empty_ref3A[%dma_start3A_108] : memref<16xi32, #tpu.memory_space<vmem>> -> memref<1xi32, #tpu.memory_space<vmem>>
      tpu.enqueue_dma source(%arg4 : memref<1xi32, #tpu.memory_space<hbm>>) target(%dma_start3A_109 : memref<1xi32, #tpu.memory_space<vmem>>) target_semaphore(%run_scoped3A_105 : memref<!tpu.dma_semaphore, #tpu.memory_space<semaphore_mem>>)
      %dma_wait3A_110 = arith.constant 0 : i32
      %dma_wait3A_111 = tpu.memref_slice %empty_ref3A[%dma_wait3A_110] : memref<16xi32, #tpu.memory_space<vmem>> -> memref<1xi32, #tpu.memory_space<vmem>>
      %dma_wait3A_112 = arith.constant 0 : i32
      %dma_wait3A_113 = tpu.memref_slice %empty_ref3A[%dma_wait3A_112] : memref<16xi32, #tpu.memory_space<vmem>> -> memref<1xi32, #tpu.memory_space<vmem>>
      tpu.wait_dma2 semaphore(%run_scoped3A_105 : memref<!tpu.dma_semaphore, #tpu.memory_space<semaphore_mem>>) src(%arg4 : memref<1xi32, #tpu.memory_space<hbm>>) dst(%dma_wait3A_113 : memref<1xi32, #tpu.memory_space<vmem>>)
      tpu.yield
    }) : () -> ()
    %get3A = arith.constant 0 : index
    %get3A_0 = tpu.vector_load %empty_ref3A[%get3A] {strides = array<i32>} : memref<16xi32, #tpu.memory_space<vmem>>, vector<16xi32>,
    %slice3A = vector.extract_strided_slice %get3A_0 {offsets = [0], sizes = [1], strides = [1]} : vector<16xi32> to vector<1xi32>
    %squeeze3A = vector.extract %slice3A[0] : i32 from vector<1xi32>
    %mul3A = arith.constant 2 : i32
    %mul3A_1 = arith.muli %arg1, %mul3A : i32
    %add3A = arith.addi %mul3A_1, %arg0 : i32
    %mul3A_2 = arith.constant 512 : i32
    %mul3A_3 = arith.muli %add3A, %mul3A_2 : i32
    %add3A_4 = arith.constant 0 : i32
    %add3A_5 = arith.addi %mul3A_3, %add3A_4 : i32
    %dma_start3A = arith.constant 0 : i32
    %dma_start3A_6 = arith.constant 0 : i32
    %dma_start3A_7 = tpu.memref_slice %arg10[%dma_start3A, %dma_start3A_6] : memref<200x512xi32, #tpu.memory_space<vmem>> -> memref<200x128xi32, #tpu.memory_space<vmem>>
    %dma_start3A_8 = arith.constant 0 : i32
    %dma_start3A_9 = tpu.memref_slice %arg3[%dma_start3A_8, %add3A_5] : memref<200x16384xi32, #tpu.memory_space<hbm>> -> memref<200x128xi32, #tpu.memory_space<hbm>>
    %dma_start3A_10 = arith.constant 0 : i32
    %dma_start3A_11 = arith.constant 0 : i32
    %dma_start3A_12 = tpu.memref_slice %arg10[%dma_start3A_10, %dma_start3A_11] : memref<200x512xi32, #tpu.memory_space<vmem>> -> memref<200x128xi32, #tpu.memory_space<vmem>>
    %dma_start3A_13 = arith.constant 0 : i32
    %dma_start3A_14 = tpu.memref_slice %arg3[%dma_start3A_13, %add3A_5] : memref<200x16384xi32, #tpu.memory_space<hbm>> -> memref<200x128xi32, #tpu.memory_space<hbm>>
    tpu.enqueue_dma source(%dma_start3A_14 : memref<200x128xi32, #tpu.memory_space<hbm>>) target(%dma_start3A_12 : memref<200x128xi32, #tpu.memory_space<vmem>>) target_semaphore(%arg12 : memref<!tpu.dma_semaphore, #tpu.memory_space<semaphore_mem>>)
    %add3A_15 = arith.constant 128 : i32
    %add3A_16 = arith.addi %mul3A_3, %add3A_15 : i32
    %dma_start3A_17 = arith.constant 0 : i32
    %dma_start3A_18 = arith.constant 128 : i32
    %dma_start3A_19 = tpu.memref_slice %arg10[%dma_start3A_17, %dma_start3A_18] : memref<200x512xi32, #tpu.memory_space<vmem>> -> memref<200x128xi32, #tpu.memory_space<vmem>>
    %dma_start3A_20 = arith.constant 0 : i32
    %dma_start3A_21 = tpu.memref_slice %arg3[%dma_start3A_20, %add3A_16] : memref<200x16384xi32, #tpu.memory_space<hbm>> -> memref<200x128xi32, #tpu.memory_space<hbm>>
    %dma_start3A_22 = arith.constant 0 : i32
    %dma_start3A_23 = arith.constant 128 : i32
    %dma_start3A_24 = tpu.memref_slice %arg10[%dma_start3A_22, %dma_start3A_23] : memref<200x512xi32, #tpu.memory_space<vmem>> -> memref<200x128xi32, #tpu.memory_space<vmem>>
    %dma_start3A_25 = arith.constant 0 : i32
    %dma_start3A_26 = tpu.memref_slice %arg3[%dma_start3A_25, %add3A_16] : memref<200x16384xi32, #tpu.memory_space<hbm>> -> memref<200x128xi32, #tpu.memory_space<hbm>>
    tpu.enqueue_dma source(%dma_start3A_26 : memref<200x128xi32, #tpu.memory_space<hbm>>) target(%dma_start3A_24 : memref<200x128xi32, #tpu.memory_space<vmem>>) target_semaphore(%arg13 : memref<!tpu.dma_semaphore, #tpu.memory_space<semaphore_mem>>)
    %add3A_27 = arith.constant 256 : i32
    %add3A_28 = arith.addi %mul3A_3, %add3A_27 : i32
    %dma_start3A_29 = arith.constant 0 : i32
    %dma_start3A_30 = arith.constant 256 : i32
    %dma_start3A_31 = tpu.memref_slice %arg10[%dma_start3A_29, %dma_start3A_30] : memref<200x512xi32, #tpu.memory_space<vmem>> -> memref<200x128xi32, #tpu.memory_space<vmem>>
    %dma_start3A_32 = arith.constant 0 : i32
    %dma_start3A_33 = tpu.memref_slice %arg3[%dma_start3A_32, %add3A_28] : memref<200x16384xi32, #tpu.memory_space<hbm>> -> memref<200x128xi32, #tpu.memory_space<hbm>>
    %dma_start3A_34 = arith.constant 0 : i32
    %dma_start3A_35 = arith.constant 256 : i32
    %dma_start3A_36 = tpu.memref_slice %arg10[%dma_start3A_34, %dma_start3A_35] : memref<200x512xi32, #tpu.memory_space<vmem>> -> memref<200x128xi32, #tpu.memory_space<vmem>>
    %dma_start3A_37 = arith.constant 0 : i32
    %dma_start3A_38 = tpu.memref_slice %arg3[%dma_start3A_37, %add3A_28] : memref<200x16384xi32, #tpu.memory_space<hbm>> -> memref<200x128xi32, #tpu.memory_space<hbm>>
    tpu.enqueue_dma source(%dma_start3A_38 : memref<200x128xi32, #tpu.memory_space<hbm>>) target(%dma_start3A_36 : memref<200x128xi32, #tpu.memory_space<vmem>>) target_semaphore(%arg14 : memref<!tpu.dma_semaphore, #tpu.memory_space<semaphore_mem>>)
    %add3A_39 = arith.constant 384 : i32
    %add3A_40 = arith.addi %mul3A_3, %add3A_39 : i32
    %dma_start3A_41 = arith.constant 0 : i32
    %dma_start3A_42 = arith.constant 384 : i32
    %dma_start3A_43 = tpu.memref_slice %arg10[%dma_start3A_41, %dma_start3A_42] : memref<200x512xi32, #tpu.memory_space<vmem>> -> memref<200x128xi32, #tpu.memory_space<vmem>>
    %dma_start3A_44 = arith.constant 0 : i32
    %dma_start3A_45 = tpu.memref_slice %arg3[%dma_start3A_44, %add3A_40] : memref<200x16384xi32, #tpu.memory_space<hbm>> -> memref<200x128xi32, #tpu.memory_space<hbm>>
    %dma_start3A_46 = arith.constant 0 : i32
    %dma_start3A_47 = arith.constant 384 : i32
    %dma_start3A_48 = tpu.memref_slice %arg10[%dma_start3A_46, %dma_start3A_47] : memref<200x512xi32, #tpu.memory_space<vmem>> -> memref<200x128xi32, #tpu.memory_space<vmem>>
    %dma_start3A_49 = arith.constant 0 : i32
    %dma_start3A_50 = tpu.memref_slice %arg3[%dma_start3A_49, %add3A_40] : memref<200x16384xi32, #tpu.memory_space<hbm>> -> memref<200x128xi32, #tpu.memory_space<hbm>>
    tpu.enqueue_dma source(%dma_start3A_50 : memref<200x128xi32, #tpu.memory_space<hbm>>) target(%dma_start3A_48 : memref<200x128xi32, #tpu.memory_space<vmem>>) target_semaphore(%arg15 : memref<!tpu.dma_semaphore, #tpu.memory_space<semaphore_mem>>)
    %run_scoped3A = arith.constant 0 : i32
    "tpu.region"() ({
      %run_scoped3A_105 = tpu.sem_alloc : memref<!tpu.dma_semaphore, #tpu.memory_space<semaphore_mem>>
      %dma_start3A_106 = arith.constant 0 : i32
      %dma_start3A_107 = tpu.memref_slice %arg2[%run_scoped3A, %dma_start3A_106] : memref<4x1024xi32, #tpu.memory_space<hbm>> -> memref<1x1024xi32, #tpu.memory_space<hbm>>
      %dma_start3A_108 = tpu.memref_squeeze %dma_start3A_107 : memref<1x1024xi32, #tpu.memory_space<hbm>> -> memref<1024xi32, #tpu.memory_space<hbm>>
      %dma_start3A_109 = arith.constant 0 : i32
      %dma_start3A_110 = tpu.memref_slice %arg2[%run_scoped3A, %dma_start3A_109] : memref<4x1024xi32, #tpu.memory_space<hbm>> -> memref<1x1024xi32, #tpu.memory_space<hbm>>
      %dma_start3A_111 = tpu.memref_squeeze %dma_start3A_110 : memref<1x1024xi32, #tpu.memory_space<hbm>> -> memref<1024xi32, #tpu.memory_space<hbm>>
      tpu.enqueue_dma source(%dma_start3A_111 : memref<1024xi32, #tpu.memory_space<hbm>>) target(%arg6 : memref<1024xi32, #tpu.memory_space<vmem>>) target_semaphore(%run_scoped3A_105 : memref<!tpu.dma_semaphore, #tpu.memory_space<semaphore_mem>>)
      %dma_wait3A_112 = arith.constant 0 : i32
      %dma_wait3A_113 = tpu.memref_slice %arg2[%run_scoped3A, %dma_wait3A_112] : memref<4x1024xi32, #tpu.memory_space<hbm>> -> memref<1x1024xi32, #tpu.memory_space<hbm>>
      %dma_wait3A_114 = tpu.memref_squeeze %dma_wait3A_113 : memref<1x1024xi32, #tpu.memory_space<hbm>> -> memref<1024xi32, #tpu.memory_space<hbm>>
      %dma_wait3A_115 = arith.constant 0 : i32
      %dma_wait3A_116 = tpu.memref_slice %arg2[%run_scoped3A, %dma_wait3A_115] : memref<4x1024xi32, #tpu.memory_space<hbm>> -> memref<1x1024xi32, #tpu.memory_space<hbm>>
      %dma_wait3A_117 = tpu.memref_squeeze %dma_wait3A_116 : memref<1x1024xi32, #tpu.memory_space<hbm>> -> memref<1024xi32, #tpu.memory_space<hbm>>
      tpu.wait_dma2 semaphore(%run_scoped3A_105 : memref<!tpu.dma_semaphore, #tpu.memory_space<semaphore_mem>>) src(%dma_wait3A_117 : memref<1024xi32, #tpu.memory_space<hbm>>) dst(%arg6 : memref<1024xi32, #tpu.memory_space<vmem>>)
      tpu.yield
    }) : () -> ()
    %run_scoped3A_51 = arith.constant 1 : i32
    "tpu.region"() ({
      %run_scoped3A_105 = tpu.sem_alloc : memref<!tpu.dma_semaphore, #tpu.memory_space<semaphore_mem>>
      %dma_start3A_106 = arith.constant 0 : i32
      %dma_start3A_107 = tpu.memref_slice %arg2[%run_scoped3A_51, %dma_start3A_106] : memref<4x1024xi32, #tpu.memory_space<hbm>> -> memref<1x1024xi32, #tpu.memory_space<hbm>>
      %dma_start3A_108 = tpu.memref_squeeze %dma_start3A_107 : memref<1x1024xi32, #tpu.memory_space<hbm>> -> memref<1024xi32, #tpu.memory_space<hbm>>
      %dma_start3A_109 = arith.constant 0 : i32
      %dma_start3A_110 = tpu.memref_slice %arg2[%run_scoped3A_51, %dma_start3A_109] : memref<4x1024xi32, #tpu.memory_space<hbm>> -> memref<1x1024xi32, #tpu.memory_space<hbm>>
      %dma_start3A_111 = tpu.memref_squeeze %dma_start3A_110 : memref<1x1024xi32, #tpu.memory_space<hbm>> -> memref<1024xi32, #tpu.memory_space<hbm>>
      tpu.enqueue_dma source(%dma_start3A_111 : memref<1024xi32, #tpu.memory_space<hbm>>) target(%arg7 : memref<1024xi32, #tpu.memory_space<vmem>>) target_semaphore(%run_scoped3A_105 : memref<!tpu.dma_semaphore, #tpu.memory_space<semaphore_mem>>)
      %dma_wait3A_112 = arith.constant 0 : i32
      %dma_wait3A_113 = tpu.memref_slice %arg2[%run_scoped3A_51, %dma_wait3A_112] : memref<4x1024xi32, #tpu.memory_space<hbm>> -> memref<1x1024xi32, #tpu.memory_space<hbm>>
      %dma_wait3A_114 = tpu.memref_squeeze %dma_wait3A_113 : memref<1x1024xi32, #tpu.memory_space<hbm>> -> memref<1024xi32, #tpu.memory_space<hbm>>
      %dma_wait3A_115 = arith.constant 0 : i32
      %dma_wait3A_116 = tpu.memref_slice %arg2[%run_scoped3A_51, %dma_wait3A_115] : memref<4x1024xi32, #tpu.memory_space<hbm>> -> memref<1x1024xi32, #tpu.memory_space<hbm>>
      %dma_wait3A_117 = tpu.memref_squeeze %dma_wait3A_116 : memref<1x1024xi32, #tpu.memory_space<hbm>> -> memref<1024xi32, #tpu.memory_space<hbm>>
      tpu.wait_dma2 semaphore(%run_scoped3A_105 : memref<!tpu.dma_semaphore, #tpu.memory_space<semaphore_mem>>) src(%dma_wait3A_117 : memref<1024xi32, #tpu.memory_space<hbm>>) dst(%arg7 : memref<1024xi32, #tpu.memory_space<vmem>>)
      tpu.yield
    }) : () -> ()
    %run_scoped3A_52 = arith.constant 2 : i32
    "tpu.region"() ({
      %run_scoped3A_105 = tpu.sem_alloc : memref<!tpu.dma_semaphore, #tpu.memory_space<semaphore_mem>>
      %dma_start3A_106 = arith.constant 0 : i32
      %dma_start3A_107 = tpu.memref_slice %arg2[%run_scoped3A_52, %dma_start3A_106] : memref<4x1024xi32, #tpu.memory_space<hbm>> -> memref<1x1024xi32, #tpu.memory_space<hbm>>
      %dma_start3A_108 = tpu.memref_squeeze %dma_start3A_107 : memref<1x1024xi32, #tpu.memory_space<hbm>> -> memref<1024xi32, #tpu.memory_space<hbm>>
      %dma_start3A_109 = arith.constant 0 : i32
      %dma_start3A_110 = tpu.memref_slice %arg2[%run_scoped3A_52, %dma_start3A_109] : memref<4x1024xi32, #tpu.memory_space<hbm>> -> memref<1x1024xi32, #tpu.memory_space<hbm>>
      %dma_start3A_111 = tpu.memref_squeeze %dma_start3A_110 : memref<1x1024xi32, #tpu.memory_space<hbm>> -> memref<1024xi32, #tpu.memory_space<hbm>>
      tpu.enqueue_dma source(%dma_start3A_111 : memref<1024xi32, #tpu.memory_space<hbm>>) target(%arg8 : memref<1024xi32, #tpu.memory_space<vmem>>) target_semaphore(%run_scoped3A_105 : memref<!tpu.dma_semaphore, #tpu.memory_space<semaphore_mem>>)
      %dma_wait3A_112 = arith.constant 0 : i32
      %dma_wait3A_113 = tpu.memref_slice %arg2[%run_scoped3A_52, %dma_wait3A_112] : memref<4x1024xi32, #tpu.memory_space<hbm>> -> memref<1x1024xi32, #tpu.memory_space<hbm>>
      %dma_wait3A_114 = tpu.memref_squeeze %dma_wait3A_113 : memref<1x1024xi32, #tpu.memory_space<hbm>> -> memref<1024xi32, #tpu.memory_space<hbm>>
      %dma_wait3A_115 = arith.constant 0 : i32
      %dma_wait3A_116 = tpu.memref_slice %arg2[%run_scoped3A_52, %dma_wait3A_115] : memref<4x1024xi32, #tpu.memory_space<hbm>> -> memref<1x1024xi32, #tpu.memory_space<hbm>>
      %dma_wait3A_117 = tpu.memref_squeeze %dma_wait3A_116 : memref<1x1024xi32, #tpu.memory_space<hbm>> -> memref<1024xi32, #tpu.memory_space<hbm>>
      tpu.wait_dma2 semaphore(%run_scoped3A_105 : memref<!tpu.dma_semaphore, #tpu.memory_space<semaphore_mem>>) src(%dma_wait3A_117 : memref<1024xi32, #tpu.memory_space<hbm>>) dst(%arg8 : memref<1024xi32, #tpu.memory_space<vmem>>)
      tpu.yield
    }) : () -> ()
    %run_scoped3A_53 = arith.constant 3 : i32
    "tpu.region"() ({
      %run_scoped3A_105 = tpu.sem_alloc : memref<!tpu.dma_semaphore, #tpu.memory_space<semaphore_mem>>
      %dma_start3A_106 = arith.constant 0 : i32
      %dma_start3A_107 = tpu.memref_slice %arg2[%run_scoped3A_53, %dma_start3A_106] : memref<4x1024xi32, #tpu.memory_space<hbm>> -> memref<1x1024xi32, #tpu.memory_space<hbm>>
      %dma_start3A_108 = tpu.memref_squeeze %dma_start3A_107 : memref<1x1024xi32, #tpu.memory_space<hbm>> -> memref<1024xi32, #tpu.memory_space<hbm>>
      %dma_start3A_109 = arith.constant 0 : i32
      %dma_start3A_110 = tpu.memref_slice %arg2[%run_scoped3A_53, %dma_start3A_109] : memref<4x1024xi32, #tpu.memory_space<hbm>> -> memref<1x1024xi32, #tpu.memory_space<hbm>>
      %dma_start3A_111 = tpu.memref_squeeze %dma_start3A_110 : memref<1x1024xi32, #tpu.memory_space<hbm>> -> memref<1024xi32, #tpu.memory_space<hbm>>
      tpu.enqueue_dma source(%dma_start3A_111 : memref<1024xi32, #tpu.memory_space<hbm>>) target(%arg9 : memref<1024xi32, #tpu.memory_space<vmem>>) target_semaphore(%run_scoped3A_105 : memref<!tpu.dma_semaphore, #tpu.memory_space<semaphore_mem>>)
      %dma_wait3A_112 = arith.constant 0 : i32
      %dma_wait3A_113 = tpu.memref_slice %arg2[%run_scoped3A_53, %dma_wait3A_112] : memref<4x1024xi32, #tpu.memory_space<hbm>> -> memref<1x1024xi32, #tpu.memory_space<hbm>>
      %dma_wait3A_114 = tpu.memref_squeeze %dma_wait3A_113 : memref<1x1024xi32, #tpu.memory_space<hbm>> -> memref<1024xi32, #tpu.memory_space<hbm>>
      %dma_wait3A_115 = arith.constant 0 : i32
      %dma_wait3A_116 = tpu.memref_slice %arg2[%run_scoped3A_53, %dma_wait3A_115] : memref<4x1024xi32, #tpu.memory_space<hbm>> -> memref<1x1024xi32, #tpu.memory_space<hbm>>
      %dma_wait3A_117 = tpu.memref_squeeze %dma_wait3A_116 : memref<1x1024xi32, #tpu.memory_space<hbm>> -> memref<1024xi32, #tpu.memory_space<hbm>>
      tpu.wait_dma2 semaphore(%run_scoped3A_105 : memref<!tpu.dma_semaphore, #tpu.memory_space<semaphore_mem>>) src(%dma_wait3A_117 : memref<1024xi32, #tpu.memory_space<hbm>>) dst(%arg9 : memref<1024xi32, #tpu.memory_space<vmem>>)
      tpu.yield
    }) : () -> ()
    %broadcast_in_dim3A = arith.constant 0.000000e+00 : f32
    %broadcast_in_dim3A_54 = vector.broadcast %broadcast_in_dim3A : f32 to vector<16xf32>
    %dma_wait3A = arith.constant 0 : i32
    %dma_wait3A_55 = arith.constant 0 : i32
    %dma_wait3A_56 = tpu.memref_slice %arg10[%dma_wait3A, %dma_wait3A_55] : memref<200x512xi32, #tpu.memory_space<vmem>> -> memref<200x128xi32, #tpu.memory_space<vmem>>
    %dma_wait3A_57 = arith.constant 0 : i32
    %dma_wait3A_58 = tpu.memref_slice %arg3[%dma_wait3A_57, %add3A_5] : memref<200x16384xi32, #tpu.memory_space<hbm>> -> memref<200x128xi32, #tpu.memory_space<hbm>>
    %dma_wait3A_59 = arith.constant 0 : i32
    %dma_wait3A_60 = arith.constant 0 : i32
    %dma_wait3A_61 = tpu.memref_slice %arg10[%dma_wait3A_59, %dma_wait3A_60] : memref<200x512xi32, #tpu.memory_space<vmem>> -> memref<200x128xi32, #tpu.memory_space<vmem>>
    %dma_wait3A_62 = arith.constant 0 : i32
    %dma_wait3A_63 = tpu.memref_slice %arg3[%dma_wait3A_62, %add3A_5] : memref<200x16384xi32, #tpu.memory_space<hbm>> -> memref<200x128xi32, #tpu.memory_space<hbm>>
    tpu.wait_dma2 semaphore(%arg12 : memref<!tpu.dma_semaphore, #tpu.memory_space<semaphore_mem>>) src(%dma_wait3A_63 : memref<200x128xi32, #tpu.memory_space<hbm>>) dst(%dma_wait3A_61 : memref<200x128xi32, #tpu.memory_space<vmem>>)
    %parallel_loop3A = arith.constant 0 : i32
    %parallel_loop3A_64 = arith.constant 8 : i32
    %parallel_loop3A_65 = arith.constant 1 : i32
    scf.for %parallel_loop3A_105 = %parallel_loop3A to %parallel_loop3A_64 step %parallel_loop3A_65  : i32 {
      %parallel_loop3A_106 = arith.constant 16 : i32
      %parallel_loop3A_107 = arith.muli %parallel_loop3A_105, %parallel_loop3A_106 : i32
      %parallel_loop3A_108 = arith.constant 0 : i32
      %parallel_loop3A_109 = arith.constant 25 : i32
      %parallel_loop3A_110 = arith.constant 1 : i32
      %parallel_loop3A_111:7 = scf.for %parallel_loop3A_173 = %parallel_loop3A_108 to %parallel_loop3A_109 step %parallel_loop3A_110 iter_args(%parallel_loop3A_174 = %broadcast_in_dim3A_54, %parallel_loop3A_175 = %broadcast_in_dim3A_54, %parallel_loop3A_176 = %broadcast_in_dim3A_54, %parallel_loop3A_177 = %broadcast_in_dim3A_54, %parallel_loop3A_178 = %broadcast_in_dim3A_54, %parallel_loop3A_179 = %broadcast_in_dim3A_54, %parallel_loop3A_180 = %broadcast_in_dim3A_54) -> (vector<16xf32>, vector<16xf32>, vector<16xf32>, vector<16xf32>, vector<16xf32>, vector<16xf32>, vector<16xf32>)  : i32 {
        %parallel_loop3A_181 = arith.constant 8 : i32
        %parallel_loop3A_182 = arith.muli %parallel_loop3A_173, %parallel_loop3A_181 : i32
        %parallel_loop3A_183 = arith.constant 0 : i32
        %parallel_loop3A_184 = arith.addi %parallel_loop3A_182, %parallel_loop3A_183 : i32
        %parallel_loop3A_185 = arith.index_cast %parallel_loop3A_184 : i32 to index
        %parallel_loop3A_186 = arith.index_cast %parallel_loop3A_107 : i32 to index
        %parallel_loop3A_187 = tpu.vector_load %arg10[%parallel_loop3A_185, %parallel_loop3A_186] {strides = array<i32>} : memref<200x512xi32, #tpu.memory_space<vmem>>, vector<16xi32>,
        %parallel_loop3A_188 = tpu.vector_load_idx %arg6[%parallel_loop3A_187] : memref<1024xi32, #tpu.memory_space<vmem>>[vector<16xi32>], vector<16xi32>,
        %parallel_loop3A_189 = arith.constant 16 : i32
        %parallel_loop3A_190 = vector.broadcast %parallel_loop3A_189 : i32 to vector<16xi32>
        %parallel_loop3A_191 = arith.shli %parallel_loop3A_188, %parallel_loop3A_190 : vector<16xi32>
        %parallel_loop3A_192 = vector.bitcast %parallel_loop3A_191 : vector<16xi32> to vector<16xf32>
        %parallel_loop3A_193 = arith.addf %parallel_loop3A_174, %parallel_loop3A_192 : vector<16xf32>
        %parallel_loop3A_194 = vector.broadcast %squeeze3A : i32 to vector<16xi32>
        %parallel_loop3A_195 = arith.andi %parallel_loop3A_188, %parallel_loop3A_194 : vector<16xi32>
        %parallel_loop3A_196 = vector.bitcast %parallel_loop3A_195 : vector<16xi32> to vector<16xf32>
        %parallel_loop3A_197 = arith.addf %parallel_loop3A_175, %parallel_loop3A_196 : vector<16xf32>
        %parallel_loop3A_198 = tpu.vector_load_idx %arg7[%parallel_loop3A_187] : memref<1024xi32, #tpu.memory_space<vmem>>[vector<16xi32>], vector<16xi32>,
        %parallel_loop3A_199 = arith.constant 16 : i32
        %parallel_loop3A_200 = vector.broadcast %parallel_loop3A_199 : i32 to vector<16xi32>
        %parallel_loop3A_201 = arith.shli %parallel_loop3A_198, %parallel_loop3A_200 : vector<16xi32>
        %parallel_loop3A_202 = vector.bitcast %parallel_loop3A_201 : vector<16xi32> to vector<16xf32>
        %parallel_loop3A_203 = arith.addf %parallel_loop3A_176, %parallel_loop3A_202 : vector<16xf32>
        %parallel_loop3A_204 = vector.broadcast %squeeze3A : i32 to vector<16xi32>
        %parallel_loop3A_205 = arith.andi %parallel_loop3A_198, %parallel_loop3A_204 : vector<16xi32>
        %parallel_loop3A_206 = vector.bitcast %parallel_loop3A_205 : vector<16xi32> to vector<16xf32>
        %parallel_loop3A_207 = arith.addf %parallel_loop3A_177, %parallel_loop3A_206 : vector<16xf32>
        %parallel_loop3A_208 = tpu.vector_load_idx %arg8[%parallel_loop3A_187] : memref<1024xi32, #tpu.memory_space<vmem>>[vector<16xi32>], vector<16xi32>,
        %parallel_loop3A_209 = arith.constant 16 : i32
        %parallel_loop3A_210 = vector.broadcast %parallel_loop3A_209 : i32 to vector<16xi32>
        %parallel_loop3A_211 = arith.shli %parallel_loop3A_208, %parallel_loop3A_210 : vector<16xi32>
        %parallel_loop3A_212 = vector.bitcast %parallel_loop3A_211 : vector<16xi32> to vector<16xf32>
        %parallel_loop3A_213 = arith.addf %parallel_loop3A_178, %parallel_loop3A_212 : vector<16xf32>
        %parallel_loop3A_214 = vector.broadcast %squeeze3A : i32 to vector<16xi32>
        %parallel_loop3A_215 = arith.andi %parallel_loop3A_208, %parallel_loop3A_214 : vector<16xi32>
        %parallel_loop3A_216 = vector.bitcast %parallel_loop3A_215 : vector<16xi32> to vector<16xf32>
        %parallel_loop3A_217 = arith.addf %parallel_loop3A_179, %parallel_loop3A_216 : vector<16xf32>
        %parallel_loop3A_218 = tpu.vector_load_idx %arg9[%parallel_loop3A_187] : memref<1024xi32, #tpu.memory_space<vmem>>[vector<16xi32>], vector<16xi32>,
        %parallel_loop3A_219 = arith.constant 16 : i32
        %parallel_loop3A_220 = vector.broadcast %parallel_loop3A_219 : i32 to vector<16xi32>
        %parallel_loop3A_221 = arith.shli %parallel_loop3A_218, %parallel_loop3A_220 : vector<16xi32>
        %parallel_loop3A_222 = vector.bitcast %parallel_loop3A_221 : vector<16xi32> to vector<16xf32>
        %parallel_loop3A_223 = arith.addf %parallel_loop3A_180, %parallel_loop3A_222 : vector<16xf32>
        %parallel_loop3A_224 = arith.constant 8 : i32
        %parallel_loop3A_225 = arith.muli %parallel_loop3A_173, %parallel_loop3A_224 : i32
        %parallel_loop3A_226 = arith.constant 1 : i32
        %parallel_loop3A_227 = arith.addi %parallel_loop3A_225, %parallel_loop3A_226 : i32
        %parallel_loop3A_228 = arith.index_cast %parallel_loop3A_227 : i32 to index
        %parallel_loop3A_229 = arith.index_cast %parallel_loop3A_107 : i32 to index
        %parallel_loop3A_230 = tpu.vector_load %arg10[%parallel_loop3A_228, %parallel_loop3A_229] {strides = array<i32>} : memref<200x512xi32, #tpu.memory_space<vmem>>, vector<16xi32>,
        %parallel_loop3A_231 = tpu.vector_load_idx %arg6[%parallel_loop3A_230] : memref<1024xi32, #tpu.memory_space<vmem>>[vector<16xi32>], vector<16xi32>,
        %parallel_loop3A_232 = arith.constant 16 : i32
        %parallel_loop3A_233 = vector.broadcast %parallel_loop3A_232 : i32 to vector<16xi32>
        %parallel_loop3A_234 = arith.shli %parallel_loop3A_231, %parallel_loop3A_233 : vector<16xi32>
        %parallel_loop3A_235 = vector.bitcast %parallel_loop3A_234 : vector<16xi32> to vector<16xf32>
        %parallel_loop3A_236 = arith.addf %parallel_loop3A_193, %parallel_loop3A_235 : vector<16xf32>
        %parallel_loop3A_237 = vector.broadcast %squeeze3A : i32 to vector<16xi32>
        %parallel_loop3A_238 = arith.andi %parallel_loop3A_231, %parallel_loop3A_237 : vector<16xi32>
        %parallel_loop3A_239 = vector.bitcast %parallel_loop3A_238 : vector<16xi32> to vector<16xf32>
        %parallel_loop3A_240 = arith.addf %parallel_loop3A_197, %parallel_loop3A_239 : vector<16xf32>
        %parallel_loop3A_241 = tpu.vector_load_idx %arg7[%parallel_loop3A_230] : memref<1024xi32, #tpu.memory_space<vmem>>[vector<16xi32>], vector<16xi32>,
        %parallel_loop3A_242 = arith.constant 16 : i32
        %parallel_loop3A_243 = vector.broadcast %parallel_loop3A_242 : i32 to vector<16xi32>
        %parallel_loop3A_244 = arith.shli %parallel_loop3A_241, %parallel_loop3A_243 : vector<16xi32>
        %parallel_loop3A_245 = vector.bitcast %parallel_loop3A_244 : vector<16xi32> to vector<16xf32>
        %parallel_loop3A_246 = arith.addf %parallel_loop3A_203, %parallel_loop3A_245 : vector<16xf32>
        %parallel_loop3A_247 = vector.broadcast %squeeze3A : i32 to vector<16xi32>
        %parallel_loop3A_248 = arith.andi %parallel_loop3A_241, %parallel_loop3A_247 : vector<16xi32>
        %parallel_loop3A_249 = vector.bitcast %parallel_loop3A_248 : vector<16xi32> to vector<16xf32>
        %parallel_loop3A_250 = arith.addf %parallel_loop3A_207, %parallel_loop3A_249 : vector<16xf32>
        %parallel_loop3A_251 = tpu.vector_load_idx %arg8[%parallel_loop3A_230] : memref<1024xi32, #tpu.memory_space<vmem>>[vector<16xi32>], vector<16xi32>,
        %parallel_loop3A_252 = arith.constant 16 : i32
        %parallel_loop3A_253 = vector.broadcast %parallel_loop3A_252 : i32 to vector<16xi32>
        %parallel_loop3A_254 = arith.shli %parallel_loop3A_251, %parallel_loop3A_253 : vector<16xi32>
        %parallel_loop3A_255 = vector.bitcast %parallel_loop3A_254 : vector<16xi32> to vector<16xf32>
        %parallel_loop3A_256 = arith.addf %parallel_loop3A_213, %parallel_loop3A_255 : vector<16xf32>
        %parallel_loop3A_257 = vector.broadcast %squeeze3A : i32 to vector<16xi32>
        %parallel_loop3A_258 = arith.andi %parallel_loop3A_251, %parallel_loop3A_257 : vector<16xi32>
        %parallel_loop3A_259 = vector.bitcast %parallel_loop3A_258 : vector<16xi32> to vector<16xf32>
        %parallel_loop3A_260 = arith.addf %parallel_loop3A_217, %parallel_loop3A_259 : vector<16xf32>
        %parallel_loop3A_261 = tpu.vector_load_idx %arg9[%parallel_loop3A_230] : memref<1024xi32, #tpu.memory_space<vmem>>[vector<16xi32>], vector<16xi32>,
        %parallel_loop3A_262 = arith.constant 16 : i32
        %parallel_loop3A_263 = vector.broadcast %parallel_loop3A_262 : i32 to vector<16xi32>
        %parallel_loop3A_264 = arith.shli %parallel_loop3A_261, %parallel_loop3A_263 : vector<16xi32>
        %parallel_loop3A_265 = vector.bitcast %parallel_loop3A_264 : vector<16xi32> to vector<16xf32>
        %parallel_loop3A_266 = arith.addf %parallel_loop3A_223, %parallel_loop3A_265 : vector<16xf32>
        %parallel_loop3A_267 = arith.constant 8 : i32
        %parallel_loop3A_268 = arith.muli %parallel_loop3A_173, %parallel_loop3A_267 : i32
        %parallel_loop3A_269 = arith.constant 2 : i32
        %parallel_loop3A_270 = arith.addi %parallel_loop3A_268, %parallel_loop3A_269 : i32
        %parallel_loop3A_271 = arith.index_cast %parallel_loop3A_270 : i32 to index
        %parallel_loop3A_272 = arith.index_cast %parallel_loop3A_107 : i32 to index
        %parallel_loop3A_273 = tpu.vector_load %arg10[%parallel_loop3A_271, %parallel_loop3A_272] {strides = array<i32>} : memref<200x512xi32, #tpu.memory_space<vmem>>, vector<16xi32>,
        %parallel_loop3A_274 = tpu.vector_load_idx %arg6[%parallel_loop3A_273] : memref<1024xi32, #tpu.memory_space<vmem>>[vector<16xi32>], vector<16xi32>,
        %parallel_loop3A_275 = arith.constant 16 : i32
        %parallel_loop3A_276 = vector.broadcast %parallel_loop3A_275 : i32 to vector<16xi32>
        %parallel_loop3A_277 = arith.shli %parallel_loop3A_274, %parallel_loop3A_276 : vector<16xi32>
        %parallel_loop3A_278 = vector.bitcast %parallel_loop3A_277 : vector<16xi32> to vector<16xf32>
        %parallel_loop3A_279 = arith.addf %parallel_loop3A_236, %parallel_loop3A_278 : vector<16xf32>
        %parallel_loop3A_280 = vector.broadcast %squeeze3A : i32 to vector<16xi32>
        %parallel_loop3A_281 = arith.andi %parallel_loop3A_274, %parallel_loop3A_280 : vector<16xi32>
        %parallel_loop3A_282 = vector.bitcast %parallel_loop3A_281 : vector<16xi32> to vector<16xf32>
        %parallel_loop3A_283 = arith.addf %parallel_loop3A_240, %parallel_loop3A_282 : vector<16xf32>
        %parallel_loop3A_284 = tpu.vector_load_idx %arg7[%parallel_loop3A_273] : memref<1024xi32, #tpu.memory_space<vmem>>[vector<16xi32>], vector<16xi32>,
        %parallel_loop3A_285 = arith.constant 16 : i32
        %parallel_loop3A_286 = vector.broadcast %parallel_loop3A_285 : i32 to vector<16xi32>
        %parallel_loop3A_287 = arith.shli %parallel_loop3A_284, %parallel_loop3A_286 : vector<16xi32>
        %parallel_loop3A_288 = vector.bitcast %parallel_loop3A_287 : vector<16xi32> to vector<16xf32>
        %parallel_loop3A_289 = arith.addf %parallel_loop3A_246, %parallel_loop3A_288 : vector<16xf32>
        %parallel_loop3A_290 = vector.broadcast %squeeze3A : i32 to vector<16xi32>
        %parallel_loop3A_291 = arith.andi %parallel_loop3A_284, %parallel_loop3A_290 : vector<16xi32>
        %parallel_loop3A_292 = vector.bitcast %parallel_loop3A_291 : vector<16xi32> to vector<16xf32>
        %parallel_loop3A_293 = arith.addf %parallel_loop3A_250, %parallel_loop3A_292 : vector<16xf32>
        %parallel_loop3A_294 = tpu.vector_load_idx %arg8[%parallel_loop3A_273] : memref<1024xi32, #tpu.memory_space<vmem>>[vector<16xi32>], vector<16xi32>,
        %parallel_loop3A_295 = arith.constant 16 : i32
        %parallel_loop3A_296 = vector.broadcast %parallel_loop3A_295 : i32 to vector<16xi32>
        %parallel_loop3A_297 = arith.shli %parallel_loop3A_294, %parallel_loop3A_296 : vector<16xi32>
        %parallel_loop3A_298 = vector.bitcast %parallel_loop3A_297 : vector<16xi32> to vector<16xf32>
        %parallel_loop3A_299 = arith.addf %parallel_loop3A_256, %parallel_loop3A_298 : vector<16xf32>
        %parallel_loop3A_300 = vector.broadcast %squeeze3A : i32 to vector<16xi32>
        %parallel_loop3A_301 = arith.andi %parallel_loop3A_294, %parallel_loop3A_300 : vector<16xi32>
        %parallel_loop3A_302 = vector.bitcast %parallel_loop3A_301 : vector<16xi32> to vector<16xf32>
        %parallel_loop3A_303 = arith.addf %parallel_loop3A_260, %parallel_loop3A_302 : vector<16xf32>
        %parallel_loop3A_304 = tpu.vector_load_idx %arg9[%parallel_loop3A_273] : memref<1024xi32, #tpu.memory_space<vmem>>[vector<16xi32>], vector<16xi32>,
        %parallel_loop3A_305 = arith.constant 16 : i32
        %parallel_loop3A_306 = vector.broadcast %parallel_loop3A_305 : i32 to vector<16xi32>
        %parallel_loop3A_307 = arith.shli %parallel_loop3A_304, %parallel_loop3A_306 : vector<16xi32>
        %parallel_loop3A_308 = vector.bitcast %parallel_loop3A_307 : vector<16xi32> to vector<16xf32>
        %parallel_loop3A_309 = arith.addf %parallel_loop3A_266, %parallel_loop3A_308 : vector<16xf32>
        %parallel_loop3A_310 = arith.constant 8 : i32
        %parallel_loop3A_311 = arith.muli %parallel_loop3A_173, %parallel_loop3A_310 : i32
        %parallel_loop3A_312 = arith.constant 3 : i32
        %parallel_loop3A_313 = arith.addi %parallel_loop3A_311, %parallel_loop3A_312 : i32
        %parallel_loop3A_314 = arith.index_cast %parallel_loop3A_313 : i32 to index
        %parallel_loop3A_315 = arith.index_cast %parallel_loop3A_107 : i32 to index
        %parallel_loop3A_316 = tpu.vector_load %arg10[%parallel_loop3A_314, %parallel_loop3A_315] {strides = array<i32>} : memref<200x512xi32, #tpu.memory_space<vmem>>, vector<16xi32>,
        %parallel_loop3A_317 = tpu.vector_load_idx %arg6[%parallel_loop3A_316] : memref<1024xi32, #tpu.memory_space<vmem>>[vector<16xi32>], vector<16xi32>,
        %parallel_loop3A_318 = arith.constant 16 : i32
        %parallel_loop3A_319 = vector.broadcast %parallel_loop3A_318 : i32 to vector<16xi32>
        %parallel_loop3A_320 = arith.shli %parallel_loop3A_317, %parallel_loop3A_319 : vector<16xi32>
        %parallel_loop3A_321 = vector.bitcast %parallel_loop3A_320 : vector<16xi32> to vector<16xf32>
        %parallel_loop3A_322 = arith.addf %parallel_loop3A_279, %parallel_loop3A_321 : vector<16xf32>
        %parallel_loop3A_323 = vector.broadcast %squeeze3A : i32 to vector<16xi32>
        %parallel_loop3A_324 = arith.andi %parallel_loop3A_317, %parallel_loop3A_323 : vector<16xi32>
        %parallel_loop3A_325 = vector.bitcast %parallel_loop3A_324 : vector<16xi32> to vector<16xf32>
        %parallel_loop3A_326 = arith.addf %parallel_loop3A_283, %parallel_loop3A_325 : vector<16xf32>
        %parallel_loop3A_327 = tpu.vector_load_idx %arg7[%parallel_loop3A_316] : memref<1024xi32, #tpu.memory_space<vmem>>[vector<16xi32>], vector<16xi32>,
        %parallel_loop3A_328 = arith.constant 16 : i32
        %parallel_loop3A_329 = vector.broadcast %parallel_loop3A_328 : i32 to vector<16xi32>
        %parallel_loop3A_330 = arith.shli %parallel_loop3A_327, %parallel_loop3A_329 : vector<16xi32>
        %parallel_loop3A_331 = vector.bitcast %parallel_loop3A_330 : vector<16xi32> to vector<16xf32>
        %parallel_loop3A_332 = arith.addf %parallel_loop3A_289, %parallel_loop3A_331 : vector<16xf32>
        %parallel_loop3A_333 = vector.broadcast %squeeze3A : i32 to vector<16xi32>
        %parallel_loop3A_334 = arith.andi %parallel_loop3A_327, %parallel_loop3A_333 : vector<16xi32>
        %parallel_loop3A_335 = vector.bitcast %parallel_loop3A_334 : vector<16xi32> to vector<16xf32>
        %parallel_loop3A_336 = arith.addf %parallel_loop3A_293, %parallel_loop3A_335 : vector<16xf32>
        %parallel_loop3A_337 = tpu.vector_load_idx %arg8[%parallel_loop3A_316] : memref<1024xi32, #tpu.memory_space<vmem>>[vector<16xi32>], vector<16xi32>,
        %parallel_loop3A_338 = arith.constant 16 : i32
        %parallel_loop3A_339 = vector.broadcast %parallel_loop3A_338 : i32 to vector<16xi32>
        %parallel_loop3A_340 = arith.shli %parallel_loop3A_337, %parallel_loop3A_339 : vector<16xi32>
        %parallel_loop3A_341 = vector.bitcast %parallel_loop3A_340 : vector<16xi32> to vector<16xf32>
        %parallel_loop3A_342 = arith.addf %parallel_loop3A_299, %parallel_loop3A_341 : vector<16xf32>
        %parallel_loop3A_343 = vector.broadcast %squeeze3A : i32 to vector<16xi32>
        %parallel_loop3A_344 = arith.andi %parallel_loop3A_337, %parallel_loop3A_343 : vector<16xi32>
        %parallel_loop3A_345 = vector.bitcast %parallel_loop3A_344 : vector<16xi32> to vector<16xf32>
        %parallel_loop3A_346 = arith.addf %parallel_loop3A_303, %parallel_loop3A_345 : vector<16xf32>
        %parallel_loop3A_347 = tpu.vector_load_idx %arg9[%parallel_loop3A_316] : memref<1024xi32, #tpu.memory_space<vmem>>[vector<16xi32>], vector<16xi32>,
        %parallel_loop3A_348 = arith.constant 16 : i32
        %parallel_loop3A_349 = vector.broadcast %parallel_loop3A_348 : i32 to vector<16xi32>
        %parallel_loop3A_350 = arith.shli %parallel_loop3A_347, %parallel_loop3A_349 : vector<16xi32>
        %parallel_loop3A_351 = vector.bitcast %parallel_loop3A_350 : vector<16xi32> to vector<16xf32>
        %parallel_loop3A_352 = arith.addf %parallel_loop3A_309, %parallel_loop3A_351 : vector<16xf32>
        %parallel_loop3A_353 = arith.constant 8 : i32
        %parallel_loop3A_354 = arith.muli %parallel_loop3A_173, %parallel_loop3A_353 : i32
        %parallel_loop3A_355 = arith.constant 4 : i32
        %parallel_loop3A_356 = arith.addi %parallel_loop3A_354, %parallel_loop3A_355 : i32
        %parallel_loop3A_357 = arith.index_cast %parallel_loop3A_356 : i32 to index
        %parallel_loop3A_358 = arith.index_cast %parallel_loop3A_107 : i32 to index
        %parallel_loop3A_359 = tpu.vector_load %arg10[%parallel_loop3A_357, %parallel_loop3A_358] {strides = array<i32>} : memref<200x512xi32, #tpu.memory_space<vmem>>, vector<16xi32>,
        %parallel_loop3A_360 = tpu.vector_load_idx %arg6[%parallel_loop3A_359] : memref<1024xi32, #tpu.memory_space<vmem>>[vector<16xi32>], vector<16xi32>,
        %parallel_loop3A_361 = arith.constant 16 : i32
        %parallel_loop3A_362 = vector.broadcast %parallel_loop3A_361 : i32 to vector<16xi32>
        %parallel_loop3A_363 = arith.shli %parallel_loop3A_360, %parallel_loop3A_362 : vector<16xi32>
        %parallel_loop3A_364 = vector.bitcast %parallel_loop3A_363 : vector<16xi32> to vector<16xf32>
        %parallel_loop3A_365 = arith.addf %parallel_loop3A_322, %parallel_loop3A_364 : vector<16xf32>
        %parallel_loop3A_366 = vector.broadcast %squeeze3A : i32 to vector<16xi32>
        %parallel_loop3A_367 = arith.andi %parallel_loop3A_360, %parallel_loop3A_366 : vector<16xi32>
        %parallel_loop3A_368 = vector.bitcast %parallel_loop3A_367 : vector<16xi32> to vector<16xf32>
        %parallel_loop3A_369 = arith.addf %parallel_loop3A_326, %parallel_loop3A_368 : vector<16xf32>
        %parallel_loop3A_370 = tpu.vector_load_idx %arg7[%parallel_loop3A_359] : memref<1024xi32, #tpu.memory_space<vmem>>[vector<16xi32>], vector<16xi32>,
        %parallel_loop3A_371 = arith.constant 16 : i32
        %parallel_loop3A_372 = vector.broadcast %parallel_loop3A_371 : i32 to vector<16xi32>
        %parallel_loop3A_373 = arith.shli %parallel_loop3A_370, %parallel_loop3A_372 : vector<16xi32>
        %parallel_loop3A_374 = vector.bitcast %parallel_loop3A_373 : vector<16xi32> to vector<16xf32>
        %parallel_loop3A_375 = arith.addf %parallel_loop3A_332, %parallel_loop3A_374 : vector<16xf32>
        %parallel_loop3A_376 = vector.broadcast %squeeze3A : i32 to vector<16xi32>
        %parallel_loop3A_377 = arith.andi %parallel_loop3A_370, %parallel_loop3A_376 : vector<16xi32>
        %parallel_loop3A_378 = vector.bitcast %parallel_loop3A_377 : vector<16xi32> to vector<16xf32>
        %parallel_loop3A_379 = arith.addf %parallel_loop3A_336, %parallel_loop3A_378 : vector<16xf32>
        %parallel_loop3A_380 = tpu.vector_load_idx %arg8[%parallel_loop3A_359] : memref<1024xi32, #tpu.memory_space<vmem>>[vector<16xi32>], vector<16xi32>,
        %parallel_loop3A_381 = arith.constant 16 : i32
        %parallel_loop3A_382 = vector.broadcast %parallel_loop3A_381 : i32 to vector<16xi32>
        %parallel_loop3A_383 = arith.shli %parallel_loop3A_380, %parallel_loop3A_382 : vector<16xi32>
        %parallel_loop3A_384 = vector.bitcast %parallel_loop3A_383 : vector<16xi32> to vector<16xf32>
        %parallel_loop3A_385 = arith.addf %parallel_loop3A_342, %parallel_loop3A_384 : vector<16xf32>
        %parallel_loop3A_386 = vector.broadcast %squeeze3A : i32 to vector<16xi32>
        %parallel_loop3A_387 = arith.andi %parallel_loop3A_380, %parallel_loop3A_386 : vector<16xi32>
        %parallel_loop3A_388 = vector.bitcast %parallel_loop3A_387 : vector<16xi32> to vector<16xf32>
        %parallel_loop3A_389 = arith.addf %parallel_loop3A_346, %parallel_loop3A_388 : vector<16xf32>
        %parallel_loop3A_390 = tpu.vector_load_idx %arg9[%parallel_loop3A_359] : memref<1024xi32, #tpu.memory_space<vmem>>[vector<16xi32>], vector<16xi32>,
        %parallel_loop3A_391 = arith.constant 16 : i32
        %parallel_loop3A_392 = vector.broadcast %parallel_loop3A_391 : i32 to vector<16xi32>
        %parallel_loop3A_393 = arith.shli %parallel_loop3A_390, %parallel_loop3A_392 : vector<16xi32>
        %parallel_loop3A_394 = vector.bitcast %parallel_loop3A_393 : vector<16xi32> to vector<16xf32>
        %parallel_loop3A_395 = arith.addf %parallel_loop3A_352, %parallel_loop3A_394 : vector<16xf32>
        %parallel_loop3A_396 = arith.constant 8 : i32
        %parallel_loop3A_397 = arith.muli %parallel_loop3A_173, %parallel_loop3A_396 : i32
        %parallel_loop3A_398 = arith.constant 5 : i32
        %parallel_loop3A_399 = arith.addi %parallel_loop3A_397, %parallel_loop3A_398 : i32
        %parallel_loop3A_400 = arith.index_cast %parallel_loop3A_399 : i32 to index
        %parallel_loop3A_401 = arith.index_cast %parallel_loop3A_107 : i32 to index
        %parallel_loop3A_402 = tpu.vector_load %arg10[%parallel_loop3A_400, %parallel_loop3A_401] {strides = array<i32>} : memref<200x512xi32, #tpu.memory_space<vmem>>, vector<16xi32>,
        %parallel_loop3A_403 = tpu.vector_load_idx %arg6[%parallel_loop3A_402] : memref<1024xi32, #tpu.memory_space<vmem>>[vector<16xi32>], vector<16xi32>,
        %parallel_loop3A_404 = arith.constant 16 : i32
        %parallel_loop3A_405 = vector.broadcast %parallel_loop3A_404 : i32 to vector<16xi32>
        %parallel_loop3A_406 = arith.shli %parallel_loop3A_403, %parallel_loop3A_405 : vector<16xi32>
        %parallel_loop3A_407 = vector.bitcast %parallel_loop3A_406 : vector<16xi32> to vector<16xf32>
        %parallel_loop3A_408 = arith.addf %parallel_loop3A_365, %parallel_loop3A_407 : vector<16xf32>
        %parallel_loop3A_409 = vector.broadcast %squeeze3A : i32 to vector<16xi32>
        %parallel_loop3A_410 = arith.andi %parallel_loop3A_403, %parallel_loop3A_409 : vector<16xi32>
        %parallel_loop3A_411 = vector.bitcast %parallel_loop3A_410 : vector<16xi32> to vector<16xf32>
        %parallel_loop3A_412 = arith.addf %parallel_loop3A_369, %parallel_loop3A_411 : vector<16xf32>
        %parallel_loop3A_413 = tpu.vector_load_idx %arg7[%parallel_loop3A_402] : memref<1024xi32, #tpu.memory_space<vmem>>[vector<16xi32>], vector<16xi32>,
        %parallel_loop3A_414 = arith.constant 16 : i32
        %parallel_loop3A_415 = vector.broadcast %parallel_loop3A_414 : i32 to vector<16xi32>
        %parallel_loop3A_416 = arith.shli %parallel_loop3A_413, %parallel_loop3A_415 : vector<16xi32>
        %parallel_loop3A_417 = vector.bitcast %parallel_loop3A_416 : vector<16xi32> to vector<16xf32>
        %parallel_loop3A_418 = arith.addf %parallel_loop3A_375, %parallel_loop3A_417 : vector<16xf32>
        %parallel_loop3A_419 = vector.broadcast %squeeze3A : i32 to vector<16xi32>
        %parallel_loop3A_420 = arith.andi %parallel_loop3A_413, %parallel_loop3A_419 : vector<16xi32>
        %parallel_loop3A_421 = vector.bitcast %parallel_loop3A_420 : vector<16xi32> to vector<16xf32>
        %parallel_loop3A_422 = arith.addf %parallel_loop3A_379, %parallel_loop3A_421 : vector<16xf32>
        %parallel_loop3A_423 = tpu.vector_load_idx %arg8[%parallel_loop3A_402] : memref<1024xi32, #tpu.memory_space<vmem>>[vector<16xi32>], vector<16xi32>,
        %parallel_loop3A_424 = arith.constant 16 : i32
        %parallel_loop3A_425 = vector.broadcast %parallel_loop3A_424 : i32 to vector<16xi32>
        %parallel_loop3A_426 = arith.shli %parallel_loop3A_423, %parallel_loop3A_425 : vector<16xi32>
        %parallel_loop3A_427 = vector.bitcast %parallel_loop3A_426 : vector<16xi32> to vector<16xf32>
        %parallel_loop3A_428 = arith.addf %parallel_loop3A_385, %parallel_loop3A_427 : vector<16xf32>
        %parallel_loop3A_429 = vector.broadcast %squeeze3A : i32 to vector<16xi32>
        %parallel_loop3A_430 = arith.andi %parallel_loop3A_423, %parallel_loop3A_429 : vector<16xi32>
        %parallel_loop3A_431 = vector.bitcast %parallel_loop3A_430 : vector<16xi32> to vector<16xf32>
        %parallel_loop3A_432 = arith.addf %parallel_loop3A_389, %parallel_loop3A_431 : vector<16xf32>
        %parallel_loop3A_433 = tpu.vector_load_idx %arg9[%parallel_loop3A_402] : memref<1024xi32, #tpu.memory_space<vmem>>[vector<16xi32>], vector<16xi32>,
        %parallel_loop3A_434 = arith.constant 16 : i32
        %parallel_loop3A_435 = vector.broadcast %parallel_loop3A_434 : i32 to vector<16xi32>
        %parallel_loop3A_436 = arith.shli %parallel_loop3A_433, %parallel_loop3A_435 : vector<16xi32>
        %parallel_loop3A_437 = vector.bitcast %parallel_loop3A_436 : vector<16xi32> to vector<16xf32>
        %parallel_loop3A_438 = arith.addf %parallel_loop3A_395, %parallel_loop3A_437 : vector<16xf32>
        %parallel_loop3A_439 = arith.constant 8 : i32
        %parallel_loop3A_440 = arith.muli %parallel_loop3A_173, %parallel_loop3A_439 : i32
        %parallel_loop3A_441 = arith.constant 6 : i32
        %parallel_loop3A_442 = arith.addi %parallel_loop3A_440, %parallel_loop3A_441 : i32
        %parallel_loop3A_443 = arith.index_cast %parallel_loop3A_442 : i32 to index
        %parallel_loop3A_444 = arith.index_cast %parallel_loop3A_107 : i32 to index
        %parallel_loop3A_445 = tpu.vector_load %arg10[%parallel_loop3A_443, %parallel_loop3A_444] {strides = array<i32>} : memref<200x512xi32, #tpu.memory_space<vmem>>, vector<16xi32>,
        %parallel_loop3A_446 = tpu.vector_load_idx %arg6[%parallel_loop3A_445] : memref<1024xi32, #tpu.memory_space<vmem>>[vector<16xi32>], vector<16xi32>,
        %parallel_loop3A_447 = arith.constant 16 : i32
        %parallel_loop3A_448 = vector.broadcast %parallel_loop3A_447 : i32 to vector<16xi32>
        %parallel_loop3A_449 = arith.shli %parallel_loop3A_446, %parallel_loop3A_448 : vector<16xi32>
        %parallel_loop3A_450 = vector.bitcast %parallel_loop3A_449 : vector<16xi32> to vector<16xf32>
        %parallel_loop3A_451 = arith.addf %parallel_loop3A_408, %parallel_loop3A_450 : vector<16xf32>
        %parallel_loop3A_452 = vector.broadcast %squeeze3A : i32 to vector<16xi32>
        %parallel_loop3A_453 = arith.andi %parallel_loop3A_446, %parallel_loop3A_452 : vector<16xi32>
        %parallel_loop3A_454 = vector.bitcast %parallel_loop3A_453 : vector<16xi32> to vector<16xf32>
        %parallel_loop3A_455 = arith.addf %parallel_loop3A_412, %parallel_loop3A_454 : vector<16xf32>
        %parallel_loop3A_456 = tpu.vector_load_idx %arg7[%parallel_loop3A_445] : memref<1024xi32, #tpu.memory_space<vmem>>[vector<16xi32>], vector<16xi32>,
        %parallel_loop3A_457 = arith.constant 16 : i32
        %parallel_loop3A_458 = vector.broadcast %parallel_loop3A_457 : i32 to vector<16xi32>
        %parallel_loop3A_459 = arith.shli %parallel_loop3A_456, %parallel_loop3A_458 : vector<16xi32>
        %parallel_loop3A_460 = vector.bitcast %parallel_loop3A_459 : vector<16xi32> to vector<16xf32>
        %parallel_loop3A_461 = arith.addf %parallel_loop3A_418, %parallel_loop3A_460 : vector<16xf32>
        %parallel_loop3A_462 = vector.broadcast %squeeze3A : i32 to vector<16xi32>
        %parallel_loop3A_463 = arith.andi %parallel_loop3A_456, %parallel_loop3A_462 : vector<16xi32>
        %parallel_loop3A_464 = vector.bitcast %parallel_loop3A_463 : vector<16xi32> to vector<16xf32>
        %parallel_loop3A_465 = arith.addf %parallel_loop3A_422, %parallel_loop3A_464 : vector<16xf32>
        %parallel_loop3A_466 = tpu.vector_load_idx %arg8[%parallel_loop3A_445] : memref<1024xi32, #tpu.memory_space<vmem>>[vector<16xi32>], vector<16xi32>,
        %parallel_loop3A_467 = arith.constant 16 : i32
        %parallel_loop3A_468 = vector.broadcast %parallel_loop3A_467 : i32 to vector<16xi32>
        %parallel_loop3A_469 = arith.shli %parallel_loop3A_466, %parallel_loop3A_468 : vector<16xi32>
        %parallel_loop3A_470 = vector.bitcast %parallel_loop3A_469 : vector<16xi32> to vector<16xf32>
        %parallel_loop3A_471 = arith.addf %parallel_loop3A_428, %parallel_loop3A_470 : vector<16xf32>
        %parallel_loop3A_472 = vector.broadcast %squeeze3A : i32 to vector<16xi32>
        %parallel_loop3A_473 = arith.andi %parallel_loop3A_466, %parallel_loop3A_472 : vector<16xi32>
        %parallel_loop3A_474 = vector.bitcast %parallel_loop3A_473 : vector<16xi32> to vector<16xf32>
        %parallel_loop3A_475 = arith.addf %parallel_loop3A_432, %parallel_loop3A_474 : vector<16xf32>
        %parallel_loop3A_476 = tpu.vector_load_idx %arg9[%parallel_loop3A_445] : memref<1024xi32, #tpu.memory_space<vmem>>[vector<16xi32>], vector<16xi32>,
        %parallel_loop3A_477 = arith.constant 16 : i32
        %parallel_loop3A_478 = vector.broadcast %parallel_loop3A_477 : i32 to vector<16xi32>
        %parallel_loop3A_479 = arith.shli %parallel_loop3A_476, %parallel_loop3A_478 : vector<16xi32>
        %parallel_loop3A_480 = vector.bitcast %parallel_loop3A_479 : vector<16xi32> to vector<16xf32>
        %parallel_loop3A_481 = arith.addf %parallel_loop3A_438, %parallel_loop3A_480 : vector<16xf32>
        %parallel_loop3A_482 = arith.constant 8 : i32
        %parallel_loop3A_483 = arith.muli %parallel_loop3A_173, %parallel_loop3A_482 : i32
        %parallel_loop3A_484 = arith.constant 7 : i32
        %parallel_loop3A_485 = arith.addi %parallel_loop3A_483, %parallel_loop3A_484 : i32
        %parallel_loop3A_486 = arith.index_cast %parallel_loop3A_485 : i32 to index
        %parallel_loop3A_487 = arith.index_cast %parallel_loop3A_107 : i32 to index
        %parallel_loop3A_488 = tpu.vector_load %arg10[%parallel_loop3A_486, %parallel_loop3A_487] {strides = array<i32>} : memref<200x512xi32, #tpu.memory_space<vmem>>, vector<16xi32>,
        %parallel_loop3A_489 = tpu.vector_load_idx %arg6[%parallel_loop3A_488] : memref<1024xi32, #tpu.memory_space<vmem>>[vector<16xi32>], vector<16xi32>,
        %parallel_loop3A_490 = arith.constant 16 : i32
        %parallel_loop3A_491 = vector.broadcast %parallel_loop3A_490 : i32 to vector<16xi32>
        %parallel_loop3A_492 = arith.shli %parallel_loop3A_489, %parallel_loop3A_491 : vector<16xi32>
        %parallel_loop3A_493 = vector.bitcast %parallel_loop3A_492 : vector<16xi32> to vector<16xf32>
        %parallel_loop3A_494 = arith.addf %parallel_loop3A_451, %parallel_loop3A_493 : vector<16xf32>
        %parallel_loop3A_495 = vector.broadcast %squeeze3A : i32 to vector<16xi32>
        %parallel_loop3A_496 = arith.andi %parallel_loop3A_489, %parallel_loop3A_495 : vector<16xi32>
        %parallel_loop3A_497 = vector.bitcast %parallel_loop3A_496 : vector<16xi32> to vector<16xf32>
        %parallel_loop3A_498 = arith.addf %parallel_loop3A_455, %parallel_loop3A_497 : vector<16xf32>
        %parallel_loop3A_499 = tpu.vector_load_idx %arg7[%parallel_loop3A_488] : memref<1024xi32, #tpu.memory_space<vmem>>[vector<16xi32>], vector<16xi32>,
        %parallel_loop3A_500 = arith.constant 16 : i32
        %parallel_loop3A_501 = vector.broadcast %parallel_loop3A_500 : i32 to vector<16xi32>
        %parallel_loop3A_502 = arith.shli %parallel_loop3A_499, %parallel_loop3A_501 : vector<16xi32>
        %parallel_loop3A_503 = vector.bitcast %parallel_loop3A_502 : vector<16xi32> to vector<16xf32>
        %parallel_loop3A_504 = arith.addf %parallel_loop3A_461, %parallel_loop3A_503 : vector<16xf32>
        %parallel_loop3A_505 = vector.broadcast %squeeze3A : i32 to vector<16xi32>
        %parallel_loop3A_506 = arith.andi %parallel_loop3A_499, %parallel_loop3A_505 : vector<16xi32>
        %parallel_loop3A_507 = vector.bitcast %parallel_loop3A_506 : vector<16xi32> to vector<16xf32>
        %parallel_loop3A_508 = arith.addf %parallel_loop3A_465, %parallel_loop3A_507 : vector<16xf32>
        %parallel_loop3A_509 = tpu.vector_load_idx %arg8[%parallel_loop3A_488] : memref<1024xi32, #tpu.memory_space<vmem>>[vector<16xi32>], vector<16xi32>,
        %parallel_loop3A_510 = arith.constant 16 : i32
        %parallel_loop3A_511 = vector.broadcast %parallel_loop3A_510 : i32 to vector<16xi32>
        %parallel_loop3A_512 = arith.shli %parallel_loop3A_509, %parallel_loop3A_511 : vector<16xi32>
        %parallel_loop3A_513 = vector.bitcast %parallel_loop3A_512 : vector<16xi32> to vector<16xf32>
        %parallel_loop3A_514 = arith.addf %parallel_loop3A_471, %parallel_loop3A_513 : vector<16xf32>
        %parallel_loop3A_515 = vector.broadcast %squeeze3A : i32 to vector<16xi32>
        %parallel_loop3A_516 = arith.andi %parallel_loop3A_509, %parallel_loop3A_515 : vector<16xi32>
        %parallel_loop3A_517 = vector.bitcast %parallel_loop3A_516 : vector<16xi32> to vector<16xf32>
        %parallel_loop3A_518 = arith.addf %parallel_loop3A_475, %parallel_loop3A_517 : vector<16xf32>
        %parallel_loop3A_519 = tpu.vector_load_idx %arg9[%parallel_loop3A_488] : memref<1024xi32, #tpu.memory_space<vmem>>[vector<16xi32>], vector<16xi32>,
        %parallel_loop3A_520 = arith.constant 16 : i32
        %parallel_loop3A_521 = vector.broadcast %parallel_loop3A_520 : i32 to vector<16xi32>
        %parallel_loop3A_522 = arith.shli %parallel_loop3A_519, %parallel_loop3A_521 : vector<16xi32>
        %parallel_loop3A_523 = vector.bitcast %parallel_loop3A_522 : vector<16xi32> to vector<16xf32>
        %parallel_loop3A_524 = arith.addf %parallel_loop3A_481, %parallel_loop3A_523 : vector<16xf32>
        scf.yield %parallel_loop3A_494, %parallel_loop3A_498, %parallel_loop3A_504, %parallel_loop3A_508, %parallel_loop3A_514, %parallel_loop3A_518, %parallel_loop3A_524 : vector<16xf32>, vector<16xf32>, vector<16xf32>, vector<16xf32>, vector<16xf32>, vector<16xf32>, vector<16xf32>
      } {sc.loop_unroll_factor = 1 : i64, sc.parallel_access}
      %parallel_loop3A_112 = arith.maximumf %parallel_loop3A_111#0, %parallel_loop3A_111#1 : vector<16xf32>
      %parallel_loop3A_113 = arith.maximumf %parallel_loop3A_112, %parallel_loop3A_111#2 : vector<16xf32>
      %parallel_loop3A_114 = arith.maximumf %parallel_loop3A_113, %parallel_loop3A_111#3 : vector<16xf32>
      %parallel_loop3A_115 = arith.maximumf %parallel_loop3A_114, %parallel_loop3A_111#4 : vector<16xf32>
      %parallel_loop3A_116 = arith.maximumf %parallel_loop3A_115, %parallel_loop3A_111#5 : vector<16xf32>
      %parallel_loop3A_117 = arith.maximumf %parallel_loop3A_116, %parallel_loop3A_111#6 : vector<16xf32>
      %parallel_loop3A_118 = arith.subf %parallel_loop3A_111#0, %parallel_loop3A_117 : vector<16xf32>
      %parallel_loop3A_119 = math.exp %parallel_loop3A_118 : vector<16xf32>
      %parallel_loop3A_120 = arith.subf %parallel_loop3A_111#1, %parallel_loop3A_117 : vector<16xf32>
      %parallel_loop3A_121 = math.exp %parallel_loop3A_120 : vector<16xf32>
      %parallel_loop3A_122 = arith.subf %parallel_loop3A_111#2, %parallel_loop3A_117 : vector<16xf32>
      %parallel_loop3A_123 = math.exp %parallel_loop3A_122 : vector<16xf32>
      %parallel_loop3A_124 = arith.subf %parallel_loop3A_111#3, %parallel_loop3A_117 : vector<16xf32>
      %parallel_loop3A_125 = math.exp %parallel_loop3A_124 : vector<16xf32>
      %parallel_loop3A_126 = arith.subf %parallel_loop3A_111#4, %parallel_loop3A_117 : vector<16xf32>
      %parallel_loop3A_127 = math.exp %parallel_loop3A_126 : vector<16xf32>
      %parallel_loop3A_128 = arith.subf %parallel_loop3A_111#5, %parallel_loop3A_117 : vector<16xf32>
      %parallel_loop3A_129 = math.exp %parallel_loop3A_128 : vector<16xf32>
      %parallel_loop3A_130 = arith.subf %parallel_loop3A_111#6, %parallel_loop3A_117 : vector<16xf32>
      %parallel_loop3A_131 = math.exp %parallel_loop3A_130 : vector<16xf32>
      %parallel_loop3A_132 = arith.addf %parallel_loop3A_119, %parallel_loop3A_121 : vector<16xf32>
      %parallel_loop3A_133 = arith.addf %parallel_loop3A_132, %parallel_loop3A_123 : vector<16xf32>
      %parallel_loop3A_134 = arith.addf %parallel_loop3A_133, %parallel_loop3A_125 : vector<16xf32>
      %parallel_loop3A_135 = arith.addf %parallel_loop3A_134, %parallel_loop3A_127 : vector<16xf32>
      %parallel_loop3A_136 = arith.addf %parallel_loop3A_135, %parallel_loop3A_129 : vector<16xf32>
      %parallel_loop3A_137 = arith.addf %parallel_loop3A_136, %parallel_loop3A_131 : vector<16xf32>
      %parallel_loop3A_138 = arith.divf %parallel_loop3A_119, %parallel_loop3A_137 : vector<16xf32>
      %parallel_loop3A_139 = arith.constant 0 : i32
      %parallel_loop3A_140 = arith.index_cast %parallel_loop3A_139 : i32 to index
      %parallel_loop3A_141 = arith.index_cast %parallel_loop3A_107 : i32 to index
      %parallel_loop3A_142 = tpu.vector_load %arg11[%parallel_loop3A_140, %parallel_loop3A_141] {strides = array<i32>} : memref<7x512xf32, #tpu.memory_space<vmem>>, vector<16xf32>,
      tpu.vector_store %arg11[%parallel_loop3A_140, %parallel_loop3A_141], %parallel_loop3A_138 {strides = array<i32>} : memref<7x512xf32, #tpu.memory_space<vmem>>, vector<16xf32>,
      %parallel_loop3A_143 = arith.divf %parallel_loop3A_121, %parallel_loop3A_137 : vector<16xf32>
      %parallel_loop3A_144 = arith.constant 1 : i32
      %parallel_loop3A_145 = arith.index_cast %parallel_loop3A_144 : i32 to index
      %parallel_loop3A_146 = arith.index_cast %parallel_loop3A_107 : i32 to index
      %parallel_loop3A_147 = tpu.vector_load %arg11[%parallel_loop3A_145, %parallel_loop3A_146] {strides = array<i32>} : memref<7x512xf32, #tpu.memory_space<vmem>>, vector<16xf32>,
      tpu.vector_store %arg11[%parallel_loop3A_145, %parallel_loop3A_146], %parallel_loop3A_143 {strides = array<i32>} : memref<7x512xf32, #tpu.memory_space<vmem>>, vector<16xf32>,
      %parallel_loop3A_148 = arith.divf %parallel_loop3A_123, %parallel_loop3A_137 : vector<16xf32>
      %parallel_loop3A_149 = arith.constant 2 : i32
      %parallel_loop3A_150 = arith.index_cast %parallel_loop3A_149 : i32 to index
      %parallel_loop3A_151 = arith.index_cast %parallel_loop3A_107 : i32 to index
      %parallel_loop3A_152 = tpu.vector_load %arg11[%parallel_loop3A_150, %parallel_loop3A_151] {strides = array<i32>} : memref<7x512xf32, #tpu.memory_space<vmem>>, vector<16xf32>,
      tpu.vector_store %arg11[%parallel_loop3A_150, %parallel_loop3A_151], %parallel_loop3A_148 {strides = array<i32>} : memref<7x512xf32, #tpu.memory_space<vmem>>, vector<16xf32>,
      %parallel_loop3A_153 = arith.divf %parallel_loop3A_125, %parallel_loop3A_137 : vector<16xf32>
      %parallel_loop3A_154 = arith.constant 3 : i32
      %parallel_loop3A_155 = arith.index_cast %parallel_loop3A_154 : i32 to index
      %parallel_loop3A_156 = arith.index_cast %parallel_loop3A_107 : i32 to index
      %parallel_loop3A_157 = tpu.vector_load %arg11[%parallel_loop3A_155, %parallel_loop3A_156] {strides = array<i32>} : memref<7x512xf32, #tpu.memory_space<vmem>>, vector<16xf32>,
      tpu.vector_store %arg11[%parallel_loop3A_155, %parallel_loop3A_156], %parallel_loop3A_153 {strides = array<i32>} : memref<7x512xf32, #tpu.memory_space<vmem>>, vector<16xf32>,
      %parallel_loop3A_158 = arith.divf %parallel_loop3A_127, %parallel_loop3A_137 : vector<16xf32>
      %parallel_loop3A_159 = arith.constant 4 : i32
      %parallel_loop3A_160 = arith.index_cast %parallel_loop3A_159 : i32 to index
      %parallel_loop3A_161 = arith.index_cast %parallel_loop3A_107 : i32 to index
      %parallel_loop3A_162 = tpu.vector_load %arg11[%parallel_loop3A_160, %parallel_loop3A_161] {strides = array<i32>} : memref<7x512xf32, #tpu.memory_space<vmem>>, vector<16xf32>,
      tpu.vector_store %arg11[%parallel_loop3A_160, %parallel_loop3A_161], %parallel_loop3A_158 {strides = array<i32>} : memref<7x512xf32, #tpu.memory_space<vmem>>, vector<16xf32>,
      %parallel_loop3A_163 = arith.divf %parallel_loop3A_129, %parallel_loop3A_137 : vector<16xf32>
      %parallel_loop3A_164 = arith.constant 5 : i32
      %parallel_loop3A_165 = arith.index_cast %parallel_loop3A_164 : i32 to index
      %parallel_loop3A_166 = arith.index_cast %parallel_loop3A_107 : i32 to index
      %parallel_loop3A_167 = tpu.vector_load %arg11[%parallel_loop3A_165, %parallel_loop3A_166] {strides = array<i32>} : memref<7x512xf32, #tpu.memory_space<vmem>>, vector<16xf32>,
      tpu.vector_store %arg11[%parallel_loop3A_165, %parallel_loop3A_166], %parallel_loop3A_163 {strides = array<i32>} : memref<7x512xf32, #tpu.memory_space<vmem>>, vector<16xf32>,
      %parallel_loop3A_168 = arith.divf %parallel_loop3A_131, %parallel_loop3A_137 : vector<16xf32>
      %parallel_loop3A_169 = arith.constant 6 : i32
      %parallel_loop3A_170 = arith.index_cast %parallel_loop3A_169 : i32 to index
      %parallel_loop3A_171 = arith.index_cast %parallel_loop3A_107 : i32 to index
      %parallel_loop3A_172 = tpu.vector_load %arg11[%parallel_loop3A_170, %parallel_loop3A_171] {strides = array<i32>} : memref<7x512xf32, #tpu.memory_space<vmem>>, vector<16xf32>,
      tpu.vector_store %arg11[%parallel_loop3A_170, %parallel_loop3A_171], %parallel_loop3A_168 {strides = array<i32>} : memref<7x512xf32, #tpu.memory_space<vmem>>, vector<16xf32>,
    } {sc.loop_unroll_factor = 1 : i64, sc.parallel_access}
    %dma_wait3A_66 = arith.constant 0 : i32
    %dma_wait3A_67 = arith.constant 128 : i32
    %dma_wait3A_68 = tpu.memref_slice %arg10[%dma_wait3A_66, %dma_wait3A_67] : memref<200x512xi32, #tpu.memory_space<vmem>> -> memref<200x128xi32, #tpu.memory_space<vmem>>
    %dma_wait3A_69 = arith.constant 0 : i32
    %dma_wait3A_70 = tpu.memref_slice %arg3[%dma_wait3A_69, %add3A_16] : memref<200x16384xi32, #tpu.memory_space<hbm>> -> memref<200x128xi32, #tpu.memory_space<hbm>>
    %dma_wait3A_71 = arith.constant 0 : i32
    %dma_wait3A_72 = arith.constant 128 : i32
    %dma_wait3A_73 = tpu.memref_slice %arg10[%dma_wait3A_71, %dma_wait3A_72] : memref<200x512xi32, #tpu.memory_space<vmem>> -> memref<200x128xi32, #tpu.memory_space<vmem>>
    %dma_wait3A_74 = arith.constant 0 : i32
    %dma_wait3A_75 = tpu.memref_slice %arg3[%dma_wait3A_74, %add3A_16] : memref<200x16384xi32, #tpu.memory_space<hbm>> -> memref<200x128xi32, #tpu.memory_space<hbm>>
    tpu.wait_dma2 semaphore(%arg13 : memref<!tpu.dma_semaphore, #tpu.memory_space<semaphore_mem>>) src(%dma_wait3A_75 : memref<200x128xi32, #tpu.memory_space<hbm>>) dst(%dma_wait3A_73 : memref<200x128xi32, #tpu.memory_space<vmem>>)
    %parallel_loop3A_76 = arith.constant 8 : i32
    %parallel_loop3A_77 = arith.constant 16 : i32
    %parallel_loop3A_78 = arith.constant 1 : i32
    scf.for %parallel_loop3A_105 = %parallel_loop3A_76 to %parallel_loop3A_77 step %parallel_loop3A_78  : i32 {
      %parallel_loop3A_106 = arith.constant 16 : i32
      %parallel_loop3A_107 = arith.muli %parallel_loop3A_105, %parallel_loop3A_106 : i32
      %parallel_loop3A_108 = arith.constant 0 : i32
      %parallel_loop3A_109 = arith.constant 25 : i32
      %parallel_loop3A_110 = arith.constant 1 : i32
      %parallel_loop3A_111:7 = scf.for %parallel_loop3A_173 = %parallel_loop3A_108 to %parallel_loop3A_109 step %parallel_loop3A_110 iter_args(%parallel_loop3A_174 = %broadcast_in_dim3A_54, %parallel_loop3A_175 = %broadcast_in_dim3A_54, %parallel_loop3A_176 = %broadcast_in_dim3A_54, %parallel_loop3A_177 = %broadcast_in_dim3A_54, %parallel_loop3A_178 = %broadcast_in_dim3A_54, %parallel_loop3A_179 = %broadcast_in_dim3A_54, %parallel_loop3A_180 = %broadcast_in_dim3A_54) -> (vector<16xf32>, vector<16xf32>, vector<16xf32>, vector<16xf32>, vector<16xf32>, vector<16xf32>, vector<16xf32>)  : i32 {
        %parallel_loop3A_181 = arith.constant 8 : i32
        %parallel_loop3A_182 = arith.muli %parallel_loop3A_173, %parallel_loop3A_181 : i32
        %parallel_loop3A_183 = arith.constant 0 : i32
        %parallel_loop3A_184 = arith.addi %parallel_loop3A_182, %parallel_loop3A_183 : i32
        %parallel_loop3A_185 = arith.index_cast %parallel_loop3A_184 : i32 to index
        %parallel_loop3A_186 = arith.index_cast %parallel_loop3A_107 : i32 to index
        %parallel_loop3A_187 = tpu.vector_load %arg10[%parallel_loop3A_185, %parallel_loop3A_186] {strides = array<i32>} : memref<200x512xi32, #tpu.memory_space<vmem>>, vector<16xi32>,
        %parallel_loop3A_188 = tpu.vector_load_idx %arg6[%parallel_loop3A_187] : memref<1024xi32, #tpu.memory_space<vmem>>[vector<16xi32>], vector<16xi32>,
        %parallel_loop3A_189 = arith.constant 16 : i32
        %parallel_loop3A_190 = vector.broadcast %parallel_loop3A_189 : i32 to vector<16xi32>
        %parallel_loop3A_191 = arith.shli %parallel_loop3A_188, %parallel_loop3A_190 : vector<16xi32>
        %parallel_loop3A_192 = vector.bitcast %parallel_loop3A_191 : vector<16xi32> to vector<16xf32>
        %parallel_loop3A_193 = arith.addf %parallel_loop3A_174, %parallel_loop3A_192 : vector<16xf32>
        %parallel_loop3A_194 = vector.broadcast %squeeze3A : i32 to vector<16xi32>
        %parallel_loop3A_195 = arith.andi %parallel_loop3A_188, %parallel_loop3A_194 : vector<16xi32>
        %parallel_loop3A_196 = vector.bitcast %parallel_loop3A_195 : vector<16xi32> to vector<16xf32>
        %parallel_loop3A_197 = arith.addf %parallel_loop3A_175, %parallel_loop3A_196 : vector<16xf32>
        %parallel_loop3A_198 = tpu.vector_load_idx %arg7[%parallel_loop3A_187] : memref<1024xi32, #tpu.memory_space<vmem>>[vector<16xi32>], vector<16xi32>,
        %parallel_loop3A_199 = arith.constant 16 : i32
        %parallel_loop3A_200 = vector.broadcast %parallel_loop3A_199 : i32 to vector<16xi32>
        %parallel_loop3A_201 = arith.shli %parallel_loop3A_198, %parallel_loop3A_200 : vector<16xi32>
        %parallel_loop3A_202 = vector.bitcast %parallel_loop3A_201 : vector<16xi32> to vector<16xf32>
        %parallel_loop3A_203 = arith.addf %parallel_loop3A_176, %parallel_loop3A_202 : vector<16xf32>
        %parallel_loop3A_204 = vector.broadcast %squeeze3A : i32 to vector<16xi32>
        %parallel_loop3A_205 = arith.andi %parallel_loop3A_198, %parallel_loop3A_204 : vector<16xi32>
        %parallel_loop3A_206 = vector.bitcast %parallel_loop3A_205 : vector<16xi32> to vector<16xf32>
        %parallel_loop3A_207 = arith.addf %parallel_loop3A_177, %parallel_loop3A_206 : vector<16xf32>
        %parallel_loop3A_208 = tpu.vector_load_idx %arg8[%parallel_loop3A_187] : memref<1024xi32, #tpu.memory_space<vmem>>[vector<16xi32>], vector<16xi32>,
        %parallel_loop3A_209 = arith.constant 16 : i32
        %parallel_loop3A_210 = vector.broadcast %parallel_loop3A_209 : i32 to vector<16xi32>
        %parallel_loop3A_211 = arith.shli %parallel_loop3A_208, %parallel_loop3A_210 : vector<16xi32>
        %parallel_loop3A_212 = vector.bitcast %parallel_loop3A_211 : vector<16xi32> to vector<16xf32>
        %parallel_loop3A_213 = arith.addf %parallel_loop3A_178, %parallel_loop3A_212 : vector<16xf32>
        %parallel_loop3A_214 = vector.broadcast %squeeze3A : i32 to vector<16xi32>
        %parallel_loop3A_215 = arith.andi %parallel_loop3A_208, %parallel_loop3A_214 : vector<16xi32>
        %parallel_loop3A_216 = vector.bitcast %parallel_loop3A_215 : vector<16xi32> to vector<16xf32>
        %parallel_loop3A_217 = arith.addf %parallel_loop3A_179, %parallel_loop3A_216 : vector<16xf32>
        %parallel_loop3A_218 = tpu.vector_load_idx %arg9[%parallel_loop3A_187] : memref<1024xi32, #tpu.memory_space<vmem>>[vector<16xi32>], vector<16xi32>,
        %parallel_loop3A_219 = arith.constant 16 : i32
        %parallel_loop3A_220 = vector.broadcast %parallel_loop3A_219 : i32 to vector<16xi32>
        %parallel_loop3A_221 = arith.shli %parallel_loop3A_218, %parallel_loop3A_220 : vector<16xi32>
        %parallel_loop3A_222 = vector.bitcast %parallel_loop3A_221 : vector<16xi32> to vector<16xf32>
        %parallel_loop3A_223 = arith.addf %parallel_loop3A_180, %parallel_loop3A_222 : vector<16xf32>
        %parallel_loop3A_224 = arith.constant 8 : i32
        %parallel_loop3A_225 = arith.muli %parallel_loop3A_173, %parallel_loop3A_224 : i32
        %parallel_loop3A_226 = arith.constant 1 : i32
        %parallel_loop3A_227 = arith.addi %parallel_loop3A_225, %parallel_loop3A_226 : i32
        %parallel_loop3A_228 = arith.index_cast %parallel_loop3A_227 : i32 to index
        %parallel_loop3A_229 = arith.index_cast %parallel_loop3A_107 : i32 to index
        %parallel_loop3A_230 = tpu.vector_load %arg10[%parallel_loop3A_228, %parallel_loop3A_229] {strides = array<i32>} : memref<200x512xi32, #tpu.memory_space<vmem>>, vector<16xi32>,
        %parallel_loop3A_231 = tpu.vector_load_idx %arg6[%parallel_loop3A_230] : memref<1024xi32, #tpu.memory_space<vmem>>[vector<16xi32>], vector<16xi32>,
        %parallel_loop3A_232 = arith.constant 16 : i32
        %parallel_loop3A_233 = vector.broadcast %parallel_loop3A_232 : i32 to vector<16xi32>
        %parallel_loop3A_234 = arith.shli %parallel_loop3A_231, %parallel_loop3A_233 : vector<16xi32>
        %parallel_loop3A_235 = vector.bitcast %parallel_loop3A_234 : vector<16xi32> to vector<16xf32>
        %parallel_loop3A_236 = arith.addf %parallel_loop3A_193, %parallel_loop3A_235 : vector<16xf32>
        %parallel_loop3A_237 = vector.broadcast %squeeze3A : i32 to vector<16xi32>
        %parallel_loop3A_238 = arith.andi %parallel_loop3A_231, %parallel_loop3A_237 : vector<16xi32>
        %parallel_loop3A_239 = vector.bitcast %parallel_loop3A_238 : vector<16xi32> to vector<16xf32>
        %parallel_loop3A_240 = arith.addf %parallel_loop3A_197, %parallel_loop3A_239 : vector<16xf32>
        %parallel_loop3A_241 = tpu.vector_load_idx %arg7[%parallel_loop3A_230] : memref<1024xi32, #tpu.memory_space<vmem>>[vector<16xi32>], vector<16xi32>,
        %parallel_loop3A_242 = arith.constant 16 : i32
        %parallel_loop3A_243 = vector.broadcast %parallel_loop3A_242 : i32 to vector<16xi32>
        %parallel_loop3A_244 = arith.shli %parallel_loop3A_241, %parallel_loop3A_243 : vector<16xi32>
        %parallel_loop3A_245 = vector.bitcast %parallel_loop3A_244 : vector<16xi32> to vector<16xf32>
        %parallel_loop3A_246 = arith.addf %parallel_loop3A_203, %parallel_loop3A_245 : vector<16xf32>
        %parallel_loop3A_247 = vector.broadcast %squeeze3A : i32 to vector<16xi32>
        %parallel_loop3A_248 = arith.andi %parallel_loop3A_241, %parallel_loop3A_247 : vector<16xi32>
        %parallel_loop3A_249 = vector.bitcast %parallel_loop3A_248 : vector<16xi32> to vector<16xf32>
        %parallel_loop3A_250 = arith.addf %parallel_loop3A_207, %parallel_loop3A_249 : vector<16xf32>
        %parallel_loop3A_251 = tpu.vector_load_idx %arg8[%parallel_loop3A_230] : memref<1024xi32, #tpu.memory_space<vmem>>[vector<16xi32>], vector<16xi32>,
        %parallel_loop3A_252 = arith.constant 16 : i32
        %parallel_loop3A_253 = vector.broadcast %parallel_loop3A_252 : i32 to vector<16xi32>
        %parallel_loop3A_254 = arith.shli %parallel_loop3A_251, %parallel_loop3A_253 : vector<16xi32>
        %parallel_loop3A_255 = vector.bitcast %parallel_loop3A_254 : vector<16xi32> to vector<16xf32>
        %parallel_loop3A_256 = arith.addf %parallel_loop3A_213, %parallel_loop3A_255 : vector<16xf32>
        %parallel_loop3A_257 = vector.broadcast %squeeze3A : i32 to vector<16xi32>
        %parallel_loop3A_258 = arith.andi %parallel_loop3A_251, %parallel_loop3A_257 : vector<16xi32>
        %parallel_loop3A_259 = vector.bitcast %parallel_loop3A_258 : vector<16xi32> to vector<16xf32>
        %parallel_loop3A_260 = arith.addf %parallel_loop3A_217, %parallel_loop3A_259 : vector<16xf32>
        %parallel_loop3A_261 = tpu.vector_load_idx %arg9[%parallel_loop3A_230] : memref<1024xi32, #tpu.memory_space<vmem>>[vector<16xi32>], vector<16xi32>,
        %parallel_loop3A_262 = arith.constant 16 : i32
        %parallel_loop3A_263 = vector.broadcast %parallel_loop3A_262 : i32 to vector<16xi32>
        %parallel_loop3A_264 = arith.shli %parallel_loop3A_261, %parallel_loop3A_263 : vector<16xi32>
        %parallel_loop3A_265 = vector.bitcast %parallel_loop3A_264 : vector<16xi32> to vector<16xf32>
        %parallel_loop3A_266 = arith.addf %parallel_loop3A_223, %parallel_loop3A_265 : vector<16xf32>
        %parallel_loop3A_267 = arith.constant 8 : i32
        %parallel_loop3A_268 = arith.muli %parallel_loop3A_173, %parallel_loop3A_267 : i32
        %parallel_loop3A_269 = arith.constant 2 : i32
        %parallel_loop3A_270 = arith.addi %parallel_loop3A_268, %parallel_loop3A_269 : i32
        %parallel_loop3A_271 = arith.index_cast %parallel_loop3A_270 : i32 to index
        %parallel_loop3A_272 = arith.index_cast %parallel_loop3A_107 : i32 to index
        %parallel_loop3A_273 = tpu.vector_load %arg10[%parallel_loop3A_271, %parallel_loop3A_272] {strides = array<i32>} : memref<200x512xi32, #tpu.memory_space<vmem>>, vector<16xi32>,
        %parallel_loop3A_274 = tpu.vector_load_idx %arg6[%parallel_loop3A_273] : memref<1024xi32, #tpu.memory_space<vmem>>[vector<16xi32>], vector<16xi32>,
        %parallel_loop3A_275 = arith.constant 16 : i32
        %parallel_loop3A_276 = vector.broadcast %parallel_loop3A_275 : i32 to vector<16xi32>
        %parallel_loop3A_277 = arith.shli %parallel_loop3A_274, %parallel_loop3A_276 : vector<16xi32>
        %parallel_loop3A_278 = vector.bitcast %parallel_loop3A_277 : vector<16xi32> to vector<16xf32>
        %parallel_loop3A_279 = arith.addf %parallel_loop3A_236, %parallel_loop3A_278 : vector<16xf32>
        %parallel_loop3A_280 = vector.broadcast %squeeze3A : i32 to vector<16xi32>
        %parallel_loop3A_281 = arith.andi %parallel_loop3A_274, %parallel_loop3A_280 : vector<16xi32>
        %parallel_loop3A_282 = vector.bitcast %parallel_loop3A_281 : vector<16xi32> to vector<16xf32>
        %parallel_loop3A_283 = arith.addf %parallel_loop3A_240, %parallel_loop3A_282 : vector<16xf32>
        %parallel_loop3A_284 = tpu.vector_load_idx %arg7[%parallel_loop3A_273] : memref<1024xi32, #tpu.memory_space<vmem>>[vector<16xi32>], vector<16xi32>,
        %parallel_loop3A_285 = arith.constant 16 : i32
        %parallel_loop3A_286 = vector.broadcast %parallel_loop3A_285 : i32 to vector<16xi32>
        %parallel_loop3A_287 = arith.shli %parallel_loop3A_284, %parallel_loop3A_286 : vector<16xi32>
        %parallel_loop3A_288 = vector.bitcast %parallel_loop3A_287 : vector<16xi32> to vector<16xf32>
        %parallel_loop3A_289 = arith.addf %parallel_loop3A_246, %parallel_loop3A_288 : vector<16xf32>
        %parallel_loop3A_290 = vector.broadcast %squeeze3A : i32 to vector<16xi32>
        %parallel_loop3A_291 = arith.andi %parallel_loop3A_284, %parallel_loop3A_290 : vector<16xi32>
        %parallel_loop3A_292 = vector.bitcast %parallel_loop3A_291 : vector<16xi32> to vector<16xf32>
        %parallel_loop3A_293 = arith.addf %parallel_loop3A_250, %parallel_loop3A_292 : vector<16xf32>
        %parallel_loop3A_294 = tpu.vector_load_idx %arg8[%parallel_loop3A_273] : memref<1024xi32, #tpu.memory_space<vmem>>[vector<16xi32>], vector<16xi32>,
        %parallel_loop3A_295 = arith.constant 16 : i32
        %parallel_loop3A_296 = vector.broadcast %parallel_loop3A_295 : i32 to vector<16xi32>
        %parallel_loop3A_297 = arith.shli %parallel_loop3A_294, %parallel_loop3A_296 : vector<16xi32>
        %parallel_loop3A_298 = vector.bitcast %parallel_loop3A_297 : vector<16xi32> to vector<16xf32>
        %parallel_loop3A_299 = arith.addf %parallel_loop3A_256, %parallel_loop3A_298 : vector<16xf32>
        %parallel_loop3A_300 = vector.broadcast %squeeze3A : i32 to vector<16xi32>
        %parallel_loop3A_301 = arith.andi %parallel_loop3A_294, %parallel_loop3A_300 : vector<16xi32>
        %parallel_loop3A_302 = vector.bitcast %parallel_loop3A_301 : vector<16xi32> to vector<16xf32>
        %parallel_loop3A_303 = arith.addf %parallel_loop3A_260, %parallel_loop3A_302 : vector<16xf32>
        %parallel_loop3A_304 = tpu.vector_load_idx %arg9[%parallel_loop3A_273] : memref<1024xi32, #tpu.memory_space<vmem>>[vector<16xi32>], vector<16xi32>,
        %parallel_loop3A_305 = arith.constant 16 : i32
        %parallel_loop3A_306 = vector.broadcast %parallel_loop3A_305 : i32 to vector<16xi32>
        %parallel_loop3A_307 = arith.shli %parallel_loop3A_304, %parallel_loop3A_306 : vector<16xi32>
        %parallel_loop3A_308 = vector.bitcast %parallel_loop3A_307 : vector<16xi32> to vector<16xf32>
        %parallel_loop3A_309 = arith.addf %parallel_loop3A_266, %parallel_loop3A_308 : vector<16xf32>
        %parallel_loop3A_310 = arith.constant 8 : i32
        %parallel_loop3A_311 = arith.muli %parallel_loop3A_173, %parallel_loop3A_310 : i32
        %parallel_loop3A_312 = arith.constant 3 : i32
        %parallel_loop3A_313 = arith.addi %parallel_loop3A_311, %parallel_loop3A_312 : i32
        %parallel_loop3A_314 = arith.index_cast %parallel_loop3A_313 : i32 to index
        %parallel_loop3A_315 = arith.index_cast %parallel_loop3A_107 : i32 to index
        %parallel_loop3A_316 = tpu.vector_load %arg10[%parallel_loop3A_314, %parallel_loop3A_315] {strides = array<i32>} : memref<200x512xi32, #tpu.memory_space<vmem>>, vector<16xi32>,
        %parallel_loop3A_317 = tpu.vector_load_idx %arg6[%parallel_loop3A_316] : memref<1024xi32, #tpu.memory_space<vmem>>[vector<16xi32>], vector<16xi32>,
        %parallel_loop3A_318 = arith.constant 16 : i32
        %parallel_loop3A_319 = vector.broadcast %parallel_loop3A_318 : i32 to vector<16xi32>
        %parallel_loop3A_320 = arith.shli %parallel_loop3A_317, %parallel_loop3A_319 : vector<16xi32>
        %parallel_loop3A_321 = vector.bitcast %parallel_loop3A_320 : vector<16xi32> to vector<16xf32>
        %parallel_loop3A_322 = arith.addf %parallel_loop3A_279, %parallel_loop3A_321 : vector<16xf32>
        %parallel_loop3A_323 = vector.broadcast %squeeze3A : i32 to vector<16xi32>
        %parallel_loop3A_324 = arith.andi %parallel_loop3A_317, %parallel_loop3A_323 : vector<16xi32>
        %parallel_loop3A_325 = vector.bitcast %parallel_loop3A_324 : vector<16xi32> to vector<16xf32>
        %parallel_loop3A_326 = arith.addf %parallel_loop3A_283, %parallel_loop3A_325 : vector<16xf32>
        %parallel_loop3A_327 = tpu.vector_load_idx %arg7[%parallel_loop3A_316] : memref<1024xi32, #tpu.memory_space<vmem>>[vector<16xi32>], vector<16xi32>,
        %parallel_loop3A_328 = arith.constant 16 : i32
        %parallel_loop3A_329 = vector.broadcast %parallel_loop3A_328 : i32 to vector<16xi32>
        %parallel_loop3A_330 = arith.shli %parallel_loop3A_327, %parallel_loop3A_329 : vector<16xi32>
        %parallel_loop3A_331 = vector.bitcast %parallel_loop3A_330 : vector<16xi32> to vector<16xf32>
        %parallel_loop3A_332 = arith.addf %parallel_loop3A_289, %parallel_loop3A_331 : vector<16xf32>
        %parallel_loop3A_333 = vector.broadcast %squeeze3A : i32 to vector<16xi32>
        %parallel_loop3A_334 = arith.andi %parallel_loop3A_327, %parallel_loop3A_333 : vector<16xi32>
        %parallel_loop3A_335 = vector.bitcast %parallel_loop3A_334 : vector<16xi32> to vector<16xf32>
        %parallel_loop3A_336 = arith.addf %parallel_loop3A_293, %parallel_loop3A_335 : vector<16xf32>
        %parallel_loop3A_337 = tpu.vector_load_idx %arg8[%parallel_loop3A_316] : memref<1024xi32, #tpu.memory_space<vmem>>[vector<16xi32>], vector<16xi32>,
        %parallel_loop3A_338 = arith.constant 16 : i32
        %parallel_loop3A_339 = vector.broadcast %parallel_loop3A_338 : i32 to vector<16xi32>
        %parallel_loop3A_340 = arith.shli %parallel_loop3A_337, %parallel_loop3A_339 : vector<16xi32>
        %parallel_loop3A_341 = vector.bitcast %parallel_loop3A_340 : vector<16xi32> to vector<16xf32>
        %parallel_loop3A_342 = arith.addf %parallel_loop3A_299, %parallel_loop3A_341 : vector<16xf32>
        %parallel_loop3A_343 = vector.broadcast %squeeze3A : i32 to vector<16xi32>
        %parallel_loop3A_344 = arith.andi %parallel_loop3A_337, %parallel_loop3A_343 : vector<16xi32>
        %parallel_loop3A_345 = vector.bitcast %parallel_loop3A_344 : vector<16xi32> to vector<16xf32>
        %parallel_loop3A_346 = arith.addf %parallel_loop3A_303, %parallel_loop3A_345 : vector<16xf32>
        %parallel_loop3A_347 = tpu.vector_load_idx %arg9[%parallel_loop3A_316] : memref<1024xi32, #tpu.memory_space<vmem>>[vector<16xi32>], vector<16xi32>,
        %parallel_loop3A_348 = arith.constant 16 : i32
        %parallel_loop3A_349 = vector.broadcast %parallel_loop3A_348 : i32 to vector<16xi32>
        %parallel_loop3A_350 = arith.shli %parallel_loop3A_347, %parallel_loop3A_349 : vector<16xi32>
        %parallel_loop3A_351 = vector.bitcast %parallel_loop3A_350 : vector<16xi32> to vector<16xf32>
        %parallel_loop3A_352 = arith.addf %parallel_loop3A_309, %parallel_loop3A_351 : vector<16xf32>
        %parallel_loop3A_353 = arith.constant 8 : i32
        %parallel_loop3A_354 = arith.muli %parallel_loop3A_173, %parallel_loop3A_353 : i32
        %parallel_loop3A_355 = arith.constant 4 : i32
        %parallel_loop3A_356 = arith.addi %parallel_loop3A_354, %parallel_loop3A_355 : i32
        %parallel_loop3A_357 = arith.index_cast %parallel_loop3A_356 : i32 to index
        %parallel_loop3A_358 = arith.index_cast %parallel_loop3A_107 : i32 to index
        %parallel_loop3A_359 = tpu.vector_load %arg10[%parallel_loop3A_357, %parallel_loop3A_358] {strides = array<i32>} : memref<200x512xi32, #tpu.memory_space<vmem>>, vector<16xi32>,
        %parallel_loop3A_360 = tpu.vector_load_idx %arg6[%parallel_loop3A_359] : memref<1024xi32, #tpu.memory_space<vmem>>[vector<16xi32>], vector<16xi32>,
        %parallel_loop3A_361 = arith.constant 16 : i32
        %parallel_loop3A_362 = vector.broadcast %parallel_loop3A_361 : i32 to vector<16xi32>
        %parallel_loop3A_363 = arith.shli %parallel_loop3A_360, %parallel_loop3A_362 : vector<16xi32>
        %parallel_loop3A_364 = vector.bitcast %parallel_loop3A_363 : vector<16xi32> to vector<16xf32>
        %parallel_loop3A_365 = arith.addf %parallel_loop3A_322, %parallel_loop3A_364 : vector<16xf32>
        %parallel_loop3A_366 = vector.broadcast %squeeze3A : i32 to vector<16xi32>
        %parallel_loop3A_367 = arith.andi %parallel_loop3A_360, %parallel_loop3A_366 : vector<16xi32>
        %parallel_loop3A_368 = vector.bitcast %parallel_loop3A_367 : vector<16xi32> to vector<16xf32>
        %parallel_loop3A_369 = arith.addf %parallel_loop3A_326, %parallel_loop3A_368 : vector<16xf32>
        %parallel_loop3A_370 = tpu.vector_load_idx %arg7[%parallel_loop3A_359] : memref<1024xi32, #tpu.memory_space<vmem>>[vector<16xi32>], vector<16xi32>,
        %parallel_loop3A_371 = arith.constant 16 : i32
        %parallel_loop3A_372 = vector.broadcast %parallel_loop3A_371 : i32 to vector<16xi32>
        %parallel_loop3A_373 = arith.shli %parallel_loop3A_370, %parallel_loop3A_372 : vector<16xi32>
        %parallel_loop3A_374 = vector.bitcast %parallel_loop3A_373 : vector<16xi32> to vector<16xf32>
        %parallel_loop3A_375 = arith.addf %parallel_loop3A_332, %parallel_loop3A_374 : vector<16xf32>
        %parallel_loop3A_376 = vector.broadcast %squeeze3A : i32 to vector<16xi32>
        %parallel_loop3A_377 = arith.andi %parallel_loop3A_370, %parallel_loop3A_376 : vector<16xi32>
        %parallel_loop3A_378 = vector.bitcast %parallel_loop3A_377 : vector<16xi32> to vector<16xf32>
        %parallel_loop3A_379 = arith.addf %parallel_loop3A_336, %parallel_loop3A_378 : vector<16xf32>
        %parallel_loop3A_380 = tpu.vector_load_idx %arg8[%parallel_loop3A_359] : memref<1024xi32, #tpu.memory_space<vmem>>[vector<16xi32>], vector<16xi32>,
        %parallel_loop3A_381 = arith.constant 16 : i32
        %parallel_loop3A_382 = vector.broadcast %parallel_loop3A_381 : i32 to vector<16xi32>
        %parallel_loop3A_383 = arith.shli %parallel_loop3A_380, %parallel_loop3A_382 : vector<16xi32>
        %parallel_loop3A_384 = vector.bitcast %parallel_loop3A_383 : vector<16xi32> to vector<16xf32>
        %parallel_loop3A_385 = arith.addf %parallel_loop3A_342, %parallel_loop3A_384 : vector<16xf32>
        %parallel_loop3A_386 = vector.broadcast %squeeze3A : i32 to vector<16xi32>
        %parallel_loop3A_387 = arith.andi %parallel_loop3A_380, %parallel_loop3A_386 : vector<16xi32>
        %parallel_loop3A_388 = vector.bitcast %parallel_loop3A_387 : vector<16xi32> to vector<16xf32>
        %parallel_loop3A_389 = arith.addf %parallel_loop3A_346, %parallel_loop3A_388 : vector<16xf32>
        %parallel_loop3A_390 = tpu.vector_load_idx %arg9[%parallel_loop3A_359] : memref<1024xi32, #tpu.memory_space<vmem>>[vector<16xi32>], vector<16xi32>,
        %parallel_loop3A_391 = arith.constant 16 : i32
        %parallel_loop3A_392 = vector.broadcast %parallel_loop3A_391 : i32 to vector<16xi32>
        %parallel_loop3A_393 = arith.shli %parallel_loop3A_390, %parallel_loop3A_392 : vector<16xi32>
        %parallel_loop3A_394 = vector.bitcast %parallel_loop3A_393 : vector<16xi32> to vector<16xf32>
        %parallel_loop3A_395 = arith.addf %parallel_loop3A_352, %parallel_loop3A_394 : vector<16xf32>
        %parallel_loop3A_396 = arith.constant 8 : i32
        %parallel_loop3A_397 = arith.muli %parallel_loop3A_173, %parallel_loop3A_396 : i32
        %parallel_loop3A_398 = arith.constant 5 : i32
        %parallel_loop3A_399 = arith.addi %parallel_loop3A_397, %parallel_loop3A_398 : i32
        %parallel_loop3A_400 = arith.index_cast %parallel_loop3A_399 : i32 to index
        %parallel_loop3A_401 = arith.index_cast %parallel_loop3A_107 : i32 to index
        %parallel_loop3A_402 = tpu.vector_load %arg10[%parallel_loop3A_400, %parallel_loop3A_401] {strides = array<i32>} : memref<200x512xi32, #tpu.memory_space<vmem>>, vector<16xi32>,
        %parallel_loop3A_403 = tpu.vector_load_idx %arg6[%parallel_loop3A_402] : memref<1024xi32, #tpu.memory_space<vmem>>[vector<16xi32>], vector<16xi32>,
        %parallel_loop3A_404 = arith.constant 16 : i32
        %parallel_loop3A_405 = vector.broadcast %parallel_loop3A_404 : i32 to vector<16xi32>
        %parallel_loop3A_406 = arith.shli %parallel_loop3A_403, %parallel_loop3A_405 : vector<16xi32>
        %parallel_loop3A_407 = vector.bitcast %parallel_loop3A_406 : vector<16xi32> to vector<16xf32>
        %parallel_loop3A_408 = arith.addf %parallel_loop3A_365, %parallel_loop3A_407 : vector<16xf32>
        %parallel_loop3A_409 = vector.broadcast %squeeze3A : i32 to vector<16xi32>
        %parallel_loop3A_410 = arith.andi %parallel_loop3A_403, %parallel_loop3A_409 : vector<16xi32>
        %parallel_loop3A_411 = vector.bitcast %parallel_loop3A_410 : vector<16xi32> to vector<16xf32>
        %parallel_loop3A_412 = arith.addf %parallel_loop3A_369, %parallel_loop3A_411 : vector<16xf32>
        %parallel_loop3A_413 = tpu.vector_load_idx %arg7[%parallel_loop3A_402] : memref<1024xi32, #tpu.memory_space<vmem>>[vector<16xi32>], vector<16xi32>,
        %parallel_loop3A_414 = arith.constant 16 : i32
        %parallel_loop3A_415 = vector.broadcast %parallel_loop3A_414 : i32 to vector<16xi32>
        %parallel_loop3A_416 = arith.shli %parallel_loop3A_413, %parallel_loop3A_415 : vector<16xi32>
        %parallel_loop3A_417 = vector.bitcast %parallel_loop3A_416 : vector<16xi32> to vector<16xf32>
        %parallel_loop3A_418 = arith.addf %parallel_loop3A_375, %parallel_loop3A_417 : vector<16xf32>
        %parallel_loop3A_419 = vector.broadcast %squeeze3A : i32 to vector<16xi32>
        %parallel_loop3A_420 = arith.andi %parallel_loop3A_413, %parallel_loop3A_419 : vector<16xi32>
        %parallel_loop3A_421 = vector.bitcast %parallel_loop3A_420 : vector<16xi32> to vector<16xf32>
        %parallel_loop3A_422 = arith.addf %parallel_loop3A_379, %parallel_loop3A_421 : vector<16xf32>
        %parallel_loop3A_423 = tpu.vector_load_idx %arg8[%parallel_loop3A_402] : memref<1024xi32, #tpu.memory_space<vmem>>[vector<16xi32>], vector<16xi32>,
        %parallel_loop3A_424 = arith.constant 16 : i32
        %parallel_loop3A_425 = vector.broadcast %parallel_loop3A_424 : i32 to vector<16xi32>
        %parallel_loop3A_426 = arith.shli %parallel_loop3A_423, %parallel_loop3A_425 : vector<16xi32>
        %parallel_loop3A_427 = vector.bitcast %parallel_loop3A_426 : vector<16xi32> to vector<16xf32>
        %parallel_loop3A_428 = arith.addf %parallel_loop3A_385, %parallel_loop3A_427 : vector<16xf32>
        %parallel_loop3A_429 = vector.broadcast %squeeze3A : i32 to vector<16xi32>
        %parallel_loop3A_430 = arith.andi %parallel_loop3A_423, %parallel_loop3A_429 : vector<16xi32>
        %parallel_loop3A_431 = vector.bitcast %parallel_loop3A_430 : vector<16xi32> to vector<16xf32>
        %parallel_loop3A_432 = arith.addf %parallel_loop3A_389, %parallel_loop3A_431 : vector<16xf32>
        %parallel_loop3A_433 = tpu.vector_load_idx %arg9[%parallel_loop3A_402] : memref<1024xi32, #tpu.memory_space<vmem>>[vector<16xi32>], vector<16xi32>,
        %parallel_loop3A_434 = arith.constant 16 : i32
        %parallel_loop3A_435 = vector.broadcast %parallel_loop3A_434 : i32 to vector<16xi32>
        %parallel_loop3A_436 = arith.shli %parallel_loop3A_433, %parallel_loop3A_435 : vector<16xi32>
        %parallel_loop3A_437 = vector.bitcast %parallel_loop3A_436 : vector<16xi32> to vector<16xf32>
        %parallel_loop3A_438 = arith.addf %parallel_loop3A_395, %parallel_loop3A_437 : vector<16xf32>
        %parallel_loop3A_439 = arith.constant 8 : i32
        %parallel_loop3A_440 = arith.muli %parallel_loop3A_173, %parallel_loop3A_439 : i32
        %parallel_loop3A_441 = arith.constant 6 : i32
        %parallel_loop3A_442 = arith.addi %parallel_loop3A_440, %parallel_loop3A_441 : i32
        %parallel_loop3A_443 = arith.index_cast %parallel_loop3A_442 : i32 to index
        %parallel_loop3A_444 = arith.index_cast %parallel_loop3A_107 : i32 to index
        %parallel_loop3A_445 = tpu.vector_load %arg10[%parallel_loop3A_443, %parallel_loop3A_444] {strides = array<i32>} : memref<200x512xi32, #tpu.memory_space<vmem>>, vector<16xi32>,
        %parallel_loop3A_446 = tpu.vector_load_idx %arg6[%parallel_loop3A_445] : memref<1024xi32, #tpu.memory_space<vmem>>[vector<16xi32>], vector<16xi32>,
        %parallel_loop3A_447 = arith.constant 16 : i32
        %parallel_loop3A_448 = vector.broadcast %parallel_loop3A_447 : i32 to vector<16xi32>
        %parallel_loop3A_449 = arith.shli %parallel_loop3A_446, %parallel_loop3A_448 : vector<16xi32>
        %parallel_loop3A_450 = vector.bitcast %parallel_loop3A_449 : vector<16xi32> to vector<16xf32>
        %parallel_loop3A_451 = arith.addf %parallel_loop3A_408, %parallel_loop3A_450 : vector<16xf32>
        %parallel_loop3A_452 = vector.broadcast %squeeze3A : i32 to vector<16xi32>
        %parallel_loop3A_453 = arith.andi %parallel_loop3A_446, %parallel_loop3A_452 : vector<16xi32>
        %parallel_loop3A_454 = vector.bitcast %parallel_loop3A_453 : vector<16xi32> to vector<16xf32>
        %parallel_loop3A_455 = arith.addf %parallel_loop3A_412, %parallel_loop3A_454 : vector<16xf32>
        %parallel_loop3A_456 = tpu.vector_load_idx %arg7[%parallel_loop3A_445] : memref<1024xi32, #tpu.memory_space<vmem>>[vector<16xi32>], vector<16xi32>,
        %parallel_loop3A_457 = arith.constant 16 : i32
        %parallel_loop3A_458 = vector.broadcast %parallel_loop3A_457 : i32 to vector<16xi32>
        %parallel_loop3A_459 = arith.shli %parallel_loop3A_456, %parallel_loop3A_458 : vector<16xi32>
        %parallel_loop3A_460 = vector.bitcast %parallel_loop3A_459 : vector<16xi32> to vector<16xf32>
        %parallel_loop3A_461 = arith.addf %parallel_loop3A_418, %parallel_loop3A_460 : vector<16xf32>
        %parallel_loop3A_462 = vector.broadcast %squeeze3A : i32 to vector<16xi32>
        %parallel_loop3A_463 = arith.andi %parallel_loop3A_456, %parallel_loop3A_462 : vector<16xi32>
        %parallel_loop3A_464 = vector.bitcast %parallel_loop3A_463 : vector<16xi32> to vector<16xf32>
        %parallel_loop3A_465 = arith.addf %parallel_loop3A_422, %parallel_loop3A_464 : vector<16xf32>
        %parallel_loop3A_466 = tpu.vector_load_idx %arg8[%parallel_loop3A_445] : memref<1024xi32, #tpu.memory_space<vmem>>[vector<16xi32>], vector<16xi32>,
        %parallel_loop3A_467 = arith.constant 16 : i32
        %parallel_loop3A_468 = vector.broadcast %parallel_loop3A_467 : i32 to vector<16xi32>
        %parallel_loop3A_469 = arith.shli %parallel_loop3A_466, %parallel_loop3A_468 : vector<16xi32>
        %parallel_loop3A_470 = vector.bitcast %parallel_loop3A_469 : vector<16xi32> to vector<16xf32>
        %parallel_loop3A_471 = arith.addf %parallel_loop3A_428, %parallel_loop3A_470 : vector<16xf32>
        %parallel_loop3A_472 = vector.broadcast %squeeze3A : i32 to vector<16xi32>
        %parallel_loop3A_473 = arith.andi %parallel_loop3A_466, %parallel_loop3A_472 : vector<16xi32>
        %parallel_loop3A_474 = vector.bitcast %parallel_loop3A_473 : vector<16xi32> to vector<16xf32>
        %parallel_loop3A_475 = arith.addf %parallel_loop3A_432, %parallel_loop3A_474 : vector<16xf32>
        %parallel_loop3A_476 = tpu.vector_load_idx %arg9[%parallel_loop3A_445] : memref<1024xi32, #tpu.memory_space<vmem>>[vector<16xi32>], vector<16xi32>,
        %parallel_loop3A_477 = arith.constant 16 : i32
        %parallel_loop3A_478 = vector.broadcast %parallel_loop3A_477 : i32 to vector<16xi32>
        %parallel_loop3A_479 = arith.shli %parallel_loop3A_476, %parallel_loop3A_478 : vector<16xi32>
        %parallel_loop3A_480 = vector.bitcast %parallel_loop3A_479 : vector<16xi32> to vector<16xf32>
        %parallel_loop3A_481 = arith.addf %parallel_loop3A_438, %parallel_loop3A_480 : vector<16xf32>
        %parallel_loop3A_482 = arith.constant 8 : i32
        %parallel_loop3A_483 = arith.muli %parallel_loop3A_173, %parallel_loop3A_482 : i32
        %parallel_loop3A_484 = arith.constant 7 : i32
        %parallel_loop3A_485 = arith.addi %parallel_loop3A_483, %parallel_loop3A_484 : i32
        %parallel_loop3A_486 = arith.index_cast %parallel_loop3A_485 : i32 to index
        %parallel_loop3A_487 = arith.index_cast %parallel_loop3A_107 : i32 to index
        %parallel_loop3A_488 = tpu.vector_load %arg10[%parallel_loop3A_486, %parallel_loop3A_487] {strides = array<i32>} : memref<200x512xi32, #tpu.memory_space<vmem>>, vector<16xi32>,
        %parallel_loop3A_489 = tpu.vector_load_idx %arg6[%parallel_loop3A_488] : memref<1024xi32, #tpu.memory_space<vmem>>[vector<16xi32>], vector<16xi32>,
        %parallel_loop3A_490 = arith.constant 16 : i32
        %parallel_loop3A_491 = vector.broadcast %parallel_loop3A_490 : i32 to vector<16xi32>
        %parallel_loop3A_492 = arith.shli %parallel_loop3A_489, %parallel_loop3A_491 : vector<16xi32>
        %parallel_loop3A_493 = vector.bitcast %parallel_loop3A_492 : vector<16xi32> to vector<16xf32>
        %parallel_loop3A_494 = arith.addf %parallel_loop3A_451, %parallel_loop3A_493 : vector<16xf32>
        %parallel_loop3A_495 = vector.broadcast %squeeze3A : i32 to vector<16xi32>
        %parallel_loop3A_496 = arith.andi %parallel_loop3A_489, %parallel_loop3A_495 : vector<16xi32>
        %parallel_loop3A_497 = vector.bitcast %parallel_loop3A_496 : vector<16xi32> to vector<16xf32>
        %parallel_loop3A_498 = arith.addf %parallel_loop3A_455, %parallel_loop3A_497 : vector<16xf32>
        %parallel_loop3A_499 = tpu.vector_load_idx %arg7[%parallel_loop3A_488] : memref<1024xi32, #tpu.memory_space<vmem>>[vector<16xi32>], vector<16xi32>,
        %parallel_loop3A_500 = arith.constant 16 : i32
        %parallel_loop3A_501 = vector.broadcast %parallel_loop3A_500 : i32 to vector<16xi32>
        %parallel_loop3A_502 = arith.shli %parallel_loop3A_499, %parallel_loop3A_501 : vector<16xi32>
        %parallel_loop3A_503 = vector.bitcast %parallel_loop3A_502 : vector<16xi32> to vector<16xf32>
        %parallel_loop3A_504 = arith.addf %parallel_loop3A_461, %parallel_loop3A_503 : vector<16xf32>
        %parallel_loop3A_505 = vector.broadcast %squeeze3A : i32 to vector<16xi32>
        %parallel_loop3A_506 = arith.andi %parallel_loop3A_499, %parallel_loop3A_505 : vector<16xi32>
        %parallel_loop3A_507 = vector.bitcast %parallel_loop3A_506 : vector<16xi32> to vector<16xf32>
        %parallel_loop3A_508 = arith.addf %parallel_loop3A_465, %parallel_loop3A_507 : vector<16xf32>
        %parallel_loop3A_509 = tpu.vector_load_idx %arg8[%parallel_loop3A_488] : memref<1024xi32, #tpu.memory_space<vmem>>[vector<16xi32>], vector<16xi32>,
        %parallel_loop3A_510 = arith.constant 16 : i32
        %parallel_loop3A_511 = vector.broadcast %parallel_loop3A_510 : i32 to vector<16xi32>
        %parallel_loop3A_512 = arith.shli %parallel_loop3A_509, %parallel_loop3A_511 : vector<16xi32>
        %parallel_loop3A_513 = vector.bitcast %parallel_loop3A_512 : vector<16xi32> to vector<16xf32>
        %parallel_loop3A_514 = arith.addf %parallel_loop3A_471, %parallel_loop3A_513 : vector<16xf32>
        %parallel_loop3A_515 = vector.broadcast %squeeze3A : i32 to vector<16xi32>
        %parallel_loop3A_516 = arith.andi %parallel_loop3A_509, %parallel_loop3A_515 : vector<16xi32>
        %parallel_loop3A_517 = vector.bitcast %parallel_loop3A_516 : vector<16xi32> to vector<16xf32>
        %parallel_loop3A_518 = arith.addf %parallel_loop3A_475, %parallel_loop3A_517 : vector<16xf32>
        %parallel_loop3A_519 = tpu.vector_load_idx %arg9[%parallel_loop3A_488] : memref<1024xi32, #tpu.memory_space<vmem>>[vector<16xi32>], vector<16xi32>,
        %parallel_loop3A_520 = arith.constant 16 : i32
        %parallel_loop3A_521 = vector.broadcast %parallel_loop3A_520 : i32 to vector<16xi32>
        %parallel_loop3A_522 = arith.shli %parallel_loop3A_519, %parallel_loop3A_521 : vector<16xi32>
        %parallel_loop3A_523 = vector.bitcast %parallel_loop3A_522 : vector<16xi32> to vector<16xf32>
        %parallel_loop3A_524 = arith.addf %parallel_loop3A_481, %parallel_loop3A_523 : vector<16xf32>
        scf.yield %parallel_loop3A_494, %parallel_loop3A_498, %parallel_loop3A_504, %parallel_loop3A_508, %parallel_loop3A_514, %parallel_loop3A_518, %parallel_loop3A_524 : vector<16xf32>, vector<16xf32>, vector<16xf32>, vector<16xf32>, vector<16xf32>, vector<16xf32>, vector<16xf32>
      } {sc.loop_unroll_factor = 1 : i64, sc.parallel_access}
      %parallel_loop3A_112 = arith.maximumf %parallel_loop3A_111#0, %parallel_loop3A_111#1 : vector<16xf32>
      %parallel_loop3A_113 = arith.maximumf %parallel_loop3A_112, %parallel_loop3A_111#2 : vector<16xf32>
      %parallel_loop3A_114 = arith.maximumf %parallel_loop3A_113, %parallel_loop3A_111#3 : vector<16xf32>
      %parallel_loop3A_115 = arith.maximumf %parallel_loop3A_114, %parallel_loop3A_111#4 : vector<16xf32>
      %parallel_loop3A_116 = arith.maximumf %parallel_loop3A_115, %parallel_loop3A_111#5 : vector<16xf32>
      %parallel_loop3A_117 = arith.maximumf %parallel_loop3A_116, %parallel_loop3A_111#6 : vector<16xf32>
      %parallel_loop3A_118 = arith.subf %parallel_loop3A_111#0, %parallel_loop3A_117 : vector<16xf32>
      %parallel_loop3A_119 = math.exp %parallel_loop3A_118 : vector<16xf32>
      %parallel_loop3A_120 = arith.subf %parallel_loop3A_111#1, %parallel_loop3A_117 : vector<16xf32>
      %parallel_loop3A_121 = math.exp %parallel_loop3A_120 : vector<16xf32>
      %parallel_loop3A_122 = arith.subf %parallel_loop3A_111#2, %parallel_loop3A_117 : vector<16xf32>
      %parallel_loop3A_123 = math.exp %parallel_loop3A_122 : vector<16xf32>
      %parallel_loop3A_124 = arith.subf %parallel_loop3A_111#3, %parallel_loop3A_117 : vector<16xf32>
      %parallel_loop3A_125 = math.exp %parallel_loop3A_124 : vector<16xf32>
      %parallel_loop3A_126 = arith.subf %parallel_loop3A_111#4, %parallel_loop3A_117 : vector<16xf32>
      %parallel_loop3A_127 = math.exp %parallel_loop3A_126 : vector<16xf32>
      %parallel_loop3A_128 = arith.subf %parallel_loop3A_111#5, %parallel_loop3A_117 : vector<16xf32>
      %parallel_loop3A_129 = math.exp %parallel_loop3A_128 : vector<16xf32>
      %parallel_loop3A_130 = arith.subf %parallel_loop3A_111#6, %parallel_loop3A_117 : vector<16xf32>
      %parallel_loop3A_131 = math.exp %parallel_loop3A_130 : vector<16xf32>
      %parallel_loop3A_132 = arith.addf %parallel_loop3A_119, %parallel_loop3A_121 : vector<16xf32>
      %parallel_loop3A_133 = arith.addf %parallel_loop3A_132, %parallel_loop3A_123 : vector<16xf32>
      %parallel_loop3A_134 = arith.addf %parallel_loop3A_133, %parallel_loop3A_125 : vector<16xf32>
      %parallel_loop3A_135 = arith.addf %parallel_loop3A_134, %parallel_loop3A_127 : vector<16xf32>
      %parallel_loop3A_136 = arith.addf %parallel_loop3A_135, %parallel_loop3A_129 : vector<16xf32>
      %parallel_loop3A_137 = arith.addf %parallel_loop3A_136, %parallel_loop3A_131 : vector<16xf32>
      %parallel_loop3A_138 = arith.divf %parallel_loop3A_119, %parallel_loop3A_137 : vector<16xf32>
      %parallel_loop3A_139 = arith.constant 0 : i32
      %parallel_loop3A_140 = arith.index_cast %parallel_loop3A_139 : i32 to index
      %parallel_loop3A_141 = arith.index_cast %parallel_loop3A_107 : i32 to index
      %parallel_loop3A_142 = tpu.vector_load %arg11[%parallel_loop3A_140, %parallel_loop3A_141] {strides = array<i32>} : memref<7x512xf32, #tpu.memory_space<vmem>>, vector<16xf32>,
      tpu.vector_store %arg11[%parallel_loop3A_140, %parallel_loop3A_141], %parallel_loop3A_138 {strides = array<i32>} : memref<7x512xf32, #tpu.memory_space<vmem>>, vector<16xf32>,
      %parallel_loop3A_143 = arith.divf %parallel_loop3A_121, %parallel_loop3A_137 : vector<16xf32>
      %parallel_loop3A_144 = arith.constant 1 : i32
      %parallel_loop3A_145 = arith.index_cast %parallel_loop3A_144 : i32 to index
      %parallel_loop3A_146 = arith.index_cast %parallel_loop3A_107 : i32 to index
      %parallel_loop3A_147 = tpu.vector_load %arg11[%parallel_loop3A_145, %parallel_loop3A_146] {strides = array<i32>} : memref<7x512xf32, #tpu.memory_space<vmem>>, vector<16xf32>,
      tpu.vector_store %arg11[%parallel_loop3A_145, %parallel_loop3A_146], %parallel_loop3A_143 {strides = array<i32>} : memref<7x512xf32, #tpu.memory_space<vmem>>, vector<16xf32>,
      %parallel_loop3A_148 = arith.divf %parallel_loop3A_123, %parallel_loop3A_137 : vector<16xf32>
      %parallel_loop3A_149 = arith.constant 2 : i32
      %parallel_loop3A_150 = arith.index_cast %parallel_loop3A_149 : i32 to index
      %parallel_loop3A_151 = arith.index_cast %parallel_loop3A_107 : i32 to index
      %parallel_loop3A_152 = tpu.vector_load %arg11[%parallel_loop3A_150, %parallel_loop3A_151] {strides = array<i32>} : memref<7x512xf32, #tpu.memory_space<vmem>>, vector<16xf32>,
      tpu.vector_store %arg11[%parallel_loop3A_150, %parallel_loop3A_151], %parallel_loop3A_148 {strides = array<i32>} : memref<7x512xf32, #tpu.memory_space<vmem>>, vector<16xf32>,
      %parallel_loop3A_153 = arith.divf %parallel_loop3A_125, %parallel_loop3A_137 : vector<16xf32>
      %parallel_loop3A_154 = arith.constant 3 : i32
      %parallel_loop3A_155 = arith.index_cast %parallel_loop3A_154 : i32 to index
      %parallel_loop3A_156 = arith.index_cast %parallel_loop3A_107 : i32 to index
      %parallel_loop3A_157 = tpu.vector_load %arg11[%parallel_loop3A_155, %parallel_loop3A_156] {strides = array<i32>} : memref<7x512xf32, #tpu.memory_space<vmem>>, vector<16xf32>,
      tpu.vector_store %arg11[%parallel_loop3A_155, %parallel_loop3A_156], %parallel_loop3A_153 {strides = array<i32>} : memref<7x512xf32, #tpu.memory_space<vmem>>, vector<16xf32>,
      %parallel_loop3A_158 = arith.divf %parallel_loop3A_127, %parallel_loop3A_137 : vector<16xf32>
      %parallel_loop3A_159 = arith.constant 4 : i32
      %parallel_loop3A_160 = arith.index_cast %parallel_loop3A_159 : i32 to index
      %parallel_loop3A_161 = arith.index_cast %parallel_loop3A_107 : i32 to index
      %parallel_loop3A_162 = tpu.vector_load %arg11[%parallel_loop3A_160, %parallel_loop3A_161] {strides = array<i32>} : memref<7x512xf32, #tpu.memory_space<vmem>>, vector<16xf32>,
      tpu.vector_store %arg11[%parallel_loop3A_160, %parallel_loop3A_161], %parallel_loop3A_158 {strides = array<i32>} : memref<7x512xf32, #tpu.memory_space<vmem>>, vector<16xf32>,
      %parallel_loop3A_163 = arith.divf %parallel_loop3A_129, %parallel_loop3A_137 : vector<16xf32>
      %parallel_loop3A_164 = arith.constant 5 : i32
      %parallel_loop3A_165 = arith.index_cast %parallel_loop3A_164 : i32 to index
      %parallel_loop3A_166 = arith.index_cast %parallel_loop3A_107 : i32 to index
      %parallel_loop3A_167 = tpu.vector_load %arg11[%parallel_loop3A_165, %parallel_loop3A_166] {strides = array<i32>} : memref<7x512xf32, #tpu.memory_space<vmem>>, vector<16xf32>,
      tpu.vector_store %arg11[%parallel_loop3A_165, %parallel_loop3A_166], %parallel_loop3A_163 {strides = array<i32>} : memref<7x512xf32, #tpu.memory_space<vmem>>, vector<16xf32>,
      %parallel_loop3A_168 = arith.divf %parallel_loop3A_131, %parallel_loop3A_137 : vector<16xf32>
      %parallel_loop3A_169 = arith.constant 6 : i32
      %parallel_loop3A_170 = arith.index_cast %parallel_loop3A_169 : i32 to index
      %parallel_loop3A_171 = arith.index_cast %parallel_loop3A_107 : i32 to index
      %parallel_loop3A_172 = tpu.vector_load %arg11[%parallel_loop3A_170, %parallel_loop3A_171] {strides = array<i32>} : memref<7x512xf32, #tpu.memory_space<vmem>>, vector<16xf32>,
      tpu.vector_store %arg11[%parallel_loop3A_170, %parallel_loop3A_171], %parallel_loop3A_168 {strides = array<i32>} : memref<7x512xf32, #tpu.memory_space<vmem>>, vector<16xf32>,
    } {sc.loop_unroll_factor = 1 : i64, sc.parallel_access}
    %dma_wait3A_79 = arith.constant 0 : i32
    %dma_wait3A_80 = arith.constant 256 : i32
    %dma_wait3A_81 = tpu.memref_slice %arg10[%dma_wait3A_79, %dma_wait3A_80] : memref<200x512xi32, #tpu.memory_space<vmem>> -> memref<200x128xi32, #tpu.memory_space<vmem>>
    %dma_wait3A_82 = arith.constant 0 : i32
    %dma_wait3A_83 = tpu.memref_slice %arg3[%dma_wait3A_82, %add3A_28] : memref<200x16384xi32, #tpu.memory_space<hbm>> -> memref<200x128xi32, #tpu.memory_space<hbm>>
    %dma_wait3A_84 = arith.constant 0 : i32
    %dma_wait3A_85 = arith.constant 256 : i32
    %dma_wait3A_86 = tpu.memref_slice %arg10[%dma_wait3A_84, %dma_wait3A_85] : memref<200x512xi32, #tpu.memory_space<vmem>> -> memref<200x128xi32, #tpu.memory_space<vmem>>
    %dma_wait3A_87 = arith.constant 0 : i32
    %dma_wait3A_88 = tpu.memref_slice %arg3[%dma_wait3A_87, %add3A_28] : memref<200x16384xi32, #tpu.memory_space<hbm>> -> memref<200x128xi32, #tpu.memory_space<hbm>>
    tpu.wait_dma2 semaphore(%arg14 : memref<!tpu.dma_semaphore, #tpu.memory_space<semaphore_mem>>) src(%dma_wait3A_88 : memref<200x128xi32, #tpu.memory_space<hbm>>) dst(%dma_wait3A_86 : memref<200x128xi32, #tpu.memory_space<vmem>>)
    %parallel_loop3A_89 = arith.constant 16 : i32
    %parallel_loop3A_90 = arith.constant 24 : i32
    %parallel_loop3A_91 = arith.constant 1 : i32
    scf.for %parallel_loop3A_105 = %parallel_loop3A_89 to %parallel_loop3A_90 step %parallel_loop3A_91  : i32 {
      %parallel_loop3A_106 = arith.constant 16 : i32
      %parallel_loop3A_107 = arith.muli %parallel_loop3A_105, %parallel_loop3A_106 : i32
      %parallel_loop3A_108 = arith.constant 0 : i32
      %parallel_loop3A_109 = arith.constant 25 : i32
      %parallel_loop3A_110 = arith.constant 1 : i32
      %parallel_loop3A_111:7 = scf.for %parallel_loop3A_173 = %parallel_loop3A_108 to %parallel_loop3A_109 step %parallel_loop3A_110 iter_args(%parallel_loop3A_174 = %broadcast_in_dim3A_54, %parallel_loop3A_175 = %broadcast_in_dim3A_54, %parallel_loop3A_176 = %broadcast_in_dim3A_54, %parallel_loop3A_177 = %broadcast_in_dim3A_54, %parallel_loop3A_178 = %broadcast_in_dim3A_54, %parallel_loop3A_179 = %broadcast_in_dim3A_54, %parallel_loop3A_180 = %broadcast_in_dim3A_54) -> (vector<16xf32>, vector<16xf32>, vector<16xf32>, vector<16xf32>, vector<16xf32>, vector<16xf32>, vector<16xf32>)  : i32 {
        %parallel_loop3A_181 = arith.constant 8 : i32
        %parallel_loop3A_182 = arith.muli %parallel_loop3A_173, %parallel_loop3A_181 : i32
        %parallel_loop3A_183 = arith.constant 0 : i32
        %parallel_loop3A_184 = arith.addi %parallel_loop3A_182, %parallel_loop3A_183 : i32
        %parallel_loop3A_185 = arith.index_cast %parallel_loop3A_184 : i32 to index
        %parallel_loop3A_186 = arith.index_cast %parallel_loop3A_107 : i32 to index
        %parallel_loop3A_187 = tpu.vector_load %arg10[%parallel_loop3A_185, %parallel_loop3A_186] {strides = array<i32>} : memref<200x512xi32, #tpu.memory_space<vmem>>, vector<16xi32>,
        %parallel_loop3A_188 = tpu.vector_load_idx %arg6[%parallel_loop3A_187] : memref<1024xi32, #tpu.memory_space<vmem>>[vector<16xi32>], vector<16xi32>,
        %parallel_loop3A_189 = arith.constant 16 : i32
        %parallel_loop3A_190 = vector.broadcast %parallel_loop3A_189 : i32 to vector<16xi32>
        %parallel_loop3A_191 = arith.shli %parallel_loop3A_188, %parallel_loop3A_190 : vector<16xi32>
        %parallel_loop3A_192 = vector.bitcast %parallel_loop3A_191 : vector<16xi32> to vector<16xf32>
        %parallel_loop3A_193 = arith.addf %parallel_loop3A_174, %parallel_loop3A_192 : vector<16xf32>
        %parallel_loop3A_194 = vector.broadcast %squeeze3A : i32 to vector<16xi32>
        %parallel_loop3A_195 = arith.andi %parallel_loop3A_188, %parallel_loop3A_194 : vector<16xi32>
        %parallel_loop3A_196 = vector.bitcast %parallel_loop3A_195 : vector<16xi32> to vector<16xf32>
        %parallel_loop3A_197 = arith.addf %parallel_loop3A_175, %parallel_loop3A_196 : vector<16xf32>
        %parallel_loop3A_198 = tpu.vector_load_idx %arg7[%parallel_loop3A_187] : memref<1024xi32, #tpu.memory_space<vmem>>[vector<16xi32>], vector<16xi32>,
        %parallel_loop3A_199 = arith.constant 16 : i32
        %parallel_loop3A_200 = vector.broadcast %parallel_loop3A_199 : i32 to vector<16xi32>
        %parallel_loop3A_201 = arith.shli %parallel_loop3A_198, %parallel_loop3A_200 : vector<16xi32>
        %parallel_loop3A_202 = vector.bitcast %parallel_loop3A_201 : vector<16xi32> to vector<16xf32>
        %parallel_loop3A_203 = arith.addf %parallel_loop3A_176, %parallel_loop3A_202 : vector<16xf32>
        %parallel_loop3A_204 = vector.broadcast %squeeze3A : i32 to vector<16xi32>
        %parallel_loop3A_205 = arith.andi %parallel_loop3A_198, %parallel_loop3A_204 : vector<16xi32>
        %parallel_loop3A_206 = vector.bitcast %parallel_loop3A_205 : vector<16xi32> to vector<16xf32>
        %parallel_loop3A_207 = arith.addf %parallel_loop3A_177, %parallel_loop3A_206 : vector<16xf32>
        %parallel_loop3A_208 = tpu.vector_load_idx %arg8[%parallel_loop3A_187] : memref<1024xi32, #tpu.memory_space<vmem>>[vector<16xi32>], vector<16xi32>,
        %parallel_loop3A_209 = arith.constant 16 : i32
        %parallel_loop3A_210 = vector.broadcast %parallel_loop3A_209 : i32 to vector<16xi32>
        %parallel_loop3A_211 = arith.shli %parallel_loop3A_208, %parallel_loop3A_210 : vector<16xi32>
        %parallel_loop3A_212 = vector.bitcast %parallel_loop3A_211 : vector<16xi32> to vector<16xf32>
        %parallel_loop3A_213 = arith.addf %parallel_loop3A_178, %parallel_loop3A_212 : vector<16xf32>
        %parallel_loop3A_214 = vector.broadcast %squeeze3A : i32 to vector<16xi32>
        %parallel_loop3A_215 = arith.andi %parallel_loop3A_208, %parallel_loop3A_214 : vector<16xi32>
        %parallel_loop3A_216 = vector.bitcast %parallel_loop3A_215 : vector<16xi32> to vector<16xf32>
        %parallel_loop3A_217 = arith.addf %parallel_loop3A_179, %parallel_loop3A_216 : vector<16xf32>
        %parallel_loop3A_218 = tpu.vector_load_idx %arg9[%parallel_loop3A_187] : memref<1024xi32, #tpu.memory_space<vmem>>[vector<16xi32>], vector<16xi32>,
        %parallel_loop3A_219 = arith.constant 16 : i32
        %parallel_loop3A_220 = vector.broadcast %parallel_loop3A_219 : i32 to vector<16xi32>
        %parallel_loop3A_221 = arith.shli %parallel_loop3A_218, %parallel_loop3A_220 : vector<16xi32>
        %parallel_loop3A_222 = vector.bitcast %parallel_loop3A_221 : vector<16xi32> to vector<16xf32>
        %parallel_loop3A_223 = arith.addf %parallel_loop3A_180, %parallel_loop3A_222 : vector<16xf32>
        %parallel_loop3A_224 = arith.constant 8 : i32
        %parallel_loop3A_225 = arith.muli %parallel_loop3A_173, %parallel_loop3A_224 : i32
        %parallel_loop3A_226 = arith.constant 1 : i32
        %parallel_loop3A_227 = arith.addi %parallel_loop3A_225, %parallel_loop3A_226 : i32
        %parallel_loop3A_228 = arith.index_cast %parallel_loop3A_227 : i32 to index
        %parallel_loop3A_229 = arith.index_cast %parallel_loop3A_107 : i32 to index
        %parallel_loop3A_230 = tpu.vector_load %arg10[%parallel_loop3A_228, %parallel_loop3A_229] {strides = array<i32>} : memref<200x512xi32, #tpu.memory_space<vmem>>, vector<16xi32>,
        %parallel_loop3A_231 = tpu.vector_load_idx %arg6[%parallel_loop3A_230] : memref<1024xi32, #tpu.memory_space<vmem>>[vector<16xi32>], vector<16xi32>,
        %parallel_loop3A_232 = arith.constant 16 : i32
        %parallel_loop3A_233 = vector.broadcast %parallel_loop3A_232 : i32 to vector<16xi32>
        %parallel_loop3A_234 = arith.shli %parallel_loop3A_231, %parallel_loop3A_233 : vector<16xi32>
        %parallel_loop3A_235 = vector.bitcast %parallel_loop3A_234 : vector<16xi32> to vector<16xf32>
        %parallel_loop3A_236 = arith.addf %parallel_loop3A_193, %parallel_loop3A_235 : vector<16xf32>
        %parallel_loop3A_237 = vector.broadcast %squeeze3A : i32 to vector<16xi32>
        %parallel_loop3A_238 = arith.andi %parallel_loop3A_231, %parallel_loop3A_237 : vector<16xi32>
        %parallel_loop3A_239 = vector.bitcast %parallel_loop3A_238 : vector<16xi32> to vector<16xf32>
        %parallel_loop3A_240 = arith.addf %parallel_loop3A_197, %parallel_loop3A_239 : vector<16xf32>
        %parallel_loop3A_241 = tpu.vector_load_idx %arg7[%parallel_loop3A_230] : memref<1024xi32, #tpu.memory_space<vmem>>[vector<16xi32>], vector<16xi32>,
        %parallel_loop3A_242 = arith.constant 16 : i32
        %parallel_loop3A_243 = vector.broadcast %parallel_loop3A_242 : i32 to vector<16xi32>
        %parallel_loop3A_244 = arith.shli %parallel_loop3A_241, %parallel_loop3A_243 : vector<16xi32>
        %parallel_loop3A_245 = vector.bitcast %parallel_loop3A_244 : vector<16xi32> to vector<16xf32>
        %parallel_loop3A_246 = arith.addf %parallel_loop3A_203, %parallel_loop3A_245 : vector<16xf32>
        %parallel_loop3A_247 = vector.broadcast %squeeze3A : i32 to vector<16xi32>
        %parallel_loop3A_248 = arith.andi %parallel_loop3A_241, %parallel_loop3A_247 : vector<16xi32>
        %parallel_loop3A_249 = vector.bitcast %parallel_loop3A_248 : vector<16xi32> to vector<16xf32>
        %parallel_loop3A_250 = arith.addf %parallel_loop3A_207, %parallel_loop3A_249 : vector<16xf32>
        %parallel_loop3A_251 = tpu.vector_load_idx %arg8[%parallel_loop3A_230] : memref<1024xi32, #tpu.memory_space<vmem>>[vector<16xi32>], vector<16xi32>,
        %parallel_loop3A_252 = arith.constant 16 : i32
        %parallel_loop3A_253 = vector.broadcast %parallel_loop3A_252 : i32 to vector<16xi32>
        %parallel_loop3A_254 = arith.shli %parallel_loop3A_251, %parallel_loop3A_253 : vector<16xi32>
        %parallel_loop3A_255 = vector.bitcast %parallel_loop3A_254 : vector<16xi32> to vector<16xf32>
        %parallel_loop3A_256 = arith.addf %parallel_loop3A_213, %parallel_loop3A_255 : vector<16xf32>
        %parallel_loop3A_257 = vector.broadcast %squeeze3A : i32 to vector<16xi32>
        %parallel_loop3A_258 = arith.andi %parallel_loop3A_251, %parallel_loop3A_257 : vector<16xi32>
        %parallel_loop3A_259 = vector.bitcast %parallel_loop3A_258 : vector<16xi32> to vector<16xf32>
        %parallel_loop3A_260 = arith.addf %parallel_loop3A_217, %parallel_loop3A_259 : vector<16xf32>
        %parallel_loop3A_261 = tpu.vector_load_idx %arg9[%parallel_loop3A_230] : memref<1024xi32, #tpu.memory_space<vmem>>[vector<16xi32>], vector<16xi32>,
        %parallel_loop3A_262 = arith.constant 16 : i32
        %parallel_loop3A_263 = vector.broadcast %parallel_loop3A_262 : i32 to vector<16xi32>
        %parallel_loop3A_264 = arith.shli %parallel_loop3A_261, %parallel_loop3A_263 : vector<16xi32>
        %parallel_loop3A_265 = vector.bitcast %parallel_loop3A_264 : vector<16xi32> to vector<16xf32>
        %parallel_loop3A_266 = arith.addf %parallel_loop3A_223, %parallel_loop3A_265 : vector<16xf32>
        %parallel_loop3A_267 = arith.constant 8 : i32
        %parallel_loop3A_268 = arith.muli %parallel_loop3A_173, %parallel_loop3A_267 : i32
        %parallel_loop3A_269 = arith.constant 2 : i32
        %parallel_loop3A_270 = arith.addi %parallel_loop3A_268, %parallel_loop3A_269 : i32
        %parallel_loop3A_271 = arith.index_cast %parallel_loop3A_270 : i32 to index
        %parallel_loop3A_272 = arith.index_cast %parallel_loop3A_107 : i32 to index
        %parallel_loop3A_273 = tpu.vector_load %arg10[%parallel_loop3A_271, %parallel_loop3A_272] {strides = array<i32>} : memref<200x512xi32, #tpu.memory_space<vmem>>, vector<16xi32>,
        %parallel_loop3A_274 = tpu.vector_load_idx %arg6[%parallel_loop3A_273] : memref<1024xi32, #tpu.memory_space<vmem>>[vector<16xi32>], vector<16xi32>,
        %parallel_loop3A_275 = arith.constant 16 : i32
        %parallel_loop3A_276 = vector.broadcast %parallel_loop3A_275 : i32 to vector<16xi32>
        %parallel_loop3A_277 = arith.shli %parallel_loop3A_274, %parallel_loop3A_276 : vector<16xi32>
        %parallel_loop3A_278 = vector.bitcast %parallel_loop3A_277 : vector<16xi32> to vector<16xf32>
        %parallel_loop3A_279 = arith.addf %parallel_loop3A_236, %parallel_loop3A_278 : vector<16xf32>
        %parallel_loop3A_280 = vector.broadcast %squeeze3A : i32 to vector<16xi32>
        %parallel_loop3A_281 = arith.andi %parallel_loop3A_274, %parallel_loop3A_280 : vector<16xi32>
        %parallel_loop3A_282 = vector.bitcast %parallel_loop3A_281 : vector<16xi32> to vector<16xf32>
        %parallel_loop3A_283 = arith.addf %parallel_loop3A_240, %parallel_loop3A_282 : vector<16xf32>
        %parallel_loop3A_284 = tpu.vector_load_idx %arg7[%parallel_loop3A_273] : memref<1024xi32, #tpu.memory_space<vmem>>[vector<16xi32>], vector<16xi32>,
        %parallel_loop3A_285 = arith.constant 16 : i32
        %parallel_loop3A_286 = vector.broadcast %parallel_loop3A_285 : i32 to vector<16xi32>
        %parallel_loop3A_287 = arith.shli %parallel_loop3A_284, %parallel_loop3A_286 : vector<16xi32>
        %parallel_loop3A_288 = vector.bitcast %parallel_loop3A_287 : vector<16xi32> to vector<16xf32>
        %parallel_loop3A_289 = arith.addf %parallel_loop3A_246, %parallel_loop3A_288 : vector<16xf32>
        %parallel_loop3A_290 = vector.broadcast %squeeze3A : i32 to vector<16xi32>
        %parallel_loop3A_291 = arith.andi %parallel_loop3A_284, %parallel_loop3A_290 : vector<16xi32>
        %parallel_loop3A_292 = vector.bitcast %parallel_loop3A_291 : vector<16xi32> to vector<16xf32>
        %parallel_loop3A_293 = arith.addf %parallel_loop3A_250, %parallel_loop3A_292 : vector<16xf32>
        %parallel_loop3A_294 = tpu.vector_load_idx %arg8[%parallel_loop3A_273] : memref<1024xi32, #tpu.memory_space<vmem>>[vector<16xi32>], vector<16xi32>,
        %parallel_loop3A_295 = arith.constant 16 : i32
        %parallel_loop3A_296 = vector.broadcast %parallel_loop3A_295 : i32 to vector<16xi32>
        %parallel_loop3A_297 = arith.shli %parallel_loop3A_294, %parallel_loop3A_296 : vector<16xi32>
        %parallel_loop3A_298 = vector.bitcast %parallel_loop3A_297 : vector<16xi32> to vector<16xf32>
        %parallel_loop3A_299 = arith.addf %parallel_loop3A_256, %parallel_loop3A_298 : vector<16xf32>
        %parallel_loop3A_300 = vector.broadcast %squeeze3A : i32 to vector<16xi32>
        %parallel_loop3A_301 = arith.andi %parallel_loop3A_294, %parallel_loop3A_300 : vector<16xi32>
        %parallel_loop3A_302 = vector.bitcast %parallel_loop3A_301 : vector<16xi32> to vector<16xf32>
        %parallel_loop3A_303 = arith.addf %parallel_loop3A_260, %parallel_loop3A_302 : vector<16xf32>
        %parallel_loop3A_304 = tpu.vector_load_idx %arg9[%parallel_loop3A_273] : memref<1024xi32, #tpu.memory_space<vmem>>[vector<16xi32>], vector<16xi32>,
        %parallel_loop3A_305 = arith.constant 16 : i32
        %parallel_loop3A_306 = vector.broadcast %parallel_loop3A_305 : i32 to vector<16xi32>
        %parallel_loop3A_307 = arith.shli %parallel_loop3A_304, %parallel_loop3A_306 : vector<16xi32>
        %parallel_loop3A_308 = vector.bitcast %parallel_loop3A_307 : vector<16xi32> to vector<16xf32>
        %parallel_loop3A_309 = arith.addf %parallel_loop3A_266, %parallel_loop3A_308 : vector<16xf32>
        %parallel_loop3A_310 = arith.constant 8 : i32
        %parallel_loop3A_311 = arith.muli %parallel_loop3A_173, %parallel_loop3A_310 : i32
        %parallel_loop3A_312 = arith.constant 3 : i32
        %parallel_loop3A_313 = arith.addi %parallel_loop3A_311, %parallel_loop3A_312 : i32
        %parallel_loop3A_314 = arith.index_cast %parallel_loop3A_313 : i32 to index
        %parallel_loop3A_315 = arith.index_cast %parallel_loop3A_107 : i32 to index
        %parallel_loop3A_316 = tpu.vector_load %arg10[%parallel_loop3A_314, %parallel_loop3A_315] {strides = array<i32>} : memref<200x512xi32, #tpu.memory_space<vmem>>, vector<16xi32>,
        %parallel_loop3A_317 = tpu.vector_load_idx %arg6[%parallel_loop3A_316] : memref<1024xi32, #tpu.memory_space<vmem>>[vector<16xi32>], vector<16xi32>,
        %parallel_loop3A_318 = arith.constant 16 : i32
        %parallel_loop3A_319 = vector.broadcast %parallel_loop3A_318 : i32 to vector<16xi32>
        %parallel_loop3A_320 = arith.shli %parallel_loop3A_317, %parallel_loop3A_319 : vector<16xi32>
        %parallel_loop3A_321 = vector.bitcast %parallel_loop3A_320 : vector<16xi32> to vector<16xf32>
        %parallel_loop3A_322 = arith.addf %parallel_loop3A_279, %parallel_loop3A_321 : vector<16xf32>
        %parallel_loop3A_323 = vector.broadcast %squeeze3A : i32 to vector<16xi32>
        %parallel_loop3A_324 = arith.andi %parallel_loop3A_317, %parallel_loop3A_323 : vector<16xi32>
        %parallel_loop3A_325 = vector.bitcast %parallel_loop3A_324 : vector<16xi32> to vector<16xf32>
        %parallel_loop3A_326 = arith.addf %parallel_loop3A_283, %parallel_loop3A_325 : vector<16xf32>
        %parallel_loop3A_327 = tpu.vector_load_idx %arg7[%parallel_loop3A_316] : memref<1024xi32, #tpu.memory_space<vmem>>[vector<16xi32>], vector<16xi32>,
        %parallel_loop3A_328 = arith.constant 16 : i32
        %parallel_loop3A_329 = vector.broadcast %parallel_loop3A_328 : i32 to vector<16xi32>
        %parallel_loop3A_330 = arith.shli %parallel_loop3A_327, %parallel_loop3A_329 : vector<16xi32>
        %parallel_loop3A_331 = vector.bitcast %parallel_loop3A_330 : vector<16xi32> to vector<16xf32>
        %parallel_loop3A_332 = arith.addf %parallel_loop3A_289, %parallel_loop3A_331 : vector<16xf32>
        %parallel_loop3A_333 = vector.broadcast %squeeze3A : i32 to vector<16xi32>
        %parallel_loop3A_334 = arith.andi %parallel_loop3A_327, %parallel_loop3A_333 : vector<16xi32>
        %parallel_loop3A_335 = vector.bitcast %parallel_loop3A_334 : vector<16xi32> to vector<16xf32>
        %parallel_loop3A_336 = arith.addf %parallel_loop3A_293, %parallel_loop3A_335 : vector<16xf32>
        %parallel_loop3A_337 = tpu.vector_load_idx %arg8[%parallel_loop3A_316] : memref<1024xi32, #tpu.memory_space<vmem>>[vector<16xi32>], vector<16xi32>,
        %parallel_loop3A_338 = arith.constant 16 : i32
        %parallel_loop3A_339 = vector.broadcast %parallel_loop3A_338 : i32 to vector<16xi32>
        %parallel_loop3A_340 = arith.shli %parallel_loop3A_337, %parallel_loop3A_339 : vector<16xi32>
        %parallel_loop3A_341 = vector.bitcast %parallel_loop3A_340 : vector<16xi32> to vector<16xf32>
        %parallel_loop3A_342 = arith.addf %parallel_loop3A_299, %parallel_loop3A_341 : vector<16xf32>
        %parallel_loop3A_343 = vector.broadcast %squeeze3A : i32 to vector<16xi32>
        %parallel_loop3A_344 = arith.andi %parallel_loop3A_337, %parallel_loop3A_343 : vector<16xi32>
        %parallel_loop3A_345 = vector.bitcast %parallel_loop3A_344 : vector<16xi32> to vector<16xf32>
        %parallel_loop3A_346 = arith.addf %parallel_loop3A_303, %parallel_loop3A_345 : vector<16xf32>
        %parallel_loop3A_347 = tpu.vector_load_idx %arg9[%parallel_loop3A_316] : memref<1024xi32, #tpu.memory_space<vmem>>[vector<16xi32>], vector<16xi32>,
        %parallel_loop3A_348 = arith.constant 16 : i32
        %parallel_loop3A_349 = vector.broadcast %parallel_loop3A_348 : i32 to vector<16xi32>
        %parallel_loop3A_350 = arith.shli %parallel_loop3A_347, %parallel_loop3A_349 : vector<16xi32>
        %parallel_loop3A_351 = vector.bitcast %parallel_loop3A_350 : vector<16xi32> to vector<16xf32>
        %parallel_loop3A_352 = arith.addf %parallel_loop3A_309, %parallel_loop3A_351 : vector<16xf32>
        %parallel_loop3A_353 = arith.constant 8 : i32
        %parallel_loop3A_354 = arith.muli %parallel_loop3A_173, %parallel_loop3A_353 : i32
        %parallel_loop3A_355 = arith.constant 4 : i32
        %parallel_loop3A_356 = arith.addi %parallel_loop3A_354, %parallel_loop3A_355 : i32
        %parallel_loop3A_357 = arith.index_cast %parallel_loop3A_356 : i32 to index
        %parallel_loop3A_358 = arith.index_cast %parallel_loop3A_107 : i32 to index
        %parallel_loop3A_359 = tpu.vector_load %arg10[%parallel_loop3A_357, %parallel_loop3A_358] {strides = array<i32>} : memref<200x512xi32, #tpu.memory_space<vmem>>, vector<16xi32>,
        %parallel_loop3A_360 = tpu.vector_load_idx %arg6[%parallel_loop3A_359] : memref<1024xi32, #tpu.memory_space<vmem>>[vector<16xi32>], vector<16xi32>,
        %parallel_loop3A_361 = arith.constant 16 : i32
        %parallel_loop3A_362 = vector.broadcast %parallel_loop3A_361 : i32 to vector<16xi32>
        %parallel_loop3A_363 = arith.shli %parallel_loop3A_360, %parallel_loop3A_362 : vector<16xi32>
        %parallel_loop3A_364 = vector.bitcast %parallel_loop3A_363 : vector<16xi32> to vector<16xf32>
        %parallel_loop3A_365 = arith.addf %parallel_loop3A_322, %parallel_loop3A_364 : vector<16xf32>
        %parallel_loop3A_366 = vector.broadcast %squeeze3A : i32 to vector<16xi32>
        %parallel_loop3A_367 = arith.andi %parallel_loop3A_360, %parallel_loop3A_366 : vector<16xi32>
        %parallel_loop3A_368 = vector.bitcast %parallel_loop3A_367 : vector<16xi32> to vector<16xf32>
        %parallel_loop3A_369 = arith.addf %parallel_loop3A_326, %parallel_loop3A_368 : vector<16xf32>
        %parallel_loop3A_370 = tpu.vector_load_idx %arg7[%parallel_loop3A_359] : memref<1024xi32, #tpu.memory_space<vmem>>[vector<16xi32>], vector<16xi32>,
        %parallel_loop3A_371 = arith.constant 16 : i32
        %parallel_loop3A_372 = vector.broadcast %parallel_loop3A_371 : i32 to vector<16xi32>
        %parallel_loop3A_373 = arith.shli %parallel_loop3A_370, %parallel_loop3A_372 : vector<16xi32>
        %parallel_loop3A_374 = vector.bitcast %parallel_loop3A_373 : vector<16xi32> to vector<16xf32>
        %parallel_loop3A_375 = arith.addf %parallel_loop3A_332, %parallel_loop3A_374 : vector<16xf32>
        %parallel_loop3A_376 = vector.broadcast %squeeze3A : i32 to vector<16xi32>
        %parallel_loop3A_377 = arith.andi %parallel_loop3A_370, %parallel_loop3A_376 : vector<16xi32>
        %parallel_loop3A_378 = vector.bitcast %parallel_loop3A_377 : vector<16xi32> to vector<16xf32>
        %parallel_loop3A_379 = arith.addf %parallel_loop3A_336, %parallel_loop3A_378 : vector<16xf32>
        %parallel_loop3A_380 = tpu.vector_load_idx %arg8[%parallel_loop3A_359] : memref<1024xi32, #tpu.memory_space<vmem>>[vector<16xi32>], vector<16xi32>,
        %parallel_loop3A_381 = arith.constant 16 : i32
        %parallel_loop3A_382 = vector.broadcast %parallel_loop3A_381 : i32 to vector<16xi32>
        %parallel_loop3A_383 = arith.shli %parallel_loop3A_380, %parallel_loop3A_382 : vector<16xi32>
        %parallel_loop3A_384 = vector.bitcast %parallel_loop3A_383 : vector<16xi32> to vector<16xf32>
        %parallel_loop3A_385 = arith.addf %parallel_loop3A_342, %parallel_loop3A_384 : vector<16xf32>
        %parallel_loop3A_386 = vector.broadcast %squeeze3A : i32 to vector<16xi32>
        %parallel_loop3A_387 = arith.andi %parallel_loop3A_380, %parallel_loop3A_386 : vector<16xi32>
        %parallel_loop3A_388 = vector.bitcast %parallel_loop3A_387 : vector<16xi32> to vector<16xf32>
        %parallel_loop3A_389 = arith.addf %parallel_loop3A_346, %parallel_loop3A_388 : vector<16xf32>
        %parallel_loop3A_390 = tpu.vector_load_idx %arg9[%parallel_loop3A_359] : memref<1024xi32, #tpu.memory_space<vmem>>[vector<16xi32>], vector<16xi32>,
        %parallel_loop3A_391 = arith.constant 16 : i32
        %parallel_loop3A_392 = vector.broadcast %parallel_loop3A_391 : i32 to vector<16xi32>
        %parallel_loop3A_393 = arith.shli %parallel_loop3A_390, %parallel_loop3A_392 : vector<16xi32>
        %parallel_loop3A_394 = vector.bitcast %parallel_loop3A_393 : vector<16xi32> to vector<16xf32>
        %parallel_loop3A_395 = arith.addf %parallel_loop3A_352, %parallel_loop3A_394 : vector<16xf32>
        %parallel_loop3A_396 = arith.constant 8 : i32
        %parallel_loop3A_397 = arith.muli %parallel_loop3A_173, %parallel_loop3A_396 : i32
        %parallel_loop3A_398 = arith.constant 5 : i32
        %parallel_loop3A_399 = arith.addi %parallel_loop3A_397, %parallel_loop3A_398 : i32
        %parallel_loop3A_400 = arith.index_cast %parallel_loop3A_399 : i32 to index
        %parallel_loop3A_401 = arith.index_cast %parallel_loop3A_107 : i32 to index
        %parallel_loop3A_402 = tpu.vector_load %arg10[%parallel_loop3A_400, %parallel_loop3A_401] {strides = array<i32>} : memref<200x512xi32, #tpu.memory_space<vmem>>, vector<16xi32>,
        %parallel_loop3A_403 = tpu.vector_load_idx %arg6[%parallel_loop3A_402] : memref<1024xi32, #tpu.memory_space<vmem>>[vector<16xi32>], vector<16xi32>,
        %parallel_loop3A_404 = arith.constant 16 : i32
        %parallel_loop3A_405 = vector.broadcast %parallel_loop3A_404 : i32 to vector<16xi32>
        %parallel_loop3A_406 = arith.shli %parallel_loop3A_403, %parallel_loop3A_405 : vector<16xi32>
        %parallel_loop3A_407 = vector.bitcast %parallel_loop3A_406 : vector<16xi32> to vector<16xf32>
        %parallel_loop3A_408 = arith.addf %parallel_loop3A_365, %parallel_loop3A_407 : vector<16xf32>
        %parallel_loop3A_409 = vector.broadcast %squeeze3A : i32 to vector<16xi32>
        %parallel_loop3A_410 = arith.andi %parallel_loop3A_403, %parallel_loop3A_409 : vector<16xi32>
        %parallel_loop3A_411 = vector.bitcast %parallel_loop3A_410 : vector<16xi32> to vector<16xf32>
        %parallel_loop3A_412 = arith.addf %parallel_loop3A_369, %parallel_loop3A_411 : vector<16xf32>
        %parallel_loop3A_413 = tpu.vector_load_idx %arg7[%parallel_loop3A_402] : memref<1024xi32, #tpu.memory_space<vmem>>[vector<16xi32>], vector<16xi32>,
        %parallel_loop3A_414 = arith.constant 16 : i32
        %parallel_loop3A_415 = vector.broadcast %parallel_loop3A_414 : i32 to vector<16xi32>
        %parallel_loop3A_416 = arith.shli %parallel_loop3A_413, %parallel_loop3A_415 : vector<16xi32>
        %parallel_loop3A_417 = vector.bitcast %parallel_loop3A_416 : vector<16xi32> to vector<16xf32>
        %parallel_loop3A_418 = arith.addf %parallel_loop3A_375, %parallel_loop3A_417 : vector<16xf32>
        %parallel_loop3A_419 = vector.broadcast %squeeze3A : i32 to vector<16xi32>
        %parallel_loop3A_420 = arith.andi %parallel_loop3A_413, %parallel_loop3A_419 : vector<16xi32>
        %parallel_loop3A_421 = vector.bitcast %parallel_loop3A_420 : vector<16xi32> to vector<16xf32>
        %parallel_loop3A_422 = arith.addf %parallel_loop3A_379, %parallel_loop3A_421 : vector<16xf32>
        %parallel_loop3A_423 = tpu.vector_load_idx %arg8[%parallel_loop3A_402] : memref<1024xi32, #tpu.memory_space<vmem>>[vector<16xi32>], vector<16xi32>,
        %parallel_loop3A_424 = arith.constant 16 : i32
        %parallel_loop3A_425 = vector.broadcast %parallel_loop3A_424 : i32 to vector<16xi32>
        %parallel_loop3A_426 = arith.shli %parallel_loop3A_423, %parallel_loop3A_425 : vector<16xi32>
        %parallel_loop3A_427 = vector.bitcast %parallel_loop3A_426 : vector<16xi32> to vector<16xf32>
        %parallel_loop3A_428 = arith.addf %parallel_loop3A_385, %parallel_loop3A_427 : vector<16xf32>
        %parallel_loop3A_429 = vector.broadcast %squeeze3A : i32 to vector<16xi32>
        %parallel_loop3A_430 = arith.andi %parallel_loop3A_423, %parallel_loop3A_429 : vector<16xi32>
        %parallel_loop3A_431 = vector.bitcast %parallel_loop3A_430 : vector<16xi32> to vector<16xf32>
        %parallel_loop3A_432 = arith.addf %parallel_loop3A_389, %parallel_loop3A_431 : vector<16xf32>
        %parallel_loop3A_433 = tpu.vector_load_idx %arg9[%parallel_loop3A_402] : memref<1024xi32, #tpu.memory_space<vmem>>[vector<16xi32>], vector<16xi32>,
        %parallel_loop3A_434 = arith.constant 16 : i32
        %parallel_loop3A_435 = vector.broadcast %parallel_loop3A_434 : i32 to vector<16xi32>
        %parallel_loop3A_436 = arith.shli %parallel_loop3A_433, %parallel_loop3A_435 : vector<16xi32>
        %parallel_loop3A_437 = vector.bitcast %parallel_loop3A_436 : vector<16xi32> to vector<16xf32>
        %parallel_loop3A_438 = arith.addf %parallel_loop3A_395, %parallel_loop3A_437 : vector<16xf32>
        %parallel_loop3A_439 = arith.constant 8 : i32
        %parallel_loop3A_440 = arith.muli %parallel_loop3A_173, %parallel_loop3A_439 : i32
        %parallel_loop3A_441 = arith.constant 6 : i32
        %parallel_loop3A_442 = arith.addi %parallel_loop3A_440, %parallel_loop3A_441 : i32
        %parallel_loop3A_443 = arith.index_cast %parallel_loop3A_442 : i32 to index
        %parallel_loop3A_444 = arith.index_cast %parallel_loop3A_107 : i32 to index
        %parallel_loop3A_445 = tpu.vector_load %arg10[%parallel_loop3A_443, %parallel_loop3A_444] {strides = array<i32>} : memref<200x512xi32, #tpu.memory_space<vmem>>, vector<16xi32>,
        %parallel_loop3A_446 = tpu.vector_load_idx %arg6[%parallel_loop3A_445] : memref<1024xi32, #tpu.memory_space<vmem>>[vector<16xi32>], vector<16xi32>,
        %parallel_loop3A_447 = arith.constant 16 : i32
        %parallel_loop3A_448 = vector.broadcast %parallel_loop3A_447 : i32 to vector<16xi32>
        %parallel_loop3A_449 = arith.shli %parallel_loop3A_446, %parallel_loop3A_448 : vector<16xi32>
        %parallel_loop3A_450 = vector.bitcast %parallel_loop3A_449 : vector<16xi32> to vector<16xf32>
        %parallel_loop3A_451 = arith.addf %parallel_loop3A_408, %parallel_loop3A_450 : vector<16xf32>
        %parallel_loop3A_452 = vector.broadcast %squeeze3A : i32 to vector<16xi32>
        %parallel_loop3A_453 = arith.andi %parallel_loop3A_446, %parallel_loop3A_452 : vector<16xi32>
        %parallel_loop3A_454 = vector.bitcast %parallel_loop3A_453 : vector<16xi32> to vector<16xf32>
        %parallel_loop3A_455 = arith.addf %parallel_loop3A_412, %parallel_loop3A_454 : vector<16xf32>
        %parallel_loop3A_456 = tpu.vector_load_idx %arg7[%parallel_loop3A_445] : memref<1024xi32, #tpu.memory_space<vmem>>[vector<16xi32>], vector<16xi32>,
        %parallel_loop3A_457 = arith.constant 16 : i32
        %parallel_loop3A_458 = vector.broadcast %parallel_loop3A_457 : i32 to vector<16xi32>
        %parallel_loop3A_459 = arith.shli %parallel_loop3A_456, %parallel_loop3A_458 : vector<16xi32>
        %parallel_loop3A_460 = vector.bitcast %parallel_loop3A_459 : vector<16xi32> to vector<16xf32>
        %parallel_loop3A_461 = arith.addf %parallel_loop3A_418, %parallel_loop3A_460 : vector<16xf32>
        %parallel_loop3A_462 = vector.broadcast %squeeze3A : i32 to vector<16xi32>
        %parallel_loop3A_463 = arith.andi %parallel_loop3A_456, %parallel_loop3A_462 : vector<16xi32>
        %parallel_loop3A_464 = vector.bitcast %parallel_loop3A_463 : vector<16xi32> to vector<16xf32>
        %parallel_loop3A_465 = arith.addf %parallel_loop3A_422, %parallel_loop3A_464 : vector<16xf32>
        %parallel_loop3A_466 = tpu.vector_load_idx %arg8[%parallel_loop3A_445] : memref<1024xi32, #tpu.memory_space<vmem>>[vector<16xi32>], vector<16xi32>,
        %parallel_loop3A_467 = arith.constant 16 : i32
        %parallel_loop3A_468 = vector.broadcast %parallel_loop3A_467 : i32 to vector<16xi32>
        %parallel_loop3A_469 = arith.shli %parallel_loop3A_466, %parallel_loop3A_468 : vector<16xi32>
        %parallel_loop3A_470 = vector.bitcast %parallel_loop3A_469 : vector<16xi32> to vector<16xf32>
        %parallel_loop3A_471 = arith.addf %parallel_loop3A_428, %parallel_loop3A_470 : vector<16xf32>
        %parallel_loop3A_472 = vector.broadcast %squeeze3A : i32 to vector<16xi32>
        %parallel_loop3A_473 = arith.andi %parallel_loop3A_466, %parallel_loop3A_472 : vector<16xi32>
        %parallel_loop3A_474 = vector.bitcast %parallel_loop3A_473 : vector<16xi32> to vector<16xf32>
        %parallel_loop3A_475 = arith.addf %parallel_loop3A_432, %parallel_loop3A_474 : vector<16xf32>
        %parallel_loop3A_476 = tpu.vector_load_idx %arg9[%parallel_loop3A_445] : memref<1024xi32, #tpu.memory_space<vmem>>[vector<16xi32>], vector<16xi32>,
        %parallel_loop3A_477 = arith.constant 16 : i32
        %parallel_loop3A_478 = vector.broadcast %parallel_loop3A_477 : i32 to vector<16xi32>
        %parallel_loop3A_479 = arith.shli %parallel_loop3A_476, %parallel_loop3A_478 : vector<16xi32>
        %parallel_loop3A_480 = vector.bitcast %parallel_loop3A_479 : vector<16xi32> to vector<16xf32>
        %parallel_loop3A_481 = arith.addf %parallel_loop3A_438, %parallel_loop3A_480 : vector<16xf32>
        %parallel_loop3A_482 = arith.constant 8 : i32
        %parallel_loop3A_483 = arith.muli %parallel_loop3A_173, %parallel_loop3A_482 : i32
        %parallel_loop3A_484 = arith.constant 7 : i32
        %parallel_loop3A_485 = arith.addi %parallel_loop3A_483, %parallel_loop3A_484 : i32
        %parallel_loop3A_486 = arith.index_cast %parallel_loop3A_485 : i32 to index
        %parallel_loop3A_487 = arith.index_cast %parallel_loop3A_107 : i32 to index
        %parallel_loop3A_488 = tpu.vector_load %arg10[%parallel_loop3A_486, %parallel_loop3A_487] {strides = array<i32>} : memref<200x512xi32, #tpu.memory_space<vmem>>, vector<16xi32>,
        %parallel_loop3A_489 = tpu.vector_load_idx %arg6[%parallel_loop3A_488] : memref<1024xi32, #tpu.memory_space<vmem>>[vector<16xi32>], vector<16xi32>,
        %parallel_loop3A_490 = arith.constant 16 : i32
        %parallel_loop3A_491 = vector.broadcast %parallel_loop3A_490 : i32 to vector<16xi32>
        %parallel_loop3A_492 = arith.shli %parallel_loop3A_489, %parallel_loop3A_491 : vector<16xi32>
        %parallel_loop3A_493 = vector.bitcast %parallel_loop3A_492 : vector<16xi32> to vector<16xf32>
        %parallel_loop3A_494 = arith.addf %parallel_loop3A_451, %parallel_loop3A_493 : vector<16xf32>
        %parallel_loop3A_495 = vector.broadcast %squeeze3A : i32 to vector<16xi32>
        %parallel_loop3A_496 = arith.andi %parallel_loop3A_489, %parallel_loop3A_495 : vector<16xi32>
        %parallel_loop3A_497 = vector.bitcast %parallel_loop3A_496 : vector<16xi32> to vector<16xf32>
        %parallel_loop3A_498 = arith.addf %parallel_loop3A_455, %parallel_loop3A_497 : vector<16xf32>
        %parallel_loop3A_499 = tpu.vector_load_idx %arg7[%parallel_loop3A_488] : memref<1024xi32, #tpu.memory_space<vmem>>[vector<16xi32>], vector<16xi32>,
        %parallel_loop3A_500 = arith.constant 16 : i32
        %parallel_loop3A_501 = vector.broadcast %parallel_loop3A_500 : i32 to vector<16xi32>
        %parallel_loop3A_502 = arith.shli %parallel_loop3A_499, %parallel_loop3A_501 : vector<16xi32>
        %parallel_loop3A_503 = vector.bitcast %parallel_loop3A_502 : vector<16xi32> to vector<16xf32>
        %parallel_loop3A_504 = arith.addf %parallel_loop3A_461, %parallel_loop3A_503 : vector<16xf32>
        %parallel_loop3A_505 = vector.broadcast %squeeze3A : i32 to vector<16xi32>
        %parallel_loop3A_506 = arith.andi %parallel_loop3A_499, %parallel_loop3A_505 : vector<16xi32>
        %parallel_loop3A_507 = vector.bitcast %parallel_loop3A_506 : vector<16xi32> to vector<16xf32>
        %parallel_loop3A_508 = arith.addf %parallel_loop3A_465, %parallel_loop3A_507 : vector<16xf32>
        %parallel_loop3A_509 = tpu.vector_load_idx %arg8[%parallel_loop3A_488] : memref<1024xi32, #tpu.memory_space<vmem>>[vector<16xi32>], vector<16xi32>,
        %parallel_loop3A_510 = arith.constant 16 : i32
        %parallel_loop3A_511 = vector.broadcast %parallel_loop3A_510 : i32 to vector<16xi32>
        %parallel_loop3A_512 = arith.shli %parallel_loop3A_509, %parallel_loop3A_511 : vector<16xi32>
        %parallel_loop3A_513 = vector.bitcast %parallel_loop3A_512 : vector<16xi32> to vector<16xf32>
        %parallel_loop3A_514 = arith.addf %parallel_loop3A_471, %parallel_loop3A_513 : vector<16xf32>
        %parallel_loop3A_515 = vector.broadcast %squeeze3A : i32 to vector<16xi32>
        %parallel_loop3A_516 = arith.andi %parallel_loop3A_509, %parallel_loop3A_515 : vector<16xi32>
        %parallel_loop3A_517 = vector.bitcast %parallel_loop3A_516 : vector<16xi32> to vector<16xf32>
        %parallel_loop3A_518 = arith.addf %parallel_loop3A_475, %parallel_loop3A_517 : vector<16xf32>
        %parallel_loop3A_519 = tpu.vector_load_idx %arg9[%parallel_loop3A_488] : memref<1024xi32, #tpu.memory_space<vmem>>[vector<16xi32>], vector<16xi32>,
        %parallel_loop3A_520 = arith.constant 16 : i32
        %parallel_loop3A_521 = vector.broadcast %parallel_loop3A_520 : i32 to vector<16xi32>
        %parallel_loop3A_522 = arith.shli %parallel_loop3A_519, %parallel_loop3A_521 : vector<16xi32>
        %parallel_loop3A_523 = vector.bitcast %parallel_loop3A_522 : vector<16xi32> to vector<16xf32>
        %parallel_loop3A_524 = arith.addf %parallel_loop3A_481, %parallel_loop3A_523 : vector<16xf32>
        scf.yield %parallel_loop3A_494, %parallel_loop3A_498, %parallel_loop3A_504, %parallel_loop3A_508, %parallel_loop3A_514, %parallel_loop3A_518, %parallel_loop3A_524 : vector<16xf32>, vector<16xf32>, vector<16xf32>, vector<16xf32>, vector<16xf32>, vector<16xf32>, vector<16xf32>
      } {sc.loop_unroll_factor = 1 : i64, sc.parallel_access}
      %parallel_loop3A_112 = arith.maximumf %parallel_loop3A_111#0, %parallel_loop3A_111#1 : vector<16xf32>
      %parallel_loop3A_113 = arith.maximumf %parallel_loop3A_112, %parallel_loop3A_111#2 : vector<16xf32>
      %parallel_loop3A_114 = arith.maximumf %parallel_loop3A_113, %parallel_loop3A_111#3 : vector<16xf32>
      %parallel_loop3A_115 = arith.maximumf %parallel_loop3A_114, %parallel_loop3A_111#4 : vector<16xf32>
      %parallel_loop3A_116 = arith.maximumf %parallel_loop3A_115, %parallel_loop3A_111#5 : vector<16xf32>
      %parallel_loop3A_117 = arith.maximumf %parallel_loop3A_116, %parallel_loop3A_111#6 : vector<16xf32>
      %parallel_loop3A_118 = arith.subf %parallel_loop3A_111#0, %parallel_loop3A_117 : vector<16xf32>
      %parallel_loop3A_119 = math.exp %parallel_loop3A_118 : vector<16xf32>
      %parallel_loop3A_120 = arith.subf %parallel_loop3A_111#1, %parallel_loop3A_117 : vector<16xf32>
      %parallel_loop3A_121 = math.exp %parallel_loop3A_120 : vector<16xf32>
      %parallel_loop3A_122 = arith.subf %parallel_loop3A_111#2, %parallel_loop3A_117 : vector<16xf32>
      %parallel_loop3A_123 = math.exp %parallel_loop3A_122 : vector<16xf32>
      %parallel_loop3A_124 = arith.subf %parallel_loop3A_111#3, %parallel_loop3A_117 : vector<16xf32>
      %parallel_loop3A_125 = math.exp %parallel_loop3A_124 : vector<16xf32>
      %parallel_loop3A_126 = arith.subf %parallel_loop3A_111#4, %parallel_loop3A_117 : vector<16xf32>
      %parallel_loop3A_127 = math.exp %parallel_loop3A_126 : vector<16xf32>
      %parallel_loop3A_128 = arith.subf %parallel_loop3A_111#5, %parallel_loop3A_117 : vector<16xf32>
      %parallel_loop3A_129 = math.exp %parallel_loop3A_128 : vector<16xf32>
      %parallel_loop3A_130 = arith.subf %parallel_loop3A_111#6, %parallel_loop3A_117 : vector<16xf32>
      %parallel_loop3A_131 = math.exp %parallel_loop3A_130 : vector<16xf32>
      %parallel_loop3A_132 = arith.addf %parallel_loop3A_119, %parallel_loop3A_121 : vector<16xf32>
      %parallel_loop3A_133 = arith.addf %parallel_loop3A_132, %parallel_loop3A_123 : vector<16xf32>
      %parallel_loop3A_134 = arith.addf %parallel_loop3A_133, %parallel_loop3A_125 : vector<16xf32>
      %parallel_loop3A_135 = arith.addf %parallel_loop3A_134, %parallel_loop3A_127 : vector<16xf32>
      %parallel_loop3A_136 = arith.addf %parallel_loop3A_135, %parallel_loop3A_129 : vector<16xf32>
      %parallel_loop3A_137 = arith.addf %parallel_loop3A_136, %parallel_loop3A_131 : vector<16xf32>
      %parallel_loop3A_138 = arith.divf %parallel_loop3A_119, %parallel_loop3A_137 : vector<16xf32>
      %parallel_loop3A_139 = arith.constant 0 : i32
      %parallel_loop3A_140 = arith.index_cast %parallel_loop3A_139 : i32 to index
      %parallel_loop3A_141 = arith.index_cast %parallel_loop3A_107 : i32 to index
      %parallel_loop3A_142 = tpu.vector_load %arg11[%parallel_loop3A_140, %parallel_loop3A_141] {strides = array<i32>} : memref<7x512xf32, #tpu.memory_space<vmem>>, vector<16xf32>,
      tpu.vector_store %arg11[%parallel_loop3A_140, %parallel_loop3A_141], %parallel_loop3A_138 {strides = array<i32>} : memref<7x512xf32, #tpu.memory_space<vmem>>, vector<16xf32>,
      %parallel_loop3A_143 = arith.divf %parallel_loop3A_121, %parallel_loop3A_137 : vector<16xf32>
      %parallel_loop3A_144 = arith.constant 1 : i32
      %parallel_loop3A_145 = arith.index_cast %parallel_loop3A_144 : i32 to index
      %parallel_loop3A_146 = arith.index_cast %parallel_loop3A_107 : i32 to index
      %parallel_loop3A_147 = tpu.vector_load %arg11[%parallel_loop3A_145, %parallel_loop3A_146] {strides = array<i32>} : memref<7x512xf32, #tpu.memory_space<vmem>>, vector<16xf32>,
      tpu.vector_store %arg11[%parallel_loop3A_145, %parallel_loop3A_146], %parallel_loop3A_143 {strides = array<i32>} : memref<7x512xf32, #tpu.memory_space<vmem>>, vector<16xf32>,
      %parallel_loop3A_148 = arith.divf %parallel_loop3A_123, %parallel_loop3A_137 : vector<16xf32>
      %parallel_loop3A_149 = arith.constant 2 : i32
      %parallel_loop3A_150 = arith.index_cast %parallel_loop3A_149 : i32 to index
      %parallel_loop3A_151 = arith.index_cast %parallel_loop3A_107 : i32 to index
      %parallel_loop3A_152 = tpu.vector_load %arg11[%parallel_loop3A_150, %parallel_loop3A_151] {strides = array<i32>} : memref<7x512xf32, #tpu.memory_space<vmem>>, vector<16xf32>,
      tpu.vector_store %arg11[%parallel_loop3A_150, %parallel_loop3A_151], %parallel_loop3A_148 {strides = array<i32>} : memref<7x512xf32, #tpu.memory_space<vmem>>, vector<16xf32>,
      %parallel_loop3A_153 = arith.divf %parallel_loop3A_125, %parallel_loop3A_137 : vector<16xf32>
      %parallel_loop3A_154 = arith.constant 3 : i32
      %parallel_loop3A_155 = arith.index_cast %parallel_loop3A_154 : i32 to index
      %parallel_loop3A_156 = arith.index_cast %parallel_loop3A_107 : i32 to index
      %parallel_loop3A_157 = tpu.vector_load %arg11[%parallel_loop3A_155, %parallel_loop3A_156] {strides = array<i32>} : memref<7x512xf32, #tpu.memory_space<vmem>>, vector<16xf32>,
      tpu.vector_store %arg11[%parallel_loop3A_155, %parallel_loop3A_156], %parallel_loop3A_153 {strides = array<i32>} : memref<7x512xf32, #tpu.memory_space<vmem>>, vector<16xf32>,
      %parallel_loop3A_158 = arith.divf %parallel_loop3A_127, %parallel_loop3A_137 : vector<16xf32>
      %parallel_loop3A_159 = arith.constant 4 : i32
      %parallel_loop3A_160 = arith.index_cast %parallel_loop3A_159 : i32 to index
      %parallel_loop3A_161 = arith.index_cast %parallel_loop3A_107 : i32 to index
      %parallel_loop3A_162 = tpu.vector_load %arg11[%parallel_loop3A_160, %parallel_loop3A_161] {strides = array<i32>} : memref<7x512xf32, #tpu.memory_space<vmem>>, vector<16xf32>,
      tpu.vector_store %arg11[%parallel_loop3A_160, %parallel_loop3A_161], %parallel_loop3A_158 {strides = array<i32>} : memref<7x512xf32, #tpu.memory_space<vmem>>, vector<16xf32>,
      %parallel_loop3A_163 = arith.divf %parallel_loop3A_129, %parallel_loop3A_137 : vector<16xf32>
      %parallel_loop3A_164 = arith.constant 5 : i32
      %parallel_loop3A_165 = arith.index_cast %parallel_loop3A_164 : i32 to index
      %parallel_loop3A_166 = arith.index_cast %parallel_loop3A_107 : i32 to index
      %parallel_loop3A_167 = tpu.vector_load %arg11[%parallel_loop3A_165, %parallel_loop3A_166] {strides = array<i32>} : memref<7x512xf32, #tpu.memory_space<vmem>>, vector<16xf32>,
      tpu.vector_store %arg11[%parallel_loop3A_165, %parallel_loop3A_166], %parallel_loop3A_163 {strides = array<i32>} : memref<7x512xf32, #tpu.memory_space<vmem>>, vector<16xf32>,
      %parallel_loop3A_168 = arith.divf %parallel_loop3A_131, %parallel_loop3A_137 : vector<16xf32>
      %parallel_loop3A_169 = arith.constant 6 : i32
      %parallel_loop3A_170 = arith.index_cast %parallel_loop3A_169 : i32 to index
      %parallel_loop3A_171 = arith.index_cast %parallel_loop3A_107 : i32 to index
      %parallel_loop3A_172 = tpu.vector_load %arg11[%parallel_loop3A_170, %parallel_loop3A_171] {strides = array<i32>} : memref<7x512xf32, #tpu.memory_space<vmem>>, vector<16xf32>,
      tpu.vector_store %arg11[%parallel_loop3A_170, %parallel_loop3A_171], %parallel_loop3A_168 {strides = array<i32>} : memref<7x512xf32, #tpu.memory_space<vmem>>, vector<16xf32>,
    } {sc.loop_unroll_factor = 1 : i64, sc.parallel_access}
    %dma_wait3A_92 = arith.constant 0 : i32
    %dma_wait3A_93 = arith.constant 384 : i32
    %dma_wait3A_94 = tpu.memref_slice %arg10[%dma_wait3A_92, %dma_wait3A_93] : memref<200x512xi32, #tpu.memory_space<vmem>> -> memref<200x128xi32, #tpu.memory_space<vmem>>
    %dma_wait3A_95 = arith.constant 0 : i32
    %dma_wait3A_96 = tpu.memref_slice %arg3[%dma_wait3A_95, %add3A_40] : memref<200x16384xi32, #tpu.memory_space<hbm>> -> memref<200x128xi32, #tpu.memory_space<hbm>>
    %dma_wait3A_97 = arith.constant 0 : i32
    %dma_wait3A_98 = arith.constant 384 : i32
    %dma_wait3A_99 = tpu.memref_slice %arg10[%dma_wait3A_97, %dma_wait3A_98] : memref<200x512xi32, #tpu.memory_space<vmem>> -> memref<200x128xi32, #tpu.memory_space<vmem>>
    %dma_wait3A_100 = arith.constant 0 : i32
    %dma_wait3A_101 = tpu.memref_slice %arg3[%dma_wait3A_100, %add3A_40] : memref<200x16384xi32, #tpu.memory_space<hbm>> -> memref<200x128xi32, #tpu.memory_space<hbm>>
    tpu.wait_dma2 semaphore(%arg15 : memref<!tpu.dma_semaphore, #tpu.memory_space<semaphore_mem>>) src(%dma_wait3A_101 : memref<200x128xi32, #tpu.memory_space<hbm>>) dst(%dma_wait3A_99 : memref<200x128xi32, #tpu.memory_space<vmem>>)
    %parallel_loop3A_102 = arith.constant 24 : i32
    %parallel_loop3A_103 = arith.constant 32 : i32
    %parallel_loop3A_104 = arith.constant 1 : i32
    scf.for %parallel_loop3A_105 = %parallel_loop3A_102 to %parallel_loop3A_103 step %parallel_loop3A_104  : i32 {
      %parallel_loop3A_106 = arith.constant 16 : i32
      %parallel_loop3A_107 = arith.muli %parallel_loop3A_105, %parallel_loop3A_106 : i32
      %parallel_loop3A_108 = arith.constant 0 : i32
      %parallel_loop3A_109 = arith.constant 25 : i32
      %parallel_loop3A_110 = arith.constant 1 : i32
      %parallel_loop3A_111:7 = scf.for %parallel_loop3A_173 = %parallel_loop3A_108 to %parallel_loop3A_109 step %parallel_loop3A_110 iter_args(%parallel_loop3A_174 = %broadcast_in_dim3A_54, %parallel_loop3A_175 = %broadcast_in_dim3A_54, %parallel_loop3A_176 = %broadcast_in_dim3A_54, %parallel_loop3A_177 = %broadcast_in_dim3A_54, %parallel_loop3A_178 = %broadcast_in_dim3A_54, %parallel_loop3A_179 = %broadcast_in_dim3A_54, %parallel_loop3A_180 = %broadcast_in_dim3A_54) -> (vector<16xf32>, vector<16xf32>, vector<16xf32>, vector<16xf32>, vector<16xf32>, vector<16xf32>, vector<16xf32>)  : i32 {
        %parallel_loop3A_181 = arith.constant 8 : i32
        %parallel_loop3A_182 = arith.muli %parallel_loop3A_173, %parallel_loop3A_181 : i32
        %parallel_loop3A_183 = arith.constant 0 : i32
        %parallel_loop3A_184 = arith.addi %parallel_loop3A_182, %parallel_loop3A_183 : i32
        %parallel_loop3A_185 = arith.index_cast %parallel_loop3A_184 : i32 to index
        %parallel_loop3A_186 = arith.index_cast %parallel_loop3A_107 : i32 to index
        %parallel_loop3A_187 = tpu.vector_load %arg10[%parallel_loop3A_185, %parallel_loop3A_186] {strides = array<i32>} : memref<200x512xi32, #tpu.memory_space<vmem>>, vector<16xi32>,
        %parallel_loop3A_188 = tpu.vector_load_idx %arg6[%parallel_loop3A_187] : memref<1024xi32, #tpu.memory_space<vmem>>[vector<16xi32>], vector<16xi32>,
        %parallel_loop3A_189 = arith.constant 16 : i32
        %parallel_loop3A_190 = vector.broadcast %parallel_loop3A_189 : i32 to vector<16xi32>
        %parallel_loop3A_191 = arith.shli %parallel_loop3A_188, %parallel_loop3A_190 : vector<16xi32>
        %parallel_loop3A_192 = vector.bitcast %parallel_loop3A_191 : vector<16xi32> to vector<16xf32>
        %parallel_loop3A_193 = arith.addf %parallel_loop3A_174, %parallel_loop3A_192 : vector<16xf32>
        %parallel_loop3A_194 = vector.broadcast %squeeze3A : i32 to vector<16xi32>
        %parallel_loop3A_195 = arith.andi %parallel_loop3A_188, %parallel_loop3A_194 : vector<16xi32>
        %parallel_loop3A_196 = vector.bitcast %parallel_loop3A_195 : vector<16xi32> to vector<16xf32>
        %parallel_loop3A_197 = arith.addf %parallel_loop3A_175, %parallel_loop3A_196 : vector<16xf32>
        %parallel_loop3A_198 = tpu.vector_load_idx %arg7[%parallel_loop3A_187] : memref<1024xi32, #tpu.memory_space<vmem>>[vector<16xi32>], vector<16xi32>,
        %parallel_loop3A_199 = arith.constant 16 : i32
        %parallel_loop3A_200 = vector.broadcast %parallel_loop3A_199 : i32 to vector<16xi32>
        %parallel_loop3A_201 = arith.shli %parallel_loop3A_198, %parallel_loop3A_200 : vector<16xi32>
        %parallel_loop3A_202 = vector.bitcast %parallel_loop3A_201 : vector<16xi32> to vector<16xf32>
        %parallel_loop3A_203 = arith.addf %parallel_loop3A_176, %parallel_loop3A_202 : vector<16xf32>
        %parallel_loop3A_204 = vector.broadcast %squeeze3A : i32 to vector<16xi32>
        %parallel_loop3A_205 = arith.andi %parallel_loop3A_198, %parallel_loop3A_204 : vector<16xi32>
        %parallel_loop3A_206 = vector.bitcast %parallel_loop3A_205 : vector<16xi32> to vector<16xf32>
        %parallel_loop3A_207 = arith.addf %parallel_loop3A_177, %parallel_loop3A_206 : vector<16xf32>
        %parallel_loop3A_208 = tpu.vector_load_idx %arg8[%parallel_loop3A_187] : memref<1024xi32, #tpu.memory_space<vmem>>[vector<16xi32>], vector<16xi32>,
        %parallel_loop3A_209 = arith.constant 16 : i32
        %parallel_loop3A_210 = vector.broadcast %parallel_loop3A_209 : i32 to vector<16xi32>
        %parallel_loop3A_211 = arith.shli %parallel_loop3A_208, %parallel_loop3A_210 : vector<16xi32>
        %parallel_loop3A_212 = vector.bitcast %parallel_loop3A_211 : vector<16xi32> to vector<16xf32>
        %parallel_loop3A_213 = arith.addf %parallel_loop3A_178, %parallel_loop3A_212 : vector<16xf32>
        %parallel_loop3A_214 = vector.broadcast %squeeze3A : i32 to vector<16xi32>
        %parallel_loop3A_215 = arith.andi %parallel_loop3A_208, %parallel_loop3A_214 : vector<16xi32>
        %parallel_loop3A_216 = vector.bitcast %parallel_loop3A_215 : vector<16xi32> to vector<16xf32>
        %parallel_loop3A_217 = arith.addf %parallel_loop3A_179, %parallel_loop3A_216 : vector<16xf32>
        %parallel_loop3A_218 = tpu.vector_load_idx %arg9[%parallel_loop3A_187] : memref<1024xi32, #tpu.memory_space<vmem>>[vector<16xi32>], vector<16xi32>,
        %parallel_loop3A_219 = arith.constant 16 : i32
        %parallel_loop3A_220 = vector.broadcast %parallel_loop3A_219 : i32 to vector<16xi32>
        %parallel_loop3A_221 = arith.shli %parallel_loop3A_218, %parallel_loop3A_220 : vector<16xi32>
        %parallel_loop3A_222 = vector.bitcast %parallel_loop3A_221 : vector<16xi32> to vector<16xf32>
        %parallel_loop3A_223 = arith.addf %parallel_loop3A_180, %parallel_loop3A_222 : vector<16xf32>
        %parallel_loop3A_224 = arith.constant 8 : i32
        %parallel_loop3A_225 = arith.muli %parallel_loop3A_173, %parallel_loop3A_224 : i32
        %parallel_loop3A_226 = arith.constant 1 : i32
        %parallel_loop3A_227 = arith.addi %parallel_loop3A_225, %parallel_loop3A_226 : i32
        %parallel_loop3A_228 = arith.index_cast %parallel_loop3A_227 : i32 to index
        %parallel_loop3A_229 = arith.index_cast %parallel_loop3A_107 : i32 to index
        %parallel_loop3A_230 = tpu.vector_load %arg10[%parallel_loop3A_228, %parallel_loop3A_229] {strides = array<i32>} : memref<200x512xi32, #tpu.memory_space<vmem>>, vector<16xi32>,
        %parallel_loop3A_231 = tpu.vector_load_idx %arg6[%parallel_loop3A_230] : memref<1024xi32, #tpu.memory_space<vmem>>[vector<16xi32>], vector<16xi32>,
        %parallel_loop3A_232 = arith.constant 16 : i32
        %parallel_loop3A_233 = vector.broadcast %parallel_loop3A_232 : i32 to vector<16xi32>
        %parallel_loop3A_234 = arith.shli %parallel_loop3A_231, %parallel_loop3A_233 : vector<16xi32>
        %parallel_loop3A_235 = vector.bitcast %parallel_loop3A_234 : vector<16xi32> to vector<16xf32>
        %parallel_loop3A_236 = arith.addf %parallel_loop3A_193, %parallel_loop3A_235 : vector<16xf32>
        %parallel_loop3A_237 = vector.broadcast %squeeze3A : i32 to vector<16xi32>
        %parallel_loop3A_238 = arith.andi %parallel_loop3A_231, %parallel_loop3A_237 : vector<16xi32>
        %parallel_loop3A_239 = vector.bitcast %parallel_loop3A_238 : vector<16xi32> to vector<16xf32>
        %parallel_loop3A_240 = arith.addf %parallel_loop3A_197, %parallel_loop3A_239 : vector<16xf32>
        %parallel_loop3A_241 = tpu.vector_load_idx %arg7[%parallel_loop3A_230] : memref<1024xi32, #tpu.memory_space<vmem>>[vector<16xi32>], vector<16xi32>,
        %parallel_loop3A_242 = arith.constant 16 : i32
        %parallel_loop3A_243 = vector.broadcast %parallel_loop3A_242 : i32 to vector<16xi32>
        %parallel_loop3A_244 = arith.shli %parallel_loop3A_241, %parallel_loop3A_243 : vector<16xi32>
        %parallel_loop3A_245 = vector.bitcast %parallel_loop3A_244 : vector<16xi32> to vector<16xf32>
        %parallel_loop3A_246 = arith.addf %parallel_loop3A_203, %parallel_loop3A_245 : vector<16xf32>
        %parallel_loop3A_247 = vector.broadcast %squeeze3A : i32 to vector<16xi32>
        %parallel_loop3A_248 = arith.andi %parallel_loop3A_241, %parallel_loop3A_247 : vector<16xi32>
        %parallel_loop3A_249 = vector.bitcast %parallel_loop3A_248 : vector<16xi32> to vector<16xf32>
        %parallel_loop3A_250 = arith.addf %parallel_loop3A_207, %parallel_loop3A_249 : vector<16xf32>
        %parallel_loop3A_251 = tpu.vector_load_idx %arg8[%parallel_loop3A_230] : memref<1024xi32, #tpu.memory_space<vmem>>[vector<16xi32>], vector<16xi32>,
        %parallel_loop3A_252 = arith.constant 16 : i32
        %parallel_loop3A_253 = vector.broadcast %parallel_loop3A_252 : i32 to vector<16xi32>
        %parallel_loop3A_254 = arith.shli %parallel_loop3A_251, %parallel_loop3A_253 : vector<16xi32>
        %parallel_loop3A_255 = vector.bitcast %parallel_loop3A_254 : vector<16xi32> to vector<16xf32>
        %parallel_loop3A_256 = arith.addf %parallel_loop3A_213, %parallel_loop3A_255 : vector<16xf32>
        %parallel_loop3A_257 = vector.broadcast %squeeze3A : i32 to vector<16xi32>
        %parallel_loop3A_258 = arith.andi %parallel_loop3A_251, %parallel_loop3A_257 : vector<16xi32>
        %parallel_loop3A_259 = vector.bitcast %parallel_loop3A_258 : vector<16xi32> to vector<16xf32>
        %parallel_loop3A_260 = arith.addf %parallel_loop3A_217, %parallel_loop3A_259 : vector<16xf32>
        %parallel_loop3A_261 = tpu.vector_load_idx %arg9[%parallel_loop3A_230] : memref<1024xi32, #tpu.memory_space<vmem>>[vector<16xi32>], vector<16xi32>,
        %parallel_loop3A_262 = arith.constant 16 : i32
        %parallel_loop3A_263 = vector.broadcast %parallel_loop3A_262 : i32 to vector<16xi32>
        %parallel_loop3A_264 = arith.shli %parallel_loop3A_261, %parallel_loop3A_263 : vector<16xi32>
        %parallel_loop3A_265 = vector.bitcast %parallel_loop3A_264 : vector<16xi32> to vector<16xf32>
        %parallel_loop3A_266 = arith.addf %parallel_loop3A_223, %parallel_loop3A_265 : vector<16xf32>
        %parallel_loop3A_267 = arith.constant 8 : i32
        %parallel_loop3A_268 = arith.muli %parallel_loop3A_173, %parallel_loop3A_267 : i32
        %parallel_loop3A_269 = arith.constant 2 : i32
        %parallel_loop3A_270 = arith.addi %parallel_loop3A_268, %parallel_loop3A_269 : i32
        %parallel_loop3A_271 = arith.index_cast %parallel_loop3A_270 : i32 to index
        %parallel_loop3A_272 = arith.index_cast %parallel_loop3A_107 : i32 to index
        %parallel_loop3A_273 = tpu.vector_load %arg10[%parallel_loop3A_271, %parallel_loop3A_272] {strides = array<i32>} : memref<200x512xi32, #tpu.memory_space<vmem>>, vector<16xi32>,
        %parallel_loop3A_274 = tpu.vector_load_idx %arg6[%parallel_loop3A_273] : memref<1024xi32, #tpu.memory_space<vmem>>[vector<16xi32>], vector<16xi32>,
        %parallel_loop3A_275 = arith.constant 16 : i32
        %parallel_loop3A_276 = vector.broadcast %parallel_loop3A_275 : i32 to vector<16xi32>
        %parallel_loop3A_277 = arith.shli %parallel_loop3A_274, %parallel_loop3A_276 : vector<16xi32>
        %parallel_loop3A_278 = vector.bitcast %parallel_loop3A_277 : vector<16xi32> to vector<16xf32>
        %parallel_loop3A_279 = arith.addf %parallel_loop3A_236, %parallel_loop3A_278 : vector<16xf32>
        %parallel_loop3A_280 = vector.broadcast %squeeze3A : i32 to vector<16xi32>
        %parallel_loop3A_281 = arith.andi %parallel_loop3A_274, %parallel_loop3A_280 : vector<16xi32>
        %parallel_loop3A_282 = vector.bitcast %parallel_loop3A_281 : vector<16xi32> to vector<16xf32>
        %parallel_loop3A_283 = arith.addf %parallel_loop3A_240, %parallel_loop3A_282 : vector<16xf32>
        %parallel_loop3A_284 = tpu.vector_load_idx %arg7[%parallel_loop3A_273] : memref<1024xi32, #tpu.memory_space<vmem>>[vector<16xi32>], vector<16xi32>,
        %parallel_loop3A_285 = arith.constant 16 : i32
        %parallel_loop3A_286 = vector.broadcast %parallel_loop3A_285 : i32 to vector<16xi32>
        %parallel_loop3A_287 = arith.shli %parallel_loop3A_284, %parallel_loop3A_286 : vector<16xi32>
        %parallel_loop3A_288 = vector.bitcast %parallel_loop3A_287 : vector<16xi32> to vector<16xf32>
        %parallel_loop3A_289 = arith.addf %parallel_loop3A_246, %parallel_loop3A_288 : vector<16xf32>
        %parallel_loop3A_290 = vector.broadcast %squeeze3A : i32 to vector<16xi32>
        %parallel_loop3A_291 = arith.andi %parallel_loop3A_284, %parallel_loop3A_290 : vector<16xi32>
        %parallel_loop3A_292 = vector.bitcast %parallel_loop3A_291 : vector<16xi32> to vector<16xf32>
        %parallel_loop3A_293 = arith.addf %parallel_loop3A_250, %parallel_loop3A_292 : vector<16xf32>
        %parallel_loop3A_294 = tpu.vector_load_idx %arg8[%parallel_loop3A_273] : memref<1024xi32, #tpu.memory_space<vmem>>[vector<16xi32>], vector<16xi32>,
        %parallel_loop3A_295 = arith.constant 16 : i32
        %parallel_loop3A_296 = vector.broadcast %parallel_loop3A_295 : i32 to vector<16xi32>
        %parallel_loop3A_297 = arith.shli %parallel_loop3A_294, %parallel_loop3A_296 : vector<16xi32>
        %parallel_loop3A_298 = vector.bitcast %parallel_loop3A_297 : vector<16xi32> to vector<16xf32>
        %parallel_loop3A_299 = arith.addf %parallel_loop3A_256, %parallel_loop3A_298 : vector<16xf32>
        %parallel_loop3A_300 = vector.broadcast %squeeze3A : i32 to vector<16xi32>
        %parallel_loop3A_301 = arith.andi %parallel_loop3A_294, %parallel_loop3A_300 : vector<16xi32>
        %parallel_loop3A_302 = vector.bitcast %parallel_loop3A_301 : vector<16xi32> to vector<16xf32>
        %parallel_loop3A_303 = arith.addf %parallel_loop3A_260, %parallel_loop3A_302 : vector<16xf32>
        %parallel_loop3A_304 = tpu.vector_load_idx %arg9[%parallel_loop3A_273] : memref<1024xi32, #tpu.memory_space<vmem>>[vector<16xi32>], vector<16xi32>,
        %parallel_loop3A_305 = arith.constant 16 : i32
        %parallel_loop3A_306 = vector.broadcast %parallel_loop3A_305 : i32 to vector<16xi32>
        %parallel_loop3A_307 = arith.shli %parallel_loop3A_304, %parallel_loop3A_306 : vector<16xi32>
        %parallel_loop3A_308 = vector.bitcast %parallel_loop3A_307 : vector<16xi32> to vector<16xf32>
        %parallel_loop3A_309 = arith.addf %parallel_loop3A_266, %parallel_loop3A_308 : vector<16xf32>
        %parallel_loop3A_310 = arith.constant 8 : i32
        %parallel_loop3A_311 = arith.muli %parallel_loop3A_173, %parallel_loop3A_310 : i32
        %parallel_loop3A_312 = arith.constant 3 : i32
        %parallel_loop3A_313 = arith.addi %parallel_loop3A_311, %parallel_loop3A_312 : i32
        %parallel_loop3A_314 = arith.index_cast %parallel_loop3A_313 : i32 to index
        %parallel_loop3A_315 = arith.index_cast %parallel_loop3A_107 : i32 to index
        %parallel_loop3A_316 = tpu.vector_load %arg10[%parallel_loop3A_314, %parallel_loop3A_315] {strides = array<i32>} : memref<200x512xi32, #tpu.memory_space<vmem>>, vector<16xi32>,
        %parallel_loop3A_317 = tpu.vector_load_idx %arg6[%parallel_loop3A_316] : memref<1024xi32, #tpu.memory_space<vmem>>[vector<16xi32>], vector<16xi32>,
        %parallel_loop3A_318 = arith.constant 16 : i32
        %parallel_loop3A_319 = vector.broadcast %parallel_loop3A_318 : i32 to vector<16xi32>
        %parallel_loop3A_320 = arith.shli %parallel_loop3A_317, %parallel_loop3A_319 : vector<16xi32>
        %parallel_loop3A_321 = vector.bitcast %parallel_loop3A_320 : vector<16xi32> to vector<16xf32>
        %parallel_loop3A_322 = arith.addf %parallel_loop3A_279, %parallel_loop3A_321 : vector<16xf32>
        %parallel_loop3A_323 = vector.broadcast %squeeze3A : i32 to vector<16xi32>
        %parallel_loop3A_324 = arith.andi %parallel_loop3A_317, %parallel_loop3A_323 : vector<16xi32>
        %parallel_loop3A_325 = vector.bitcast %parallel_loop3A_324 : vector<16xi32> to vector<16xf32>
        %parallel_loop3A_326 = arith.addf %parallel_loop3A_283, %parallel_loop3A_325 : vector<16xf32>
        %parallel_loop3A_327 = tpu.vector_load_idx %arg7[%parallel_loop3A_316] : memref<1024xi32, #tpu.memory_space<vmem>>[vector<16xi32>], vector<16xi32>,
        %parallel_loop3A_328 = arith.constant 16 : i32
        %parallel_loop3A_329 = vector.broadcast %parallel_loop3A_328 : i32 to vector<16xi32>
        %parallel_loop3A_330 = arith.shli %parallel_loop3A_327, %parallel_loop3A_329 : vector<16xi32>
        %parallel_loop3A_331 = vector.bitcast %parallel_loop3A_330 : vector<16xi32> to vector<16xf32>
        %parallel_loop3A_332 = arith.addf %parallel_loop3A_289, %parallel_loop3A_331 : vector<16xf32>
        %parallel_loop3A_333 = vector.broadcast %squeeze3A : i32 to vector<16xi32>
        %parallel_loop3A_334 = arith.andi %parallel_loop3A_327, %parallel_loop3A_333 : vector<16xi32>
        %parallel_loop3A_335 = vector.bitcast %parallel_loop3A_334 : vector<16xi32> to vector<16xf32>
        %parallel_loop3A_336 = arith.addf %parallel_loop3A_293, %parallel_loop3A_335 : vector<16xf32>
        %parallel_loop3A_337 = tpu.vector_load_idx %arg8[%parallel_loop3A_316] : memref<1024xi32, #tpu.memory_space<vmem>>[vector<16xi32>], vector<16xi32>,
        %parallel_loop3A_338 = arith.constant 16 : i32
        %parallel_loop3A_339 = vector.broadcast %parallel_loop3A_338 : i32 to vector<16xi32>
        %parallel_loop3A_340 = arith.shli %parallel_loop3A_337, %parallel_loop3A_339 : vector<16xi32>
        %parallel_loop3A_341 = vector.bitcast %parallel_loop3A_340 : vector<16xi32> to vector<16xf32>
        %parallel_loop3A_342 = arith.addf %parallel_loop3A_299, %parallel_loop3A_341 : vector<16xf32>
        %parallel_loop3A_343 = vector.broadcast %squeeze3A : i32 to vector<16xi32>
        %parallel_loop3A_344 = arith.andi %parallel_loop3A_337, %parallel_loop3A_343 : vector<16xi32>
        %parallel_loop3A_345 = vector.bitcast %parallel_loop3A_344 : vector<16xi32> to vector<16xf32>
        %parallel_loop3A_346 = arith.addf %parallel_loop3A_303, %parallel_loop3A_345 : vector<16xf32>
        %parallel_loop3A_347 = tpu.vector_load_idx %arg9[%parallel_loop3A_316] : memref<1024xi32, #tpu.memory_space<vmem>>[vector<16xi32>], vector<16xi32>,
        %parallel_loop3A_348 = arith.constant 16 : i32
        %parallel_loop3A_349 = vector.broadcast %parallel_loop3A_348 : i32 to vector<16xi32>
        %parallel_loop3A_350 = arith.shli %parallel_loop3A_347, %parallel_loop3A_349 : vector<16xi32>
        %parallel_loop3A_351 = vector.bitcast %parallel_loop3A_350 : vector<16xi32> to vector<16xf32>
        %parallel_loop3A_352 = arith.addf %parallel_loop3A_309, %parallel_loop3A_351 : vector<16xf32>
        %parallel_loop3A_353 = arith.constant 8 : i32
        %parallel_loop3A_354 = arith.muli %parallel_loop3A_173, %parallel_loop3A_353 : i32
        %parallel_loop3A_355 = arith.constant 4 : i32
        %parallel_loop3A_356 = arith.addi %parallel_loop3A_354, %parallel_loop3A_355 : i32
        %parallel_loop3A_357 = arith.index_cast %parallel_loop3A_356 : i32 to index
        %parallel_loop3A_358 = arith.index_cast %parallel_loop3A_107 : i32 to index
        %parallel_loop3A_359 = tpu.vector_load %arg10[%parallel_loop3A_357, %parallel_loop3A_358] {strides = array<i32>} : memref<200x512xi32, #tpu.memory_space<vmem>>, vector<16xi32>,
        %parallel_loop3A_360 = tpu.vector_load_idx %arg6[%parallel_loop3A_359] : memref<1024xi32, #tpu.memory_space<vmem>>[vector<16xi32>], vector<16xi32>,
        %parallel_loop3A_361 = arith.constant 16 : i32
        %parallel_loop3A_362 = vector.broadcast %parallel_loop3A_361 : i32 to vector<16xi32>
        %parallel_loop3A_363 = arith.shli %parallel_loop3A_360, %parallel_loop3A_362 : vector<16xi32>
        %parallel_loop3A_364 = vector.bitcast %parallel_loop3A_363 : vector<16xi32> to vector<16xf32>
        %parallel_loop3A_365 = arith.addf %parallel_loop3A_322, %parallel_loop3A_364 : vector<16xf32>
        %parallel_loop3A_366 = vector.broadcast %squeeze3A : i32 to vector<16xi32>
        %parallel_loop3A_367 = arith.andi %parallel_loop3A_360, %parallel_loop3A_366 : vector<16xi32>
        %parallel_loop3A_368 = vector.bitcast %parallel_loop3A_367 : vector<16xi32> to vector<16xf32>
        %parallel_loop3A_369 = arith.addf %parallel_loop3A_326, %parallel_loop3A_368 : vector<16xf32>
        %parallel_loop3A_370 = tpu.vector_load_idx %arg7[%parallel_loop3A_359] : memref<1024xi32, #tpu.memory_space<vmem>>[vector<16xi32>], vector<16xi32>,
        %parallel_loop3A_371 = arith.constant 16 : i32
        %parallel_loop3A_372 = vector.broadcast %parallel_loop3A_371 : i32 to vector<16xi32>
        %parallel_loop3A_373 = arith.shli %parallel_loop3A_370, %parallel_loop3A_372 : vector<16xi32>
        %parallel_loop3A_374 = vector.bitcast %parallel_loop3A_373 : vector<16xi32> to vector<16xf32>
        %parallel_loop3A_375 = arith.addf %parallel_loop3A_332, %parallel_loop3A_374 : vector<16xf32>
        %parallel_loop3A_376 = vector.broadcast %squeeze3A : i32 to vector<16xi32>
        %parallel_loop3A_377 = arith.andi %parallel_loop3A_370, %parallel_loop3A_376 : vector<16xi32>
        %parallel_loop3A_378 = vector.bitcast %parallel_loop3A_377 : vector<16xi32> to vector<16xf32>
        %parallel_loop3A_379 = arith.addf %parallel_loop3A_336, %parallel_loop3A_378 : vector<16xf32>
        %parallel_loop3A_380 = tpu.vector_load_idx %arg8[%parallel_loop3A_359] : memref<1024xi32, #tpu.memory_space<vmem>>[vector<16xi32>], vector<16xi32>,
        %parallel_loop3A_381 = arith.constant 16 : i32
        %parallel_loop3A_382 = vector.broadcast %parallel_loop3A_381 : i32 to vector<16xi32>
        %parallel_loop3A_383 = arith.shli %parallel_loop3A_380, %parallel_loop3A_382 : vector<16xi32>
        %parallel_loop3A_384 = vector.bitcast %parallel_loop3A_383 : vector<16xi32> to vector<16xf32>
        %parallel_loop3A_385 = arith.addf %parallel_loop3A_342, %parallel_loop3A_384 : vector<16xf32>
        %parallel_loop3A_386 = vector.broadcast %squeeze3A : i32 to vector<16xi32>
        %parallel_loop3A_387 = arith.andi %parallel_loop3A_380, %parallel_loop3A_386 : vector<16xi32>
        %parallel_loop3A_388 = vector.bitcast %parallel_loop3A_387 : vector<16xi32> to vector<16xf32>
        %parallel_loop3A_389 = arith.addf %parallel_loop3A_346, %parallel_loop3A_388 : vector<16xf32>
        %parallel_loop3A_390 = tpu.vector_load_idx %arg9[%parallel_loop3A_359] : memref<1024xi32, #tpu.memory_space<vmem>>[vector<16xi32>], vector<16xi32>,
        %parallel_loop3A_391 = arith.constant 16 : i32
        %parallel_loop3A_392 = vector.broadcast %parallel_loop3A_391 : i32 to vector<16xi32>
        %parallel_loop3A_393 = arith.shli %parallel_loop3A_390, %parallel_loop3A_392 : vector<16xi32>
        %parallel_loop3A_394 = vector.bitcast %parallel_loop3A_393 : vector<16xi32> to vector<16xf32>
        %parallel_loop3A_395 = arith.addf %parallel_loop3A_352, %parallel_loop3A_394 : vector<16xf32>
        %parallel_loop3A_396 = arith.constant 8 : i32
        %parallel_loop3A_397 = arith.muli %parallel_loop3A_173, %parallel_loop3A_396 : i32
        %parallel_loop3A_398 = arith.constant 5 : i32
        %parallel_loop3A_399 = arith.addi %parallel_loop3A_397, %parallel_loop3A_398 : i32
        %parallel_loop3A_400 = arith.index_cast %parallel_loop3A_399 : i32 to index
        %parallel_loop3A_401 = arith.index_cast %parallel_loop3A_107 : i32 to index
        %parallel_loop3A_402 = tpu.vector_load %arg10[%parallel_loop3A_400, %parallel_loop3A_401] {strides = array<i32>} : memref<200x512xi32, #tpu.memory_space<vmem>>, vector<16xi32>,
        %parallel_loop3A_403 = tpu.vector_load_idx %arg6[%parallel_loop3A_402] : memref<1024xi32, #tpu.memory_space<vmem>>[vector<16xi32>], vector<16xi32>,
        %parallel_loop3A_404 = arith.constant 16 : i32
        %parallel_loop3A_405 = vector.broadcast %parallel_loop3A_404 : i32 to vector<16xi32>
        %parallel_loop3A_406 = arith.shli %parallel_loop3A_403, %parallel_loop3A_405 : vector<16xi32>
        %parallel_loop3A_407 = vector.bitcast %parallel_loop3A_406 : vector<16xi32> to vector<16xf32>
        %parallel_loop3A_408 = arith.addf %parallel_loop3A_365, %parallel_loop3A_407 : vector<16xf32>
        %parallel_loop3A_409 = vector.broadcast %squeeze3A : i32 to vector<16xi32>
        %parallel_loop3A_410 = arith.andi %parallel_loop3A_403, %parallel_loop3A_409 : vector<16xi32>
        %parallel_loop3A_411 = vector.bitcast %parallel_loop3A_410 : vector<16xi32> to vector<16xf32>
        %parallel_loop3A_412 = arith.addf %parallel_loop3A_369, %parallel_loop3A_411 : vector<16xf32>
        %parallel_loop3A_413 = tpu.vector_load_idx %arg7[%parallel_loop3A_402] : memref<1024xi32, #tpu.memory_space<vmem>>[vector<16xi32>], vector<16xi32>,
        %parallel_loop3A_414 = arith.constant 16 : i32
        %parallel_loop3A_415 = vector.broadcast %parallel_loop3A_414 : i32 to vector<16xi32>
        %parallel_loop3A_416 = arith.shli %parallel_loop3A_413, %parallel_loop3A_415 : vector<16xi32>
        %parallel_loop3A_417 = vector.bitcast %parallel_loop3A_416 : vector<16xi32> to vector<16xf32>
        %parallel_loop3A_418 = arith.addf %parallel_loop3A_375, %parallel_loop3A_417 : vector<16xf32>
        %parallel_loop3A_419 = vector.broadcast %squeeze3A : i32 to vector<16xi32>
        %parallel_loop3A_420 = arith.andi %parallel_loop3A_413, %parallel_loop3A_419 : vector<16xi32>
        %parallel_loop3A_421 = vector.bitcast %parallel_loop3A_420 : vector<16xi32> to vector<16xf32>
        %parallel_loop3A_422 = arith.addf %parallel_loop3A_379, %parallel_loop3A_421 : vector<16xf32>
        %parallel_loop3A_423 = tpu.vector_load_idx %arg8[%parallel_loop3A_402] : memref<1024xi32, #tpu.memory_space<vmem>>[vector<16xi32>], vector<16xi32>,
        %parallel_loop3A_424 = arith.constant 16 : i32
        %parallel_loop3A_425 = vector.broadcast %parallel_loop3A_424 : i32 to vector<16xi32>
        %parallel_loop3A_426 = arith.shli %parallel_loop3A_423, %parallel_loop3A_425 : vector<16xi32>
        %parallel_loop3A_427 = vector.bitcast %parallel_loop3A_426 : vector<16xi32> to vector<16xf32>
        %parallel_loop3A_428 = arith.addf %parallel_loop3A_385, %parallel_loop3A_427 : vector<16xf32>
        %parallel_loop3A_429 = vector.broadcast %squeeze3A : i32 to vector<16xi32>
        %parallel_loop3A_430 = arith.andi %parallel_loop3A_423, %parallel_loop3A_429 : vector<16xi32>
        %parallel_loop3A_431 = vector.bitcast %parallel_loop3A_430 : vector<16xi32> to vector<16xf32>
        %parallel_loop3A_432 = arith.addf %parallel_loop3A_389, %parallel_loop3A_431 : vector<16xf32>
        %parallel_loop3A_433 = tpu.vector_load_idx %arg9[%parallel_loop3A_402] : memref<1024xi32, #tpu.memory_space<vmem>>[vector<16xi32>], vector<16xi32>,
        %parallel_loop3A_434 = arith.constant 16 : i32
        %parallel_loop3A_435 = vector.broadcast %parallel_loop3A_434 : i32 to vector<16xi32>
        %parallel_loop3A_436 = arith.shli %parallel_loop3A_433, %parallel_loop3A_435 : vector<16xi32>
        %parallel_loop3A_437 = vector.bitcast %parallel_loop3A_436 : vector<16xi32> to vector<16xf32>
        %parallel_loop3A_438 = arith.addf %parallel_loop3A_395, %parallel_loop3A_437 : vector<16xf32>
        %parallel_loop3A_439 = arith.constant 8 : i32
        %parallel_loop3A_440 = arith.muli %parallel_loop3A_173, %parallel_loop3A_439 : i32
        %parallel_loop3A_441 = arith.constant 6 : i32
        %parallel_loop3A_442 = arith.addi %parallel_loop3A_440, %parallel_loop3A_441 : i32
        %parallel_loop3A_443 = arith.index_cast %parallel_loop3A_442 : i32 to index
        %parallel_loop3A_444 = arith.index_cast %parallel_loop3A_107 : i32 to index
        %parallel_loop3A_445 = tpu.vector_load %arg10[%parallel_loop3A_443, %parallel_loop3A_444] {strides = array<i32>} : memref<200x512xi32, #tpu.memory_space<vmem>>, vector<16xi32>,
        %parallel_loop3A_446 = tpu.vector_load_idx %arg6[%parallel_loop3A_445] : memref<1024xi32, #tpu.memory_space<vmem>>[vector<16xi32>], vector<16xi32>,
        %parallel_loop3A_447 = arith.constant 16 : i32
        %parallel_loop3A_448 = vector.broadcast %parallel_loop3A_447 : i32 to vector<16xi32>
        %parallel_loop3A_449 = arith.shli %parallel_loop3A_446, %parallel_loop3A_448 : vector<16xi32>
        %parallel_loop3A_450 = vector.bitcast %parallel_loop3A_449 : vector<16xi32> to vector<16xf32>
        %parallel_loop3A_451 = arith.addf %parallel_loop3A_408, %parallel_loop3A_450 : vector<16xf32>
        %parallel_loop3A_452 = vector.broadcast %squeeze3A : i32 to vector<16xi32>
        %parallel_loop3A_453 = arith.andi %parallel_loop3A_446, %parallel_loop3A_452 : vector<16xi32>
        %parallel_loop3A_454 = vector.bitcast %parallel_loop3A_453 : vector<16xi32> to vector<16xf32>
        %parallel_loop3A_455 = arith.addf %parallel_loop3A_412, %parallel_loop3A_454 : vector<16xf32>
        %parallel_loop3A_456 = tpu.vector_load_idx %arg7[%parallel_loop3A_445] : memref<1024xi32, #tpu.memory_space<vmem>>[vector<16xi32>], vector<16xi32>,
        %parallel_loop3A_457 = arith.constant 16 : i32
        %parallel_loop3A_458 = vector.broadcast %parallel_loop3A_457 : i32 to vector<16xi32>
        %parallel_loop3A_459 = arith.shli %parallel_loop3A_456, %parallel_loop3A_458 : vector<16xi32>
        %parallel_loop3A_460 = vector.bitcast %parallel_loop3A_459 : vector<16xi32> to vector<16xf32>
        %parallel_loop3A_461 = arith.addf %parallel_loop3A_418, %parallel_loop3A_460 : vector<16xf32>
        %parallel_loop3A_462 = vector.broadcast %squeeze3A : i32 to vector<16xi32>
        %parallel_loop3A_463 = arith.andi %parallel_loop3A_456, %parallel_loop3A_462 : vector<16xi32>
        %parallel_loop3A_464 = vector.bitcast %parallel_loop3A_463 : vector<16xi32> to vector<16xf32>
        %parallel_loop3A_465 = arith.addf %parallel_loop3A_422, %parallel_loop3A_464 : vector<16xf32>
        %parallel_loop3A_466 = tpu.vector_load_idx %arg8[%parallel_loop3A_445] : memref<1024xi32, #tpu.memory_space<vmem>>[vector<16xi32>], vector<16xi32>,
        %parallel_loop3A_467 = arith.constant 16 : i32
        %parallel_loop3A_468 = vector.broadcast %parallel_loop3A_467 : i32 to vector<16xi32>
        %parallel_loop3A_469 = arith.shli %parallel_loop3A_466, %parallel_loop3A_468 : vector<16xi32>
        %parallel_loop3A_470 = vector.bitcast %parallel_loop3A_469 : vector<16xi32> to vector<16xf32>
        %parallel_loop3A_471 = arith.addf %parallel_loop3A_428, %parallel_loop3A_470 : vector<16xf32>
        %parallel_loop3A_472 = vector.broadcast %squeeze3A : i32 to vector<16xi32>
        %parallel_loop3A_473 = arith.andi %parallel_loop3A_466, %parallel_loop3A_472 : vector<16xi32>
        %parallel_loop3A_474 = vector.bitcast %parallel_loop3A_473 : vector<16xi32> to vector<16xf32>
        %parallel_loop3A_475 = arith.addf %parallel_loop3A_432, %parallel_loop3A_474 : vector<16xf32>
        %parallel_loop3A_476 = tpu.vector_load_idx %arg9[%parallel_loop3A_445] : memref<1024xi32, #tpu.memory_space<vmem>>[vector<16xi32>], vector<16xi32>,
        %parallel_loop3A_477 = arith.constant 16 : i32
        %parallel_loop3A_478 = vector.broadcast %parallel_loop3A_477 : i32 to vector<16xi32>
        %parallel_loop3A_479 = arith.shli %parallel_loop3A_476, %parallel_loop3A_478 : vector<16xi32>
        %parallel_loop3A_480 = vector.bitcast %parallel_loop3A_479 : vector<16xi32> to vector<16xf32>
        %parallel_loop3A_481 = arith.addf %parallel_loop3A_438, %parallel_loop3A_480 : vector<16xf32>
        %parallel_loop3A_482 = arith.constant 8 : i32
        %parallel_loop3A_483 = arith.muli %parallel_loop3A_173, %parallel_loop3A_482 : i32
        %parallel_loop3A_484 = arith.constant 7 : i32
        %parallel_loop3A_485 = arith.addi %parallel_loop3A_483, %parallel_loop3A_484 : i32
        %parallel_loop3A_486 = arith.index_cast %parallel_loop3A_485 : i32 to index
        %parallel_loop3A_487 = arith.index_cast %parallel_loop3A_107 : i32 to index
        %parallel_loop3A_488 = tpu.vector_load %arg10[%parallel_loop3A_486, %parallel_loop3A_487] {strides = array<i32>} : memref<200x512xi32, #tpu.memory_space<vmem>>, vector<16xi32>,
        %parallel_loop3A_489 = tpu.vector_load_idx %arg6[%parallel_loop3A_488] : memref<1024xi32, #tpu.memory_space<vmem>>[vector<16xi32>], vector<16xi32>,
        %parallel_loop3A_490 = arith.constant 16 : i32
        %parallel_loop3A_491 = vector.broadcast %parallel_loop3A_490 : i32 to vector<16xi32>
        %parallel_loop3A_492 = arith.shli %parallel_loop3A_489, %parallel_loop3A_491 : vector<16xi32>
        %parallel_loop3A_493 = vector.bitcast %parallel_loop3A_492 : vector<16xi32> to vector<16xf32>
        %parallel_loop3A_494 = arith.addf %parallel_loop3A_451, %parallel_loop3A_493 : vector<16xf32>
        %parallel_loop3A_495 = vector.broadcast %squeeze3A : i32 to vector<16xi32>
        %parallel_loop3A_496 = arith.andi %parallel_loop3A_489, %parallel_loop3A_495 : vector<16xi32>
        %parallel_loop3A_497 = vector.bitcast %parallel_loop3A_496 : vector<16xi32> to vector<16xf32>
        %parallel_loop3A_498 = arith.addf %parallel_loop3A_455, %parallel_loop3A_497 : vector<16xf32>
        %parallel_loop3A_499 = tpu.vector_load_idx %arg7[%parallel_loop3A_488] : memref<1024xi32, #tpu.memory_space<vmem>>[vector<16xi32>], vector<16xi32>,
        %parallel_loop3A_500 = arith.constant 16 : i32
        %parallel_loop3A_501 = vector.broadcast %parallel_loop3A_500 : i32 to vector<16xi32>
        %parallel_loop3A_502 = arith.shli %parallel_loop3A_499, %parallel_loop3A_501 : vector<16xi32>
        %parallel_loop3A_503 = vector.bitcast %parallel_loop3A_502 : vector<16xi32> to vector<16xf32>
        %parallel_loop3A_504 = arith.addf %parallel_loop3A_461, %parallel_loop3A_503 : vector<16xf32>
        %parallel_loop3A_505 = vector.broadcast %squeeze3A : i32 to vector<16xi32>
        %parallel_loop3A_506 = arith.andi %parallel_loop3A_499, %parallel_loop3A_505 : vector<16xi32>
        %parallel_loop3A_507 = vector.bitcast %parallel_loop3A_506 : vector<16xi32> to vector<16xf32>
        %parallel_loop3A_508 = arith.addf %parallel_loop3A_465, %parallel_loop3A_507 : vector<16xf32>
        %parallel_loop3A_509 = tpu.vector_load_idx %arg8[%parallel_loop3A_488] : memref<1024xi32, #tpu.memory_space<vmem>>[vector<16xi32>], vector<16xi32>,
        %parallel_loop3A_510 = arith.constant 16 : i32
        %parallel_loop3A_511 = vector.broadcast %parallel_loop3A_510 : i32 to vector<16xi32>
        %parallel_loop3A_512 = arith.shli %parallel_loop3A_509, %parallel_loop3A_511 : vector<16xi32>
        %parallel_loop3A_513 = vector.bitcast %parallel_loop3A_512 : vector<16xi32> to vector<16xf32>
        %parallel_loop3A_514 = arith.addf %parallel_loop3A_471, %parallel_loop3A_513 : vector<16xf32>
        %parallel_loop3A_515 = vector.broadcast %squeeze3A : i32 to vector<16xi32>
        %parallel_loop3A_516 = arith.andi %parallel_loop3A_509, %parallel_loop3A_515 : vector<16xi32>
        %parallel_loop3A_517 = vector.bitcast %parallel_loop3A_516 : vector<16xi32> to vector<16xf32>
        %parallel_loop3A_518 = arith.addf %parallel_loop3A_475, %parallel_loop3A_517 : vector<16xf32>
        %parallel_loop3A_519 = tpu.vector_load_idx %arg9[%parallel_loop3A_488] : memref<1024xi32, #tpu.memory_space<vmem>>[vector<16xi32>], vector<16xi32>,
        %parallel_loop3A_520 = arith.constant 16 : i32
        %parallel_loop3A_521 = vector.broadcast %parallel_loop3A_520 : i32 to vector<16xi32>
        %parallel_loop3A_522 = arith.shli %parallel_loop3A_519, %parallel_loop3A_521 : vector<16xi32>
        %parallel_loop3A_523 = vector.bitcast %parallel_loop3A_522 : vector<16xi32> to vector<16xf32>
        %parallel_loop3A_524 = arith.addf %parallel_loop3A_481, %parallel_loop3A_523 : vector<16xf32>
        scf.yield %parallel_loop3A_494, %parallel_loop3A_498, %parallel_loop3A_504, %parallel_loop3A_508, %parallel_loop3A_514, %parallel_loop3A_518, %parallel_loop3A_524 : vector<16xf32>, vector<16xf32>, vector<16xf32>, vector<16xf32>, vector<16xf32>, vector<16xf32>, vector<16xf32>
      } {sc.loop_unroll_factor = 1 : i64, sc.parallel_access}
      %parallel_loop3A_112 = arith.maximumf %parallel_loop3A_111#0, %parallel_loop3A_111#1 : vector<16xf32>
      %parallel_loop3A_113 = arith.maximumf %parallel_loop3A_112, %parallel_loop3A_111#2 : vector<16xf32>
      %parallel_loop3A_114 = arith.maximumf %parallel_loop3A_113, %parallel_loop3A_111#3 : vector<16xf32>
      %parallel_loop3A_115 = arith.maximumf %parallel_loop3A_114, %parallel_loop3A_111#4 : vector<16xf32>
      %parallel_loop3A_116 = arith.maximumf %parallel_loop3A_115, %parallel_loop3A_111#5 : vector<16xf32>
      %parallel_loop3A_117 = arith.maximumf %parallel_loop3A_116, %parallel_loop3A_111#6 : vector<16xf32>
      %parallel_loop3A_118 = arith.subf %parallel_loop3A_111#0, %parallel_loop3A_117 : vector<16xf32>
      %parallel_loop3A_119 = math.exp %parallel_loop3A_118 : vector<16xf32>
      %parallel_loop3A_120 = arith.subf %parallel_loop3A_111#1, %parallel_loop3A_117 : vector<16xf32>
      %parallel_loop3A_121 = math.exp %parallel_loop3A_120 : vector<16xf32>
      %parallel_loop3A_122 = arith.subf %parallel_loop3A_111#2, %parallel_loop3A_117 : vector<16xf32>
      %parallel_loop3A_123 = math.exp %parallel_loop3A_122 : vector<16xf32>
      %parallel_loop3A_124 = arith.subf %parallel_loop3A_111#3, %parallel_loop3A_117 : vector<16xf32>
      %parallel_loop3A_125 = math.exp %parallel_loop3A_124 : vector<16xf32>
      %parallel_loop3A_126 = arith.subf %parallel_loop3A_111#4, %parallel_loop3A_117 : vector<16xf32>
      %parallel_loop3A_127 = math.exp %parallel_loop3A_126 : vector<16xf32>
      %parallel_loop3A_128 = arith.subf %parallel_loop3A_111#5, %parallel_loop3A_117 : vector<16xf32>
      %parallel_loop3A_129 = math.exp %parallel_loop3A_128 : vector<16xf32>
      %parallel_loop3A_130 = arith.subf %parallel_loop3A_111#6, %parallel_loop3A_117 : vector<16xf32>
      %parallel_loop3A_131 = math.exp %parallel_loop3A_130 : vector<16xf32>
      %parallel_loop3A_132 = arith.addf %parallel_loop3A_119, %parallel_loop3A_121 : vector<16xf32>
      %parallel_loop3A_133 = arith.addf %parallel_loop3A_132, %parallel_loop3A_123 : vector<16xf32>
      %parallel_loop3A_134 = arith.addf %parallel_loop3A_133, %parallel_loop3A_125 : vector<16xf32>
      %parallel_loop3A_135 = arith.addf %parallel_loop3A_134, %parallel_loop3A_127 : vector<16xf32>
      %parallel_loop3A_136 = arith.addf %parallel_loop3A_135, %parallel_loop3A_129 : vector<16xf32>
      %parallel_loop3A_137 = arith.addf %parallel_loop3A_136, %parallel_loop3A_131 : vector<16xf32>
      %parallel_loop3A_138 = arith.divf %parallel_loop3A_119, %parallel_loop3A_137 : vector<16xf32>
      %parallel_loop3A_139 = arith.constant 0 : i32
      %parallel_loop3A_140 = arith.index_cast %parallel_loop3A_139 : i32 to index
      %parallel_loop3A_141 = arith.index_cast %parallel_loop3A_107 : i32 to index
      %parallel_loop3A_142 = tpu.vector_load %arg11[%parallel_loop3A_140, %parallel_loop3A_141] {strides = array<i32>} : memref<7x512xf32, #tpu.memory_space<vmem>>, vector<16xf32>,
      tpu.vector_store %arg11[%parallel_loop3A_140, %parallel_loop3A_141], %parallel_loop3A_138 {strides = array<i32>} : memref<7x512xf32, #tpu.memory_space<vmem>>, vector<16xf32>,
      %parallel_loop3A_143 = arith.divf %parallel_loop3A_121, %parallel_loop3A_137 : vector<16xf32>
      %parallel_loop3A_144 = arith.constant 1 : i32
      %parallel_loop3A_145 = arith.index_cast %parallel_loop3A_144 : i32 to index
      %parallel_loop3A_146 = arith.index_cast %parallel_loop3A_107 : i32 to index
      %parallel_loop3A_147 = tpu.vector_load %arg11[%parallel_loop3A_145, %parallel_loop3A_146] {strides = array<i32>} : memref<7x512xf32, #tpu.memory_space<vmem>>, vector<16xf32>,
      tpu.vector_store %arg11[%parallel_loop3A_145, %parallel_loop3A_146], %parallel_loop3A_143 {strides = array<i32>} : memref<7x512xf32, #tpu.memory_space<vmem>>, vector<16xf32>,
      %parallel_loop3A_148 = arith.divf %parallel_loop3A_123, %parallel_loop3A_137 : vector<16xf32>
      %parallel_loop3A_149 = arith.constant 2 : i32
      %parallel_loop3A_150 = arith.index_cast %parallel_loop3A_149 : i32 to index
      %parallel_loop3A_151 = arith.index_cast %parallel_loop3A_107 : i32 to index
      %parallel_loop3A_152 = tpu.vector_load %arg11[%parallel_loop3A_150, %parallel_loop3A_151] {strides = array<i32>} : memref<7x512xf32, #tpu.memory_space<vmem>>, vector<16xf32>,
      tpu.vector_store %arg11[%parallel_loop3A_150, %parallel_loop3A_151], %parallel_loop3A_148 {strides = array<i32>} : memref<7x512xf32, #tpu.memory_space<vmem>>, vector<16xf32>,
      %parallel_loop3A_153 = arith.divf %parallel_loop3A_125, %parallel_loop3A_137 : vector<16xf32>
      %parallel_loop3A_154 = arith.constant 3 : i32
      %parallel_loop3A_155 = arith.index_cast %parallel_loop3A_154 : i32 to index
      %parallel_loop3A_156 = arith.index_cast %parallel_loop3A_107 : i32 to index
      %parallel_loop3A_157 = tpu.vector_load %arg11[%parallel_loop3A_155, %parallel_loop3A_156] {strides = array<i32>} : memref<7x512xf32, #tpu.memory_space<vmem>>, vector<16xf32>,
      tpu.vector_store %arg11[%parallel_loop3A_155, %parallel_loop3A_156], %parallel_loop3A_153 {strides = array<i32>} : memref<7x512xf32, #tpu.memory_space<vmem>>, vector<16xf32>,
      %parallel_loop3A_158 = arith.divf %parallel_loop3A_127, %parallel_loop3A_137 : vector<16xf32>
      %parallel_loop3A_159 = arith.constant 4 : i32
      %parallel_loop3A_160 = arith.index_cast %parallel_loop3A_159 : i32 to index
      %parallel_loop3A_161 = arith.index_cast %parallel_loop3A_107 : i32 to index
      %parallel_loop3A_162 = tpu.vector_load %arg11[%parallel_loop3A_160, %parallel_loop3A_161] {strides = array<i32>} : memref<7x512xf32, #tpu.memory_space<vmem>>, vector<16xf32>,
      tpu.vector_store %arg11[%parallel_loop3A_160, %parallel_loop3A_161], %parallel_loop3A_158 {strides = array<i32>} : memref<7x512xf32, #tpu.memory_space<vmem>>, vector<16xf32>,
      %parallel_loop3A_163 = arith.divf %parallel_loop3A_129, %parallel_loop3A_137 : vector<16xf32>
      %parallel_loop3A_164 = arith.constant 5 : i32
      %parallel_loop3A_165 = arith.index_cast %parallel_loop3A_164 : i32 to index
      %parallel_loop3A_166 = arith.index_cast %parallel_loop3A_107 : i32 to index
      %parallel_loop3A_167 = tpu.vector_load %arg11[%parallel_loop3A_165, %parallel_loop3A_166] {strides = array<i32>} : memref<7x512xf32, #tpu.memory_space<vmem>>, vector<16xf32>,
      tpu.vector_store %arg11[%parallel_loop3A_165, %parallel_loop3A_166], %parallel_loop3A_163 {strides = array<i32>} : memref<7x512xf32, #tpu.memory_space<vmem>>, vector<16xf32>,
      %parallel_loop3A_168 = arith.divf %parallel_loop3A_131, %parallel_loop3A_137 : vector<16xf32>
      %parallel_loop3A_169 = arith.constant 6 : i32
      %parallel_loop3A_170 = arith.index_cast %parallel_loop3A_169 : i32 to index
      %parallel_loop3A_171 = arith.index_cast %parallel_loop3A_107 : i32 to index
      %parallel_loop3A_172 = tpu.vector_load %arg11[%parallel_loop3A_170, %parallel_loop3A_171] {strides = array<i32>} : memref<7x512xf32, #tpu.memory_space<vmem>>, vector<16xf32>,
      tpu.vector_store %arg11[%parallel_loop3A_170, %parallel_loop3A_171], %parallel_loop3A_168 {strides = array<i32>} : memref<7x512xf32, #tpu.memory_space<vmem>>, vector<16xf32>,
    } {sc.loop_unroll_factor = 1 : i64, sc.parallel_access}
    "tpu.region"() ({
      %run_scoped3A_105 = tpu.sem_alloc : memref<!tpu.dma_semaphore, #tpu.memory_space<semaphore_mem>>
      %dma_start3A_106 = arith.constant 0 : i32
      %dma_start3A_107 = tpu.memref_slice %arg5[%dma_start3A_106, %mul3A_3] : memref<7x16384xf32, #tpu.memory_space<hbm>> -> memref<7x512xf32, #tpu.memory_space<hbm>>
      %dma_start3A_108 = arith.constant 0 : i32
      %dma_start3A_109 = tpu.memref_slice %arg5[%dma_start3A_108, %mul3A_3] : memref<7x16384xf32, #tpu.memory_space<hbm>> -> memref<7x512xf32, #tpu.memory_space<hbm>>
      tpu.enqueue_dma source(%arg11 : memref<7x512xf32, #tpu.memory_space<vmem>>) target(%dma_start3A_109 : memref<7x512xf32, #tpu.memory_space<hbm>>) target_semaphore(%run_scoped3A_105 : memref<!tpu.dma_semaphore, #tpu.memory_space<semaphore_mem>>)
      %dma_wait3A_110 = arith.constant 0 : i32
      %dma_wait3A_111 = tpu.memref_slice %arg5[%dma_wait3A_110, %mul3A_3] : memref<7x16384xf32, #tpu.memory_space<hbm>> -> memref<7x512xf32, #tpu.memory_space<hbm>>
      %dma_wait3A_112 = arith.constant 0 : i32
      %dma_wait3A_113 = tpu.memref_slice %arg5[%dma_wait3A_112, %mul3A_3] : memref<7x16384xf32, #tpu.memory_space<hbm>> -> memref<7x512xf32, #tpu.memory_space<hbm>>
      tpu.wait_dma2 semaphore(%run_scoped3A_105 : memref<!tpu.dma_semaphore, #tpu.memory_space<semaphore_mem>>) src(%arg11 : memref<7x512xf32, #tpu.memory_space<vmem>>) dst(%dma_wait3A_113 : memref<7x512xf32, #tpu.memory_space<hbm>>)
      tpu.yield
    }) : () -> ()
    return
  }
}

module attributes {stable_mosaic.version = 14 : i64} {
  func.func @_prep_body(%arg0: memref<8x64xf32, #tpu.memory_space<vmem>>, %arg1: memref<1024x64xf32, #tpu.memory_space<vmem>>, %arg2: memref<8x128xf32, #tpu.memory_space<vmem>>, %arg3: memref<1xf32, #tpu.memory_space<smem>>, %arg4: memref<4x1024xi32, #tpu.memory_space<vmem>>) attributes {dimension_semantics = [], scalar_prefetch = 0 : i64, scratch_operands = 0 : i64, tpu.core_type = #tpu.core_type<tc>} {
    %get3A = arith.constant 0 : index
    %get3A_0 = arith.constant 0 : index
    %get3A_1 = vector.load %arg0[%get3A, %get3A_0] : memref<8x64xf32, #tpu.memory_space<vmem>>, vector<8x64xf32>
    %get3A_2 = arith.constant 0 : index
    %get3A_3 = arith.constant 0 : index
    %get3A_4 = vector.load %arg1[%get3A_2, %get3A_3] : memref<1024x64xf32, #tpu.memory_space<vmem>>, vector<1024x64xf32>
    %dot_general3A = arith.constant dense<0.000000e+00> : vector<8x1024xf32>
    %dot_general3A_5 = tpu.matmul %get3A_1, %get3A_4, %dot_general3A {dimension_numbers = #tpu.dot_dimension_numbers<[1], [1], [0], [0], [0, 0, 1, 0], [], []>, transpose_lhs_hint = false} : vector<8x64xf32>, vector<1024x64xf32>, vector<8x1024xf32> -> vector<8x1024xf32>
    %get3A_6 = arith.constant 0 : index
    %get3A_7 = arith.constant 0 : index
    %get3A_8 = vector.load %arg2[%get3A_6, %get3A_7] : memref<8x128xf32, #tpu.memory_space<vmem>>, vector<8x1xf32>
    %add3A = vector.broadcast %get3A_8 : vector<8x1xf32> to vector<8x1024xf32>
    %add3A_9 = arith.addf %dot_general3A_5, %add3A : vector<8x1024xf32>
    %get3A_10 = arith.constant 0 : index
    %get3A_11 = memref.load %arg3[%get3A_10] : memref<1xf32, #tpu.memory_space<smem>>
    %mul3A = vector.broadcast %get3A_11 : f32 to vector<8x1024xf32>
    %mul3A_12 = arith.mulf %add3A_9, %mul3A : vector<8x1024xf32>
    %convert_element_type3A = arith.truncf %mul3A_12 : vector<8x1024xf32> to vector<8x1024xbf16>
    %bitcast_convert_type3A = tpu.bitcast %convert_element_type3A : vector<8x1024xbf16> -> vector<8x1024xi16>
    %convert_element_type3A_13 = arith.extui %bitcast_convert_type3A : vector<8x1024xi16> to vector<8x1024xi32>
    %slice3A = vector.extract_strided_slice %convert_element_type3A_13 {offsets = [0, 0], sizes = [4, 1024], strides = [1, 1]} : vector<8x1024xi32> to vector<4x1024xi32>
    %slice3A_14 = vector.extract_strided_slice %convert_element_type3A_13 {offsets = [4, 0], sizes = [4, 1024], strides = [1, 1]} : vector<8x1024xi32> to vector<4x1024xi32>
    %shift_left3A = arith.constant 16 : i32
    %shift_left3A_15 = vector.broadcast %shift_left3A : i32 to vector<4x1024xi32>
    %shift_left3A_16 = arith.shli %slice3A_14, %shift_left3A_15 : vector<4x1024xi32>
    %or3A = arith.ori %slice3A, %shift_left3A_16 : vector<4x1024xi32>
    %bitcast_convert_type3A_17 = tpu.bitcast %or3A : vector<4x1024xi32> -> vector<4x1024xi32>
    %swap3A = arith.constant 0 : index
    %swap3A_18 = arith.constant 0 : index
    %swap3A_19 = vector.load %arg4[%swap3A, %swap3A_18] : memref<4x1024xi32, #tpu.memory_space<vmem>>, vector<4x1024xi32>
    tpu.vector_store %arg4[%swap3A, %swap3A_18], %bitcast_convert_type3A_17 {strides = array<i32>} : memref<4x1024xi32, #tpu.memory_space<vmem>>, vector<4x1024xi32>,
    return
  }
}

</mosaic_0001>

<sc_bundles>
// kernel: kernel.4.cloned.1.call-start
scs
__scs_entry_jumppad:
0x0: {  	(pc) =	sbr.rel $0x88, $3  }
0x1: {  	(tag) =	ssettag $0x0;
	lr =	simm.s32 $0x1  }
0x2: {  	[smem:$0x3F9D] =	sst lr;
	_ =	strace $0xD0000000  }
0x3: {  	_ = 	snop  }
0x4: {  	_ = 	snop  }
0x5: {  	_ = 	snop  }
0x6: {  	_ = 	snop  }
0x7: {  	_ = 	snop  }
__scs_overlays_trampoline_lowered:
0x8: {  	[smem:$0x3FAC] =	sst s0  }
0x9: {  	[smem:$0x3FAD] =	sst s1  }
0xa: {  	[smem:$0x3FAE] =	sst s2  }
0xb: {  	[smem:$0x3FAF] =	sst s3  }
0xc: {  	[smem:$0x3FB0] =	sst s4  }
0xd: {  	[smem:$0x3FB1] =	sst s5  }
0xe: {  	[smem:$0x3FB2] =	sst s6  }
0xf: {  	[smem:$0x3FB3] =	sst s7  }
0x10: {  	[smem:$0x3FB4] =	sst s8  }
0x11: {  	[smem:$0x3FB5] =	sst s9;
	s0 =	simm.s32 @!p0 $0x0  }
0x12: {  	s1 =	sld [smem:$0x3F9B];
	s0 =	simm.s32 @p0 $0x1  }
0x13: {  	[smem:$0x3FB6] =	sst s0;
	s0 =	simm.s32 @!p1 $0x0  }
0x14: {  	s2 =	sld [smem:$0x3F9A];
	s0 =	simm.s32 @p1 $0x1  }
0x15: {  	[smem:$0x3FB7] =	sst s0;
	s0 =	simm.s32 @!p2 $0x0  }
0x16: {  	s3 =	sld [smem:$0x3FDB];
	s0 =	simm.s32 @p2 $0x1  }
0x17: {  	s4 =	simm.s32 $0x1BF5;
	[smem:$0x3FB9] =	sst s0  }
0x18: {  	s0 =	sld [smem:$0x3F9C];
	_ =	swait.ge [sflag:s4], $0x0  }
0x19: {  	s7 =	sld [smem:$0x3F9D]  }
0x1a: {  	s8 =	sadd.s32 $0xFFFFE003, lr  }
0x1b: {  	s9 =	sadd.s32 $0xFFFFFEF7, lr;
	s5 =	simm.s32 $0xFFFFFFFF;
	p2 =	slt.u32 s8, $0xFFFFF086  }
0x1c: {  	p1 =	slt.u32 s9, $0xF7A;
	s5 =	simm.s32 @!p2 $0x0  }
0x1d: {  	s5 =	simm.s32 @p1 $0x1;
	p0 =	seq.s32 s7, s2  }
0x1e: {  	s7 =	smul.u32 @!p0 $0xF7A, s2;
	p2 =	seq.s32 @!p0 s5, $0x0  }
0x1f: {  	s9 =	smul.u32 $0xF7A, s1;
	s8 =	simm.s32 @!p0 $0x1BF5;
	p2 =	por !p2, p0  }
0x20: {  	[sflag:s8] =	ssyncset.s32 @!p0 $0xFFFFF086;
	s6 =	sadd.s32 @!p0 s3, s7;
	s7 =	simm.s32 @!p0 $0x108  }
0x21: {  	s3 =	sadd.s32 s3, s9;
	s6 =	sadd.s32 @!p0 $0x88, s6;
	s7 =	simm.s32 @p2 $0x1082  }
0x22: {  	[simem:s7], [sflag:s8] =	dma.local @!p0 [hbm:s6], $0xF7A  }
0x23: {  	s9 =	sor.u32 $0xD0000000, s2;
	s6 =	simm.s32 $0x108;
	_ =	swait.ge @!p0 [sflag:s8], $0x0  }
0x24: {  	s3 =	sadd.s32 $0x88, s3;
	s6 =	simm.s32 @!p1 $0x1082;
	[sflag:s4] =	ssyncset.s32 $0xFFFFF086  }
0x25: {  	[simem:s6], [sflag:s4] =	dma.local [hbm:s3], $0xF7A  }
0x26: {  	[smem:$0x3F9D] =	sst s1;
	(tag) =	ssettag s2;
	_ =	strace s9  }
0x27: {  	s1 =	sld [smem:$0x3FAD]  }
0x28: {  	s2 =	sld [smem:$0x3FAE]  }
0x29: {  	s4 =	sld [smem:$0x3FB0]  }
0x2a: {  	p0 =	seq.s32 s5, $0x0;
	s5 =	sld [smem:$0x3FB1]  }
0x2b: {  	s6 =	sld [smem:$0x3FB2]  }
0x2c: {  	s7 =	sld [smem:$0x3FB3]  }
0x2d: {  	s3 =	simm.s32 $0x108;
	s8 =	sld [smem:$0x3FB4]  }
0x2e: {  	s3 =	simm.s32 @!p0 $0x1082;
	s9 =	sld [smem:$0x3FB5]  }
0x2f: {  	lr =	sadd.s32 s0, s3;
	s0 =	sld [smem:$0x3FAC]  }
0x30: {  	s3 =	sld [smem:$0x3FAF]  }
0x31: {  	[smem:$0x3FB8] =	sst s10  }
0x32: {  	s10 =	sld [smem:$0x3FB6];
	_ =	sdelay $0x3  }
0x33: {  	p0 =	seq.s32 s10, $0x1;
	s10 =	sld [smem:$0x3FB8];
	_ =	sdelay $0x3  }
0x34: {  	[smem:$0x3FB8] =	sst s10  }
0x35: {  	s10 =	sld [smem:$0x3FB7];
	_ =	sdelay $0x3  }
0x36: {  	p1 =	seq.s32 s10, $0x1;
	s10 =	sld [smem:$0x3FB8];
	_ =	sdelay $0x3  }
0x37: {  	[smem:$0x3FB8] =	sst s10  }
0x38: {  	s10 =	sld [smem:$0x3FB9]  }
0x39: {  	_ = 	snop;
	(pc) =	sbr.ind lr, $3  }
0x3a: {  	_ = 	snop  }
0x3b: {  	_ = 	snop  }
0x3c: {  	p2 =	seq.s32 s10, $0x1;
	s10 =	sld [smem:$0x3FB8]  }
0x3d: {  	_ =	shalt  }
0x3e: {  	_ =	shalt  }
0x3f: {  	_ =	shalt  }
0x40: {  	_ =	shalt  }
0x41: {  	_ =	shalt  }
0x42: {  	_ =	shalt  }
0x43: {  	_ =	shalt  }
0x44: {  	_ =	shalt  }
0x45: {  	_ =	shalt  }
0x46: {  	_ =	shalt  }
0x47: {  	_ =	shalt  }
0x48: {  	_ =	shalt  }
0x49: {  	_ =	shalt  }
0x4a: {  	_ =	shalt  }
0x4b: {  	_ =	shalt  }
0x4c: {  	_ =	shalt  }
0x4d: {  	_ =	shalt  }
0x4e: {  	_ =	shalt  }
0x4f: {  	_ =	shalt  }
0x50: {  	_ =	shalt  }
0x51: {  	_ =	shalt  }
0x52: {  	_ =	shalt  }
0x53: {  	_ =	shalt  }
0x54: {  	_ =	shalt  }
0x55: {  	_ =	shalt  }
0x56: {  	_ =	shalt  }
0x57: {  	_ =	shalt  }
0x58: {  	_ =	shalt  }
0x59: {  	_ =	shalt  }
0x5a: {  	_ =	shalt  }
0x5b: {  	_ =	shalt  }
0x5c: {  	_ =	shalt  }
0x5d: {  	_ =	shalt  }
0x5e: {  	_ =	shalt  }
0x5f: {  	_ =	shalt  }
0x60: {  	_ =	shalt  }
0x61: {  	_ =	shalt  }
0x62: {  	_ =	shalt  }
0x63: {  	_ =	shalt  }
0x64: {  	_ =	shalt  }
0x65: {  	_ =	shalt  }
0x66: {  	_ =	shalt  }
0x67: {  	_ =	shalt  }
0x68: {  	_ =	shalt  }
0x69: {  	_ =	shalt  }
0x6a: {  	_ =	shalt  }
0x6b: {  	_ =	shalt  }
0x6c: {  	_ =	shalt  }
0x6d: {  	_ =	shalt  }
0x6e: {  	_ =	shalt  }
0x6f: {  	_ =	shalt  }
0x70: {  	_ =	shalt  }
0x71: {  	_ =	shalt  }
0x72: {  	_ =	shalt  }
0x73: {  	_ =	shalt  }
0x74: {  	_ =	shalt  }
0x75: {  	_ =	shalt  }
0x76: {  	_ =	shalt  }
0x77: {  	_ =	shalt  }
0x78: {  	_ =	shalt  }
0x79: {  	_ =	shalt  }
0x7a: {  	_ =	shalt  }
0x7b: {  	_ =	shalt  }
0x7c: {  	_ =	shalt  }
0x7d: {  	_ =	shalt  }
0x7e: {  	_ =	shalt  }
0x7f: {  	_ =	shalt  }
0x80: {  	_ =	shalt  }
0x81: {  	_ =	shalt  }
0x82: {  	_ =	shalt  }
0x83: {  	_ =	shalt  }
0x84: {  	_ =	shalt  }
0x85: {  	_ =	shalt  }
0x86: {  	_ =	shalt  }
0x87: {  	_ =	shalt  }
.Lfunc_end0:
.L_simem_size_0:
called_computation_lowered:
.L_overlay_start_0:
0x88: {  	s2 =	sld [smem:$0x3FD9]  }
0x89: {  	s3 =	sld [smem:$0x3FFE];
	_ =	sdelay $0x1  }
0x8a: {  	s1 =	srdreg.scid  }
0x8b: {  	s0 =	sand.u32 $0x1, s1  }
0x8c: {  	s17 =	sshll.u32 s0, $0xA;
	s2 =	sadd.s32 s3, s2  }
0x8d: {  	s2 =	sadd.s32 s2, s17  }
0x8e: {  	[smem:$0x3FC4] =	sst s2  }
0x8f: {  	_ = 	snop  }
0x90: {  	s2 =	sld [smem:$0x3FD0];
	(tm) =	ssettm $0x1  }
0x91: {  	s18 =	sld [smem:$0x3FFB];
	_ =	sdelay $0x3  }
0x92: {  	_ =	strace s18  }
0x93: {  	s3 =	sld [smem:$0x3FFC];
	_ =	sdelay $0x3  }
0x94: {  	_ =	strace s3  }
0x95: {  	s3 =	sld [smem:$0x3FFD];
	_ =	sdelay $0x3  }
0x96: {  	_ =	strace s3  }
0x97: {  	_ =	strace $0x8FFFFFFF  }
0x98: {  	s19 =	sld [smem:$0x3FDB];
	_ =	sdelay $0x1  }
0x99: {  	s4 =	simm.s32 $_scs_section_size  }
0x9a: {  	s5 =	simm.s32 $_size__tile_overlayer_lowered;
	s6 =	simm.s32 $_tile_overlayer_lowered  }
0x9b: {  	s22 =	simm.s32 $0x1BFF;
	s21 =	sshll.u32 s6, $0x1;
	s3 =	sadd.s32 s4, s19  }
0x9c: {  	s7 =	simm.s32 $0x0;
	s20 =	sshll.u32 s5, $0x1;
	s5 =	sadd.s32 s21, s3  }
0x9d: {  	[timem:s7], [sflag:s22] =	dma.local [hbm:s5], s20  }
0x9e: {  	_ =	swait.ge [sflag:s22], s20  }
0x9f: {  	s4 =	ssub.s32 $0x0, s20;
	[sflag:s22] =	ssyncset.done $0x0  }
0xa0: {  	[sflag:s22] =	ssyncadd.s32 s4;
	_ =	sdelay $0x1  }
0xa1: {  	s23 =	simm.s32 $0x1B8B  }
0xa2: {  	_ =	swait.ge [sflag:s23], $0x1  }
0xa3: {  	[sflag:s23] =	ssyncset.done $0x0  }
0xa4: {  	s25 =	simm.s32 $0x1B8E;
	s24 =	sld [smem:$0x3FFE];
	[sflag:s23] =	ssyncadd.s32 $0xFFFFFFFF  }
0xa5: {  	s26 =	simm.s32 $execute0_lowered;
	[smem:$0x3FD2] =	sst s25  }
0xa6: {  	s5 =	sshll.u32 s26, $0x1;
	_ =	strace $0x80000046;
	[dreg:$0x1] =	wrdreg $0xFFFFFFFF  }
0xa7: {  	s28 =	simm.s32 $_size_execute0_lowered;
	s3 =	sadd.s32 s3, s5;
	[dreg:$0x0] =	wrdreg $0x0  }
0xa8: {  	s5 =	sshll.u32 s28, $0x1;
	[dreg:$0x2] =	wrdreg s3  }
0xa9: {  	[dreg:$0x3] =	wrdreg s5  }
0xaa: {  	[dreg:$0x4] =	wrdreg $0xC0  }
0xab: {  	_ =	task [dreg:s7], $0x5FFFF  }
0xac: {  	[dreg:$0x1] =	wrdreg $0xFFFFFFFF  }
0xad: {  	[dreg:$0x0] =	wrdreg $0x60  }
0xae: {  	[dreg:$0x2] =	wrdreg s2  }
0xaf: {  	[dreg:$0x3] =	wrdreg s24  }
0xb0: {  	[dreg:$0x4] =	wrdreg $0x9  }
0xb1: {  	_ =	task.clear_ibuf [dreg:s7], $0x5FFFF;
	_ =	strace $0x90000046  }
0xb2: {  	s29 =	simm.s32 $0x9;
	_ =	strace $0x80000048  }
0xb3: {  	_ =	swait.ge [sflag:s29], $0x1  }
0xb4: {  	[sflag:s29] =	ssyncadd.s32 $0xFFFFFFFF  }
0xb5: {  	_ =	strace $0x90000048  }
0xb6: {  	_ =	sfence  }
0xb7: {  	s30 =	sld [smem:$0x0];
	_ =	sdelay $0x2  }
0xb8: {  	s31 =	sshll.u32 s1, $0xD;
	s1 =	sshrl.u32 s1, $0x2  }
0xb9: {  	s3 =	sand.u32 $0x4000, s31;
	s1 =	sadd.s32 s1, s30  }
0xba: {  	s0 =	sor.u32 s3, s0;
	s1 =	sshll.u32 s1, $0x11  }
0xbb: {  	s0 =	sor.u32 s1, s0  }
0xbc: {  	s0 =	sadd.s32 $0x8F2B, s0  }
0xbd: {  	[sflag:s0] =	ssyncadd.remote.s32 $0x1  }
0xbe: {  	_ =	sfence.sel $0xFFFF  }
0xbf: {  	[dreg:$0x0] =	wrdreg $0xFFFFFFFF;
	(pc) =	sbr.abs _section_cstart, $3  }
0xc0: {  	[dreg:$0x1] =	wrdreg $0xFFFFFFFF  }
0xc1: {  	_ =	task.clear_ibuf [dreg:s7], $0x2FFFF;
	_ =	strace $0x9FFFFFFF  }
0xc2: {  	(tm) =	ssettm $0x7FFFFFFF  }
0xc3: {  	_ =	shalt  }
tec
execute0_lowered:
.L_overlay_start_1:
0x0: {  	(tag) =	ssettag $0x1  }
0x1: {  	s2 =	rddreg [dreg:$0x0]  }
0x2: {  	s4 =	rddreg [dreg:$0x1]  }
0x3: {  	s3 =	srdreg.scid;
	s1 =	stileid.u32;
	s14 =	simm.s32 $0x1AE00  }
0x4: {  	s15 =	simm.s32 $0x5;
	s16 =	simm.s32 $0x400;
	s17 =	simm.s32 $0x800  }
0x5: {  	s18 =	simm.s32 $0xC00;
	s19 =	simm.s32 $0x1;
	s20 =	simm.s32 $0x2  }
0x6: {  	s21 =	simm.s32 $0x3;
	s22 =	simm.s32 $0x4;
	s23 =	simm.s32 $0x200  }
0x7: {  	s24 =	simm.s32 $0x4000;
	s25 =	simm.s32 $0x1A000;
	s26 =	simm.s32 $0x0  }
0x8: {  	s5 =	sand.u32 $0x1, s3;
	s3 =	simm.s32 $0x0;
	s6 =	sshll.u32 s1, $0x7  }
0x9: {  	s9 =	sadd.s32 $0x80, s2;
	s10 =	sadd.s32 $0x100, s2;
	s11 =	sadd.s32 $0x180, s2  }
0xa: {  	s7 =	sshll.u32 s5, $0x6;
	[smem:$0x7FF] =	sst s3;
	s5 =	ssub.s32 $0x2, s5  }
0xb: {  	s6 =	sor.u32 s7, s6;
	_ =	strace $0x80000047;
	s31 =	sshrl.u32 s5, $0x1  }
0xc: {  	s12 =	sadd.s32 s6, s4;
	s4 =	sadd.s32 $0x64400, s4;
	s13 =	ssub.s32 s5, s31  }
0xd: {  	s5 =	sadd.s32 $0x400, s12;
	s6 =	sadd.s32 $0x410, s12;
	s7 =	sadd.s32 $0x420, s12  }
0xe: {  	s8 =	sadd.s32 $0x430, s12;
	s12 =	sadd.s32 $0x64600, s12;
	s13 =	smax.u32 s13, $0x1  }
.LBB2_1:
0xf: {  	[tilespmem:s14], [sflag:$0x5] =	stream.linear.gather [hbm4b:s4+s3], $0x1, $0x38;
	[tilespmem:$0x1AE10] =	vst v63  }
0x10: {  	_ =	swait.ge [sflag:s15], $0x1  }
0x11: {  	[sflag:s15] =	ssyncset.done $0x0  }
0x12: {  	[sflag:s15] =	ssyncadd.s32 $0xFFFFFFFF  }
0x13: {  	s28 =	simm.s32 $0x800;
	s29 =	sadd.s32 $0x0, s5;
	s30 =	simm.s32 $0x1000;
	v0 =	vld [tilespmem:$0x1AE00]  }
.LBB2_2:
0x14: {  	[tilespmem:s30], [sflag:$0x1] =	stream.linear.gather [hbm4b:s29+s3], $0x80, $0x38;
	[tilespmem:$0x1AE10] =	vst v63  }
0x15: {  	s29 =	smov.u32 s28;
	p0 =	sne.s32 s28, $0x63800  }
.Ltmp0:
0x16: {  	s28 =	sadd.s32 $0x800, s28;
	(pc) =	sbr.rel @p0 .LBB2_2-.Ltmp0, $3  }
0x17: {  	_ =	sdelay $0x1  }
0x18: {  	s30 =	sshra.s32 s29, $0x2  }
0x19: {  	s29 =	sadd.s32 s29, s5;
	s30 =	sadd.s32 $0x1000, s30  }
0x1a: {  	[tilespmem:s30], [sflag:$0x1] =	stream.linear.gather [hbm4b:s29+s3], $0x80, $0x38;
	[tilespmem:$0x1AE10] =	vst v63  }
0x1b: {  	s28 =	simm.s32 $0x800;
	s29 =	sadd.s32 $0x0, s6;
	s30 =	simm.s32 $0x1080  }
.LBB2_4:
0x1c: {  	[tilespmem:s30], [sflag:$0x2] =	stream.linear.gather [hbm4b:s29+s3], $0x80, $0x38;
	[tilespmem:$0x1AE10] =	vst v63  }
0x1d: {  	s29 =	smov.u32 s28;
	p0 =	sne.s32 s28, $0x63800  }
.Ltmp1:
0x1e: {  	s28 =	sadd.s32 $0x800, s28;
	(pc) =	sbr.rel @p0 .LBB2_4-.Ltmp1, $3  }
0x1f: {  	_ =	sdelay $0x1  }
0x20: {  	s30 =	sshra.s32 s29, $0x2  }
0x21: {  	s29 =	sadd.s32 s29, s6;
	s30 =	sadd.s32 $0x1080, s30  }
0x22: {  	[tilespmem:s30], [sflag:$0x2] =	stream.linear.gather [hbm4b:s29+s3], $0x80, $0x38;
	[tilespmem:$0x1AE10] =	vst v63  }
0x23: {  	s28 =	simm.s32 $0x800;
	s29 =	sadd.s32 $0x0, s7;
	s30 =	simm.s32 $0x1100  }
.LBB2_6:
0x24: {  	[tilespmem:s30], [sflag:$0x3] =	stream.linear.gather [hbm4b:s29+s3], $0x80, $0x38;
	[tilespmem:$0x1AE10] =	vst v63  }
0x25: {  	s29 =	smov.u32 s28;
	p0 =	sne.s32 s28, $0x63800  }
.Ltmp2:
0x26: {  	s28 =	sadd.s32 $0x800, s28;
	(pc) =	sbr.rel @p0 .LBB2_6-.Ltmp2, $3  }
0x27: {  	_ =	sdelay $0x1  }
0x28: {  	s30 =	sshra.s32 s29, $0x2  }
0x29: {  	s29 =	sadd.s32 s29, s7;
	s30 =	sadd.s32 $0x1100, s30  }
0x2a: {  	[tilespmem:s30], [sflag:$0x3] =	stream.linear.gather [hbm4b:s29+s3], $0x80, $0x38;
	[tilespmem:$0x1AE10] =	vst v63  }
0x2b: {  	s28 =	simm.s32 $0x800;
	s29 =	sadd.s32 $0x0, s8;
	s30 =	simm.s32 $0x1180  }
.LBB2_8:
0x2c: {  	[tilespmem:s30], [sflag:$0x4] =	stream.linear.gather [hbm4b:s29+s3], $0x80, $0x38;
	[tilespmem:$0x1AE10] =	vst v63  }
0x2d: {  	s29 =	smov.u32 s28;
	p0 =	sne.s32 s28, $0x63800  }
.Ltmp3:
0x2e: {  	s28 =	sadd.s32 $0x800, s28;
	(pc) =	sbr.rel @p0 .LBB2_8-.Ltmp3, $3  }
0x2f: {  	_ =	sdelay $0x1  }
0x30: {  	s30 =	sshra.s32 s29, $0x2  }
0x31: {  	s29 =	sadd.s32 s29, s8;
	s30 =	sadd.s32 $0x1180, s30  }
0x32: {  	[tilespmem:s30], [sflag:$0x4] =	stream.linear.gather [hbm4b:s29+s3], $0x80, $0x38;
	[tilespmem:$0x1AE10] =	vst v63  }
0x33: {  	s28 =	simm.s32 $0x0  }
0x34: {  	[tilespmem:s28], [sflag:$0x5] =	stream.linear.gather [hbm4b:s2+s28], $0x400, $0x38;
	[tilespmem:$0x1AE10] =	vst v63  }
0x35: {  	_ =	swait.ge [sflag:s15], $0x400  }
0x36: {  	[sflag:s15] =	ssyncset.done $0x0  }
0x37: {  	[sflag:s15] =	ssyncadd.s32 $0xFFFFFC00  }
0x38: {  	[tilespmem:s16], [sflag:$0x5] =	stream.linear.gather [hbm4b:s9+s28], $0x400, $0x38;
	[tilespmem:$0x1AE10] =	vst v63  }
0x39: {  	_ =	swait.ge [sflag:s15], $0x400  }
0x3a: {  	[sflag:s15] =	ssyncset.done $0x0  }
0x3b: {  	[sflag:s15] =	ssyncadd.s32 $0xFFFFFC00  }
0x3c: {  	[tilespmem:s17], [sflag:$0x5] =	stream.linear.gather [hbm4b:s10+s28], $0x400, $0x38;
	[tilespmem:$0x1AE10] =	vst v63  }
0x3d: {  	_ =	swait.ge [sflag:s15], $0x400  }
0x3e: {  	[sflag:s15] =	ssyncset.done $0x0  }
0x3f: {  	[sflag:s15] =	ssyncadd.s32 $0xFFFFFC00  }
0x40: {  	[tilespmem:s18], [sflag:$0x5] =	stream.linear.gather [hbm4b:s11+s28], $0x400, $0x38;
	[tilespmem:$0x1AE10] =	vst v63  }
0x41: {  	_ =	swait.ge [sflag:s15], $0x400  }
0x42: {  	[sflag:s15] =	ssyncset.done $0x0  }
0x43: {  	[sflag:s15] =	ssyncadd.s32 $0xFFFFFC00  }
0x44: {  	_ =	swait.ge [sflag:s19], $0x6400  }
0x45: {  	[sflag:s19] =	ssyncset.done $0x0  }
0x46: {  	v0 =	vbroadcast v0, $0x0;
	s29 =	simm.s32 $0x1800;
	[sflag:s19] =	ssyncadd.s32 $0xFFFF9C00  }
.LBB2_10:
0x47: {  	v1 =	vmov s29;
	_ =	sdelay $0x3  }
0x48: {  	s30 =	simm.s32 $0x0  }
0x49: {  	v3 =	vld.idx.msk [tilespmem:v1+s30+$0xFFFFF800 ss:$0x1], $0xffff;
	_ =	sdelay $0x1  }
0x4a: {  	v4 =	vld.idx.msk [tilespmem:v1+s30+$0xFFFFFC00 ss:$0x1], $0xffff  }
0x4b: {  	v5 =	vld.idx.msk [tilespmem:v1+s30+$0xFFFFFA00 ss:$0x1], $0xffff  }
0x4c: {  	v8 =	vld.idx.msk [tilespmem:v1+s30+$0x0 ss:$0x1], $0xffff  }
0x4d: {  	v6 =	vld.idx.msk [tilespmem:v1+s30+$0xFFFFFE00 ss:$0x1], $0xffff  }
0x4e: {  	v10 =	vld.idx.msk [tilespmem:v1+s30+$0x200 ss:$0x1], $0xffff  }
0x4f: {  	v18 =	vld.idx.msk [tilespmem:v1+s30+$0x400 ss:$0x1], $0xffff  }
0x50: {  	v7 =	vld.idx.msk [tilespmem:v3+s17+$0x0], $0xffff  }
0x51: {  	v9 =	vld.idx.msk [tilespmem:v3+s16+$0x0], $0xffff  }
0x52: {  	v11 =	vld.idx.msk [tilespmem:v4+s18+$0x0], $0xffff  }
0x53: {  	v12 =	vld.idx.msk [tilespmem:v5+s3+$0x0], $0xffff  }
0x54: {  	v13 =	vld.idx.msk [tilespmem:v3+s3+$0x0], $0xffff  }
0x55: {  	v15 =	vld.idx.msk [tilespmem:v6+s18+$0x0], $0xffff  }
0x56: {  	v16 =	vld.idx.msk [tilespmem:v3+s18+$0x0], $0xffff  }
0x57: {  	v17 =	vld.idx.msk [tilespmem:v5+s18+$0x0], $0xffff  }
0x58: {  	v20 =	vld.idx.msk [tilespmem:v5+s17+$0x0], $0xffff  }
0x59: {  	v28 =	vld.idx.msk [tilespmem:v6+s3+$0x0], $0xffff  }
0x5a: {  	v19 =	vimm.f32 $0.0e+00;
	v14 =	vld.idx.msk [tilespmem:v4+s17+$0x0], $0xffff;
	v3 =	vshll.u32 v9, $0x10  }
0x5b: {  	v5 =	vld.idx.msk [tilespmem:v5+s16+$0x0], $0xffff;
	v9 =	vand.u32 v0, v9;
	v23 =	vshll.u32 v13, $0x10;
	v16 =	vshll.u32 v16, $0x10  }
0x5c: {  	v25 =	vld.idx.msk [tilespmem:v6+s16+$0x0], $0xffff;
	v11 =	vshll.u32 v11, $0x10;
	v13 =	vand.u32 v0, v13;
	v17 =	vshll.u32 v17, $0x10  }
0x5d: {  	v26 =	vld.idx.msk [tilespmem:v6+s17+$0x0], $0xffff;
	v32 =	vshll.u32 v15, $0x10;
	v6 =	vand.u32 v0, v12;
	v34 =	vand.u32 v0, v20  }
0x5e: {  	v22 =	vld.idx.msk [tilespmem:v4+s16+$0x0], $0xffff;
	v35 =	vshll.u32 v28, $0x10;
	v21 =	vadd.f32 v3, v19;
	v3 =	vand.u32 v0, v7  }
0x5f: {  	v2 =	vld.idx.msk [tilespmem:v1+s30+$0x600 ss:$0x1], $0xffff;
	v9 =	vadd.f32 v9, v19;
	v7 =	vshll.u32 v7, $0x10;
	v23 =	vadd.f32 v23, v19  }
0x60: {  	v27 =	vld.idx.msk [tilespmem:v4+s3+$0x0], $0xffff;
	v16 =	vadd.f32 v16, v19;
	v4 =	vadd.f32 v13, v19;
	v13 =	vshll.u32 v12, $0x10  }
0x61: {  	v33 =	vld.idx.msk [tilespmem:v10+s16+$0x0], $0xffff;
	v12 =	vshll.u32 v5, $0x10;
	v24 =	vadd.f32 v3, v19;
	v7 =	vadd.f32 v7, v19  }
0x62: {  	v3 =	vand.u32 v0, v14;
	v15 =	vadd.f32 v17, v16;
	v17 =	vld.idx.msk [tilespmem:v8+s16+$0x0], $0xffff;
	v29 =	vadd.f32 v6, v4  }
0x63: {  	v4 =	vand.u32 v0, v5;
	v16 =	vand.u32 v0, v22;
	v12 =	vadd.f32 v12, v21;
	v5 =	vld.idx.msk [tilespmem:v8+s17+$0x0], $0xffff  }
0x64: {  	v6 =	vshll.u32 v20, $0x10;
	v21 =	vshll.u32 v14, $0x10;
	v36 =	vadd.f32 v13, v23;
	v23 =	vld.idx.msk [tilespmem:v18+s3+$0x0], $0xffff  }
0x65: {  	v4 =	vadd.f32 v4, v9;
	v19 =	vadd.f32 v6, v7;
	v7 =	vshll.u32 v22, $0x10;
	v6 =	vld.idx.msk [tilespmem:v10+s17+$0x0], $0xffff  }
0x66: {  	v9 =	vand.u32 v0, v27;
	v22 =	vshll.u32 v26, $0x10;
	v7 =	vadd.f32 v7, v12;
	v12 =	vld.idx.msk [tilespmem:v8+s3+$0x0], $0xffff  }
0x67: {  	v27 =	vshll.u32 v27, $0x10;
	v26 =	vand.u32 v0, v26;
	v37 =	vadd.f32 v11, v15;
	v11 =	vld.idx.msk [tilespmem:v2+s16+$0x0], $0xffff  }
0x68: {  	v36 =	vadd.f32 v27, v36;
	v27 =	vld.idx.msk [tilespmem:v10+s18+$0x0], $0xffff;
	v14 =	vadd.f32 v16, v4;
	v4 =	vshll.u32 v25, $0x10  }
0x69: {  	v16 =	vld.idx.msk [tilespmem:v10+s3+$0x0], $0xffff;
	v13 =	vadd.f32 v4, v7;
	v7 =	vand.u32 v0, v25;
	v32 =	vadd.f32 v32, v37  }
0x6a: {  	v25 =	vand.u32 v0, v28;
	v28 =	vadd.f32 v7, v14;
	v7 =	vld.idx.msk [tilespmem:v18+s17+$0x0], $0xffff;
	v14 =	vadd.f32 v9, v29  }
0x6b: {  	v38 =	vand.u32 v0, v17;
	v20 =	vshll.u32 v17, $0x10;
	v9 =	vld.idx.msk [tilespmem:v8+s18+$0x0], $0xffff;
	v17 =	vand.u32 v0, v33  }
0x6c: {  	v4 =	vld.idx.msk [tilespmem:v18+s16+$0x0], $0xffff;
	v10 =	vand.u32 v0, v23;
	v15 =	vshll.u32 v6, $0x10;
	v30 =	vadd.f32 v25, v14  }
0x6d: {  	v29 =	vshll.u32 v12, $0x10;
	v31 =	vand.u32 v0, v12;
	v8 =	vadd.f32 v38, v28;
	v12 =	vld.idx.msk [tilespmem:v2+s3+$0x0], $0xffff  }
0x6e: {  	v14 =	vshll.u32 v33, $0x10;
	v25 =	vshll.u32 v5, $0x10;
	v28 =	vadd.f32 v34, v24;
	v24 =	vld.idx.msk [tilespmem:v18+s18+$0x0], $0xffff  }
0x6f: {  	s31 =	simm.s32 $0x4000;
	s30 =	sshll.u32 s28, $0x4;
	v33 =	vadd.f32 v35, v36;
	v18 =	vld.idx.msk [tilespmem:v2+s18+$0x0], $0xffff;
	v8 =	vadd.f32 v17, v8;
	v17 =	vshll.u32 v7, $0x10  }
.LBB2_11:
0x70: {  	s0 =	sshra.s32 s31, $0x2;
	p0 =	sne.s32 s31, $0x60000;
	s31 =	sadd.s32 $0x4000, s31;
	v19 =	vadd.f32 v21, v19;
	v21 =	vadd.f32 v31, v30;
	v30 =	vshll.u32 v9, $0x10;
	v31 =	vld.idx.msk [tilespmem:v2+s17+$0x0], $0xffff  }
0x71: {  	v2 =	vand.u32 v0, v16;
	v34 =	vld.idx.msk [tilespmem:v1+s0+$0xFFFFF800 ss:$0x1], $0xffff;
	v29 =	vadd.f32 v29, v33;
	v33 =	vand.u32 v0, v11  }
0x72: {  	v35 =	vand.u32 v0, v12;
	v9 =	vld.idx.msk [tilespmem:v1+s0+$0x0 ss:$0x1], $0xffff;
	v2 =	vadd.f32 v2, v21;
	v21 =	vand.u32 v0, v4  }
0x73: {  	v16 =	vshll.u32 v16, $0x10;
	v19 =	vadd.f32 v22, v19;
	v36 =	vld.idx.msk [tilespmem:v1+s0+$0xFFFFFC00 ss:$0x1], $0xffff;
	v21 =	vadd.f32 v21, v8  }
0x74: {  	v23 =	vshll.u32 v23, $0x10;
	v30 =	vadd.f32 v30, v32;
	v22 =	vld.idx.msk [tilespmem:v1+s0+$0xFFFFFA00 ss:$0x1], $0xffff;
	v2 =	vadd.f32 v10, v2  }
0x75: {  	v3 =	vadd.f32 v3, v28;
	v5 =	vand.u32 v0, v5;
	v8 =	vld.idx.msk [tilespmem:v1+s0+$0x200 ss:$0x1], $0xffff;
	v21 =	vadd.f32 v33, v21  }
0x76: {  	v13 =	vadd.f32 v20, v13;
	v6 =	vand.u32 v0, v6;
	v19 =	vadd.f32 v25, v19;
	v28 =	vld.idx.msk [tilespmem:v1+s0+$0xFFFFFE00 ss:$0x1], $0xffff  }
0x77: {  	v3 =	vadd.f32 v26, v3;
	v20 =	vshll.u32 v27, $0x10;
	v25 =	vadd.f32 v35, v2;
	v10 =	vld.idx.msk [tilespmem:v1+s0+$0x400 ss:$0x1], $0xffff  }
0x78: {  	v7 =	vand.u32 v0, v7;
	v15 =	vadd.f32 v15, v19;
	v19 =	vadd.f32 v20, v30;
	v2 =	vld.idx.msk [tilespmem:v1+s0+$0x600 ss:$0x1], $0xffff  }
0x79: {  	v13 =	vadd.f32 v14, v13;
	v16 =	vadd.f32 v16, v29;
	v14 =	vshll.u32 v24, $0x10;
	v20 =	vld.idx.msk [tilespmem:v34+s17+$0x0], $0xffff  }
0x7a: {  	v4 =	vshll.u32 v4, $0x10;
	v3 =	vadd.f32 v5, v3;
	v5 =	vadd.f32 v14, v19;
	v24 =	vld.idx.msk [tilespmem:v34+s16+$0x0], $0xffff  }
0x7b: {  	v4 =	vadd.f32 v4, v13;
	v13 =	vadd.f32 v17, v15;
	v15 =	vshll.u32 v18, $0x10;
	v14 =	vld.idx.msk [tilespmem:v36+s18+$0x0], $0xffff  }
0x7c: {  	v3 =	vadd.f32 v6, v3;
	v6 =	vshll.u32 v11, $0x10;
	v5 =	vadd.f32 v15, v5;
	v17 =	vld.idx.msk [tilespmem:v22+s3+$0x0], $0xffff  }
0x7d: {  	v4 =	vadd.f32 v6, v4;
	v6 =	vshll.u32 v31, $0x10;
	v15 =	vadd.f32 v23, v16;
	v11 =	vld.idx.msk [tilespmem:v34+s3+$0x0], $0xffff  }
0x7e: {  	v3 =	vadd.f32 v7, v3;
	v7 =	vshll.u32 v12, $0x10;
	v6 =	vadd.f32 v6, v13;
	v16 =	vld.idx.msk [tilespmem:v36+s17+$0x0], $0xffff  }
0x7f: {  	v13 =	vand.u32 v0, v31;
	v7 =	vadd.f32 v7, v15;
	v12 =	vld.idx.msk [tilespmem:v28+s18+$0x0], $0xffff  }
0x80: {  	v3 =	vadd.f32 v13, v3;
	v15 =	vshll.u32 v24, $0x10;
	v18 =	vand.u32 v0, v24;
	v19 =	vld.idx.msk [tilespmem:v34+s18+$0x0], $0xffff  }
0x81: {  	v4 =	vadd.f32 v15, v4;
	v13 =	vadd.f32 v18, v21;
	v15 =	vand.u32 v0, v20;
	v18 =	vld.idx.msk [tilespmem:v22+s18+$0x0], $0xffff  }
0x82: {  	v20 =	vshll.u32 v20, $0x10;
	v24 =	vadd.f32 v15, v3;
	v15 =	vld.idx.msk [tilespmem:v22+s17+$0x0], $0xffff  }
0x83: {  	v6 =	vadd.f32 v20, v6;
	v21 =	vshll.u32 v11, $0x10;
	v20 =	vld.idx.msk [tilespmem:v22+s16+$0x0], $0xffff  }
0x84: {  	v22 =	vld.idx.msk [tilespmem:v36+s16+$0x0], $0xffff  }
0x85: {  	v3 =	vand.u32 v0, v16;
	v23 =	vld.idx.msk [tilespmem:v28+s16+$0x0], $0xffff  }
0x86: {  	v14 =	vshll.u32 v14, $0x10;
	v7 =	vadd.f32 v21, v7;
	v19 =	vshll.u32 v19, $0x10;
	v26 =	vld.idx.msk [tilespmem:v28+s17+$0x0], $0xffff  }
0x87: {  	v11 =	vand.u32 v0, v11;
	v5 =	vadd.f32 v19, v5;
	v18 =	vshll.u32 v18, $0x10;
	v27 =	vld.idx.msk [tilespmem:v36+s3+$0x0], $0xffff  }
0x88: {  	v11 =	vadd.f32 v11, v25;
	v25 =	vshll.u32 v17, $0x10;
	v32 =	vshll.u32 v12, $0x10;
	v28 =	vld.idx.msk [tilespmem:v28+s3+$0x0], $0xffff  }
0x89: {  	v12 =	vand.u32 v0, v17;
	v17 =	vshll.u32 v20, $0x10;
	v18 =	vadd.f32 v18, v5;
	v29 =	vld.idx.msk [tilespmem:v9+s16+$0x0], $0xffff  }
0x8a: {  	v11 =	vadd.f32 v12, v11;
	v12 =	vand.u32 v0, v20;
	v20 =	vand.u32 v0, v22;
	v33 =	vld.idx.msk [tilespmem:v8+s16+$0x0], $0xffff  }
0x8b: {  	v34 =	vand.u32 v0, v15;
	v4 =	vadd.f32 v17, v4;
	v17 =	vshll.u32 v15, $0x10;
	v5 =	vld.idx.msk [tilespmem:v9+s17+$0x0], $0xffff  }
0x8c: {  	v12 =	vadd.f32 v12, v13;
	v13 =	vshll.u32 v22, $0x10;
	v19 =	vadd.f32 v17, v6;
	v6 =	vld.idx.msk [tilespmem:v8+s17+$0x0], $0xffff  }
0x8d: {  	v21 =	vshll.u32 v16, $0x10;
	v4 =	vadd.f32 v13, v4;
	v15 =	vand.u32 v0, v27;
	v17 =	vld.idx.msk [tilespmem:v9+s3+$0x0], $0xffff  }
0x8e: {  	v12 =	vadd.f32 v20, v12;
	v13 =	vshll.u32 v23, $0x10;
	v35 =	vshll.u32 v28, $0x10;
	v16 =	vld.idx.msk [tilespmem:v8+s3+$0x0], $0xffff  }
0x8f: {  	v36 =	vadd.f32 v25, v7;
	v7 =	vand.u32 v0, v23;
	v13 =	vadd.f32 v13, v4;
	v4 =	vld.idx.msk [tilespmem:v10+s16+$0x0], $0xffff  }
0x90: {  	v22 =	vshll.u32 v26, $0x10;
	v25 =	vand.u32 v0, v28;
	v12 =	vadd.f32 v7, v12;
	v7 =	vld.idx.msk [tilespmem:v10+s17+$0x0], $0xffff  }
0x91: {  	v18 =	vadd.f32 v14, v18;
	v11 =	vadd.f32 v15, v11;
	v28 =	vand.u32 v0, v29;
	v23 =	vld.idx.msk [tilespmem:v10+s3+$0x0], $0xffff  }
0x92: {  	v27 =	vshll.u32 v27, $0x10;
	v20 =	vshll.u32 v29, $0x10;
	v15 =	vshll.u32 v6, $0x10;
	v9 =	vld.idx.msk [tilespmem:v9+s18+$0x0], $0xffff  }
.Ltmp4:
0x93: {  	v30 =	vadd.f32 v25, v11;
	v14 =	vshll.u32 v33, $0x10;
	v29 =	vshll.u32 v17, $0x10;
	v11 =	vld.idx.msk [tilespmem:v2+s16+$0x0], $0xffff;
	(pc) =	sbr.rel @p0 .LBB2_11-.Ltmp4, $4  }
0x94: {  	v25 =	vshll.u32 v5, $0x10;
	v31 =	vand.u32 v0, v17;
	v17 =	vadd.f32 v28, v12;
	v12 =	vld.idx.msk [tilespmem:v2+s3+$0x0], $0xffff  }
0x95: {  	v26 =	vand.u32 v0, v26;
	v36 =	vadd.f32 v27, v36;
	v33 =	vand.u32 v0, v33;
	v27 =	vld.idx.msk [tilespmem:v8+s18+$0x0], $0xffff  }
0x96: {  	v28 =	vadd.f32 v34, v24;
	v8 =	vadd.f32 v33, v17;
	v17 =	vshll.u32 v7, $0x10;
	v24 =	vld.idx.msk [tilespmem:v10+s18+$0x0], $0xffff  }
0x97: {  	v32 =	vadd.f32 v32, v18;
	v33 =	vadd.f32 v35, v36;
	v10 =	vand.u32 v0, v23;
	v18 =	vld.idx.msk [tilespmem:v2+s18+$0x0], $0xffff  }
0x98: {  	v1 =	vadd.f32 v21, v19;
	v36 =	vadd.f32 v31, v30  }
0x99: {  	v9 =	vshll.u32 v9, $0x10;
	v38 =	vand.u32 v0, v16;
	v39 =	vand.u32 v0, v11  }
0x9a: {  	v40 =	vand.u32 v0, v4;
	v3 =	vadd.f32 v3, v28;
	v13 =	vadd.f32 v20, v13  }
0x9b: {  	v42 =	vshll.u32 v16, $0x10;
	v37 =	vadd.f32 v29, v33;
	v8 =	vadd.f32 v40, v8  }
0x9c: {  	v43 =	vshll.u32 v23, $0x10;
	v9 =	vadd.f32 v9, v32;
	v19 =	vadd.f32 v38, v36  }
0x9d: {  	v5 =	vand.u32 v0, v5;
	v1 =	vadd.f32 v22, v1;
	v3 =	vadd.f32 v26, v3  }
0x9e: {  	v44 =	vshll.u32 v27, $0x10;
	v13 =	vadd.f32 v14, v13;
	v8 =	vadd.f32 v39, v8  }
0x9f: {  	v6 =	vand.u32 v0, v6;
	v45 =	vadd.f32 v42, v37;
	v9 =	vadd.f32 v44, v9  }
0xa0: {  	v47 =	vshll.u32 v4, $0x10;
	v10 =	vadd.f32 v10, v19;
	v1 =	vadd.f32 v25, v1  }
0xa1: {  	v2 =	vld.idx.msk [tilespmem:v2+s17+$0x0], $0xffff;
	v46 =	vshll.u32 v24, $0x10;
	v3 =	vadd.f32 v5, v3;
	v4 =	vadd.f32 v47, v13  }
0xa2: {  	v41 =	vand.u32 v0, v12;
	v48 =	vadd.f32 v43, v45;
	v9 =	vadd.f32 v46, v9  }
0xa3: {  	v49 =	vshll.u32 v12, $0x10;
	v10 =	vadd.f32 v41, v10;
	v1 =	vadd.f32 v15, v1  }
0xa4: {  	v50 =	vshll.u32 v11, $0x10;
	v3 =	vadd.f32 v6, v3;
	v5 =	vadd.f32 v49, v48  }
0xa5: {  	v7 =	vand.u32 v0, v7;
	v4 =	vadd.f32 v50, v4;
	v1 =	vadd.f32 v17, v1  }
0xa6: {  	v51 =	vshll.u32 v2, $0x10;
	v3 =	vadd.f32 v7, v3;
	v52 =	vmax.f32 v5, v10  }
0xa7: {  	v2 =	vand.u32 v0, v2;
	v1 =	vadd.f32 v51, v1;
	v53 =	vmax.f32 v52, v4  }
0xa8: {  	v54 =	vshll.u32 v18, $0x10;
	v2 =	vadd.f32 v2, v3;
	v3 =	vmax.f32 v53, v8  }
0xa9: {  	v55 =	vadd.f32 v54, v9;
	v3 =	vmax.f32 v3, v1  }
0xaa: {  	v3 =	vmax.f32 v3, v2  }
0xab: {  	v3 =	vmax.f32 v3, v55  }
0xac: {  	v5 =	vsub.f32 v5, v3  }
0xad: {  	v56 =	vsub.f32 v10, v3  }
0xae: {  	v5 =	vmul.f32 $1.442695020e+00, v5  }
0xaf: {  	v4 =	vsub.f32 v4, v3;
	v7 =	vmul.f32 $1.442695020e+00, v56  }
0xb0: {  	(erf) = vpow2.f32 v5  }
0xb1: {  	v57 =	vsub.f32 v8, v3;
	v4 =	vmul.f32 $1.442695020e+00, v4;
	(erf) = vpow2.f32 v7  }
0xb2: {  	v1 =	vsub.f32 v1, v3  }
0xb3: {  	v58 =	vmul.f32 $1.442695020e+00, v57;
	(erf) = vpow2.f32 v4  }
0xb4: {  	v2 =	vsub.f32 v2, v3;
	v1 =	vmul.f32 $1.442695020e+00, v1  }
0xb5: {  	(erf) = vpow2.f32 v58  }
0xb6: {  	(erf) = vpow2.f32 v1;
	v1 =	vmul.f32 $1.442695020e+00, v2;
	v2 =	vsub.f32 v55, v3;
	_ =	sdelay $0x2  }
0xb7: {  	v3 =	vpop (erf);
	(erf) = vpow2.f32 v1;
	v1 =	vmul.f32 $1.442695020e+00, v2  }
0xb8: {  	v2 =	vpop (erf)  }
0xb9: {  	(erf) = vpow2.f32 v1;
	v1 =	vadd.f32 v2, v3  }
0xba: {  	v59 =	vpop (erf)  }
0xbb: {  	v1 =	vadd.f32 v1, v59  }
0xbc: {  	v60 =	vpop (erf)  }
0xbd: {  	v1 =	vadd.f32 v1, v60  }
0xbe: {  	v61 =	vpop (erf)  }
0xbf: {  	v1 =	vadd.f32 v1, v61  }
0xc0: {  	v62 =	vpop (erf)  }
0xc1: {  	v1 =	vadd.f32 v1, v62  }
0xc2: {  	v63 =	vpop (erf)  }
0xc3: {  	v1 =	vadd.f32 v1, v63;
	_ =	sdelay $0x1  }
0xc4: {  	(erf) = vrcp.f32 v1;
	_ =	sdelay $0x8  }
0xc5: {  	v1 =	vpop (erf)  }
0xc6: {  	v3 =	vmul.f32 v1, v3  }
0xc7: {  	v2 =	vmul.f32 v1, v2  }
0xc8: {  	s28 =	sadd.s32 $0x1, s28;
	[tilespmem:s30+$0x1A000] =	vst v3;
	v3 =	vmul.f32 v1, v59  }
0xc9: {  	p0 =	sne.s32 s28, $0x8;
	[tilespmem:s30+$0x1A200] =	vst v2;
	v2 =	vmul.f32 v1, v60  }
.Ltmp5:
0xca: {  	[tilespmem:s30+$0x1A400] =	vst v3;
	v3 =	vmul.f32 v1, v61;
	(pc) =	sbr.rel @p0 .LBB2_10-.Ltmp5, $4  }
0xcb: {  	[tilespmem:s30+$0x1A600] =	vst v2;
	v2 =	vmul.f32 v1, v62  }
0xcc: {  	v1 =	vmul.f32 v1, v63;
	[tilespmem:s30+$0x1A800] =	vst v3  }
0xcd: {  	[tilespmem:s30+$0x1AA00] =	vst v2  }
0xce: {  	s29 =	sadd.s32 $0x10, s29;
	[tilespmem:s30+$0x1AC00] =	vst v1  }
0xcf: {  	_ =	swait.ge [sflag:s20], $0x6400  }
0xd0: {  	[sflag:s20] =	ssyncset.done $0x0  }
0xd1: {  	s28 =	simm.s32 $0x8;
	s29 =	simm.s32 $0x1880;
	[sflag:s20] =	ssyncadd.s32 $0xFFFF9C00  }
.LBB2_14:
0xd2: {  	v1 =	vmov s29;
	_ =	sdelay $0x3  }
0xd3: {  	s0 =	simm.s32 $0x0  }
0xd4: {  	v3 =	vld.idx.msk [tilespmem:v1+s0+$0xFFFFF800 ss:$0x1], $0xffff;
	_ =	sdelay $0x1  }
0xd5: {  	v4 =	vld.idx.msk [tilespmem:v1+s0+$0xFFFFFC00 ss:$0x1], $0xffff  }
0xd6: {  	v5 =	vld.idx.msk [tilespmem:v1+s0+$0xFFFFFA00 ss:$0x1], $0xffff  }
0xd7: {  	v8 =	vld.idx.msk [tilespmem:v1+s0+$0x0 ss:$0x1], $0xffff  }
0xd8: {  	v6 =	vld.idx.msk [tilespmem:v1+s0+$0xFFFFFE00 ss:$0x1], $0xffff  }
0xd9: {  	v10 =	vld.idx.msk [tilespmem:v1+s0+$0x200 ss:$0x1], $0xffff  }
0xda: {  	v18 =	vld.idx.msk [tilespmem:v1+s0+$0x400 ss:$0x1], $0xffff  }
0xdb: {  	v7 =	vld.idx.msk [tilespmem:v3+s17+$0x0], $0xffff  }
0xdc: {  	v9 =	vld.idx.msk [tilespmem:v3+s16+$0x0], $0xffff  }
0xdd: {  	v11 =	vld.idx.msk [tilespmem:v4+s18+$0x0], $0xffff  }
0xde: {  	v12 =	vld.idx.msk [tilespmem:v5+s3+$0x0], $0xffff  }
0xdf: {  	v13 =	vld.idx.msk [tilespmem:v3+s3+$0x0], $0xffff  }
0xe0: {  	v15 =	vld.idx.msk [tilespmem:v6+s18+$0x0], $0xffff  }
0xe1: {  	v16 =	vld.idx.msk [tilespmem:v3+s18+$0x0], $0xffff  }
0xe2: {  	v17 =	vld.idx.msk [tilespmem:v5+s18+$0x0], $0xffff  }
0xe3: {  	v20 =	vld.idx.msk [tilespmem:v5+s17+$0x0], $0xffff  }
0xe4: {  	v28 =	vld.idx.msk [tilespmem:v6+s3+$0x0], $0xffff  }
0xe5: {  	v19 =	vimm.f32 $0.0e+00;
	v14 =	vld.idx.msk [tilespmem:v4+s17+$0x0], $0xffff;
	v3 =	vshll.u32 v9, $0x10  }
0xe6: {  	v5 =	vld.idx.msk [tilespmem:v5+s16+$0x0], $0xffff;
	v9 =	vand.u32 v0, v9;
	v23 =	vshll.u32 v13, $0x10;
	v16 =	vshll.u32 v16, $0x10  }
0xe7: {  	v25 =	vld.idx.msk [tilespmem:v6+s16+$0x0], $0xffff;
	v11 =	vshll.u32 v11, $0x10;
	v13 =	vand.u32 v0, v13;
	v17 =	vshll.u32 v17, $0x10  }
0xe8: {  	v26 =	vld.idx.msk [tilespmem:v6+s17+$0x0], $0xffff;
	v32 =	vshll.u32 v15, $0x10;
	v6 =	vand.u32 v0, v12;
	v34 =	vand.u32 v0, v20  }
0xe9: {  	v22 =	vld.idx.msk [tilespmem:v4+s16+$0x0], $0xffff;
	v35 =	vshll.u32 v28, $0x10;
	v21 =	vadd.f32 v3, v19;
	v3 =	vand.u32 v0, v7  }
0xea: {  	v2 =	vld.idx.msk [tilespmem:v1+s0+$0x600 ss:$0x1], $0xffff;
	v9 =	vadd.f32 v9, v19;
	v7 =	vshll.u32 v7, $0x10;
	v23 =	vadd.f32 v23, v19  }
0xeb: {  	v27 =	vld.idx.msk [tilespmem:v4+s3+$0x0], $0xffff;
	v16 =	vadd.f32 v16, v19;
	v4 =	vadd.f32 v13, v19;
	v13 =	vshll.u32 v12, $0x10  }
0xec: {  	v33 =	vld.idx.msk [tilespmem:v10+s16+$0x0], $0xffff;
	v12 =	vshll.u32 v5, $0x10;
	v24 =	vadd.f32 v3, v19;
	v7 =	vadd.f32 v7, v19  }
0xed: {  	v3 =	vand.u32 v0, v14;
	v15 =	vadd.f32 v17, v16;
	v17 =	vld.idx.msk [tilespmem:v8+s16+$0x0], $0xffff;
	v29 =	vadd.f32 v6, v4  }
0xee: {  	v4 =	vand.u32 v0, v5;
	v16 =	vand.u32 v0, v22;
	v12 =	vadd.f32 v12, v21;
	v5 =	vld.idx.msk [tilespmem:v8+s17+$0x0], $0xffff  }
0xef: {  	v6 =	vshll.u32 v20, $0x10;
	v21 =	vshll.u32 v14, $0x10;
	v36 =	vadd.f32 v13, v23;
	v23 =	vld.idx.msk [tilespmem:v18+s3+$0x0], $0xffff  }
0xf0: {  	v4 =	vadd.f32 v4, v9;
	v19 =	vadd.f32 v6, v7;
	v7 =	vshll.u32 v22, $0x10;
	v6 =	vld.idx.msk [tilespmem:v10+s17+$0x0], $0xffff  }
0xf1: {  	v9 =	vand.u32 v0, v27;
	v22 =	vshll.u32 v26, $0x10;
	v7 =	vadd.f32 v7, v12;
	v12 =	vld.idx.msk [tilespmem:v8+s3+$0x0], $0xffff  }
0xf2: {  	v27 =	vshll.u32 v27, $0x10;
	v26 =	vand.u32 v0, v26;
	v37 =	vadd.f32 v11, v15;
	v11 =	vld.idx.msk [tilespmem:v2+s16+$0x0], $0xffff  }
0xf3: {  	v36 =	vadd.f32 v27, v36;
	v27 =	vld.idx.msk [tilespmem:v10+s18+$0x0], $0xffff;
	v14 =	vadd.f32 v16, v4;
	v4 =	vshll.u32 v25, $0x10  }
0xf4: {  	v16 =	vld.idx.msk [tilespmem:v10+s3+$0x0], $0xffff;
	v13 =	vadd.f32 v4, v7;
	v7 =	vand.u32 v0, v25;
	v32 =	vadd.f32 v32, v37  }
0xf5: {  	v25 =	vand.u32 v0, v28;
	v28 =	vadd.f32 v7, v14;
	v7 =	vld.idx.msk [tilespmem:v18+s17+$0x0], $0xffff;
	v14 =	vadd.f32 v9, v29  }
0xf6: {  	v38 =	vand.u32 v0, v17;
	v20 =	vshll.u32 v17, $0x10;
	v9 =	vld.idx.msk [tilespmem:v8+s18+$0x0], $0xffff;
	v17 =	vand.u32 v0, v33  }
0xf7: {  	v4 =	vld.idx.msk [tilespmem:v18+s16+$0x0], $0xffff;
	v10 =	vand.u32 v0, v23;
	v15 =	vshll.u32 v6, $0x10;
	v30 =	vadd.f32 v25, v14  }
0xf8: {  	v29 =	vshll.u32 v12, $0x10;
	v31 =	vand.u32 v0, v12;
	v8 =	vadd.f32 v38, v28;
	v12 =	vld.idx.msk [tilespmem:v2+s3+$0x0], $0xffff  }
0xf9: {  	v14 =	vshll.u32 v33, $0x10;
	v25 =	vshll.u32 v5, $0x10;
	v28 =	vadd.f32 v34, v24;
	v24 =	vld.idx.msk [tilespmem:v18+s18+$0x0], $0xffff  }
0xfa: {  	s30 =	sshll.u32 s28, $0x4;
	s31 =	simm.s32 $0x4000;
	v33 =	vadd.f32 v35, v36;
	v18 =	vld.idx.msk [tilespmem:v2+s18+$0x0], $0xffff;
	v8 =	vadd.f32 v17, v8;
	v17 =	vshll.u32 v7, $0x10  }
.LBB2_15:
0xfb: {  	s0 =	sshra.s32 s31, $0x2;
	p0 =	sne.s32 s31, $0x60000;
	s31 =	sadd.s32 $0x4000, s31;
	v19 =	vadd.f32 v21, v19;
	v21 =	vadd.f32 v31, v30;
	v30 =	vshll.u32 v9, $0x10;
	v31 =	vld.idx.msk [tilespmem:v2+s17+$0x0], $0xffff  }
0xfc: {  	v2 =	vand.u32 v0, v16;
	v34 =	vld.idx.msk [tilespmem:v1+s0+$0xFFFFF800 ss:$0x1], $0xffff;
	v29 =	vadd.f32 v29, v33;
	v33 =	vand.u32 v0, v11  }
0xfd: {  	v35 =	vand.u32 v0, v12;
	v9 =	vld.idx.msk [tilespmem:v1+s0+$0x0 ss:$0x1], $0xffff;
	v2 =	vadd.f32 v2, v21;
	v21 =	vand.u32 v0, v4  }
0xfe: {  	v16 =	vshll.u32 v16, $0x10;
	v19 =	vadd.f32 v22, v19;
	v36 =	vld.idx.msk [tilespmem:v1+s0+$0xFFFFFC00 ss:$0x1], $0xffff;
	v21 =	vadd.f32 v21, v8  }
0xff: {  	v23 =	vshll.u32 v23, $0x10;
	v30 =	vadd.f32 v30, v32;
	v22 =	vld.idx.msk [tilespmem:v1+s0+$0xFFFFFA00 ss:$0x1], $0xffff;
	v2 =	vadd.f32 v10, v2  }
0x100: {  	v3 =	vadd.f32 v3, v28;
	v5 =	vand.u32 v0, v5;
	v8 =	vld.idx.msk [tilespmem:v1+s0+$0x200 ss:$0x1], $0xffff;
	v21 =	vadd.f32 v33, v21  }
0x101: {  	v13 =	vadd.f32 v20, v13;
	v6 =	vand.u32 v0, v6;
	v19 =	vadd.f32 v25, v19;
	v28 =	vld.idx.msk [tilespmem:v1+s0+$0xFFFFFE00 ss:$0x1], $0xffff  }
0x102: {  	v3 =	vadd.f32 v26, v3;
	v20 =	vshll.u32 v27, $0x10;
	v25 =	vadd.f32 v35, v2;
	v10 =	vld.idx.msk [tilespmem:v1+s0+$0x400 ss:$0x1], $0xffff  }
0x103: {  	v7 =	vand.u32 v0, v7;
	v15 =	vadd.f32 v15, v19;
	v19 =	vadd.f32 v20, v30;
	v2 =	vld.idx.msk [tilespmem:v1+s0+$0x600 ss:$0x1], $0xffff  }
0x104: {  	v13 =	vadd.f32 v14, v13;
	v16 =	vadd.f32 v16, v29;
	v14 =	vshll.u32 v24, $0x10;
	v20 =	vld.idx.msk [tilespmem:v34+s17+$0x0], $0xffff  }
0x105: {  	v4 =	vshll.u32 v4, $0x10;
	v3 =	vadd.f32 v5, v3;
	v5 =	vadd.f32 v14, v19;
	v24 =	vld.idx.msk [tilespmem:v34+s16+$0x0], $0xffff  }
0x106: {  	v4 =	vadd.f32 v4, v13;
	v13 =	vadd.f32 v17, v15;
	v15 =	vshll.u32 v18, $0x10;
	v14 =	vld.idx.msk [tilespmem:v36+s18+$0x0], $0xffff  }
0x107: {  	v3 =	vadd.f32 v6, v3;
	v6 =	vshll.u32 v11, $0x10;
	v5 =	vadd.f32 v15, v5;
	v17 =	vld.idx.msk [tilespmem:v22+s3+$0x0], $0xffff  }
0x108: {  	v4 =	vadd.f32 v6, v4;
	v6 =	vshll.u32 v31, $0x10;
	v15 =	vadd.f32 v23, v16;
	v11 =	vld.idx.msk [tilespmem:v34+s3+$0x0], $0xffff  }
0x109: {  	v3 =	vadd.f32 v7, v3;
	v7 =	vshll.u32 v12, $0x10;
	v6 =	vadd.f32 v6, v13;
	v16 =	vld.idx.msk [tilespmem:v36+s17+$0x0], $0xffff  }
0x10a: {  	v13 =	vand.u32 v0, v31;
	v7 =	vadd.f32 v7, v15;
	v12 =	vld.idx.msk [tilespmem:v28+s18+$0x0], $0xffff  }
0x10b: {  	v3 =	vadd.f32 v13, v3;
	v15 =	vshll.u32 v24, $0x10;
	v18 =	vand.u32 v0, v24;
	v19 =	vld.idx.msk [tilespmem:v34+s18+$0x0], $0xffff  }
0x10c: {  	v4 =	vadd.f32 v15, v4;
	v13 =	vadd.f32 v18, v21;
	v15 =	vand.u32 v0, v20;
	v18 =	vld.idx.msk [tilespmem:v22+s18+$0x0], $0xffff  }
0x10d: {  	v20 =	vshll.u32 v20, $0x10;
	v24 =	vadd.f32 v15, v3;
	v15 =	vld.idx.msk [tilespmem:v22+s17+$0x0], $0xffff  }
0x10e: {  	v6 =	vadd.f32 v20, v6;
	v21 =	vshll.u32 v11, $0x10;
	v20 =	vld.idx.msk [tilespmem:v22+s16+$0x0], $0xffff  }
0x10f: {  	v22 =	vld.idx.msk [tilespmem:v36+s16+$0x0], $0xffff  }
0x110: {  	v3 =	vand.u32 v0, v16;
	v23 =	vld.idx.msk [tilespmem:v28+s16+$0x0], $0xffff  }
0x111: {  	v14 =	vshll.u32 v14, $0x10;
	v7 =	vadd.f32 v21, v7;
	v19 =	vshll.u32 v19, $0x10;
	v26 =	vld.idx.msk [tilespmem:v28+s17+$0x0], $0xffff  }
0x112: {  	v11 =	vand.u32 v0, v11;
	v5 =	vadd.f32 v19, v5;
	v18 =	vshll.u32 v18, $0x10;
	v27 =	vld.idx.msk [tilespmem:v36+s3+$0x0], $0xffff  }
0x113: {  	v11 =	vadd.f32 v11, v25;
	v25 =	vshll.u32 v17, $0x10;
	v32 =	vshll.u32 v12, $0x10;
	v28 =	vld.idx.msk [tilespmem:v28+s3+$0x0], $0xffff  }
0x114: {  	v12 =	vand.u32 v0, v17;
	v17 =	vshll.u32 v20, $0x10;
	v18 =	vadd.f32 v18, v5;
	v29 =	vld.idx.msk [tilespmem:v9+s16+$0x0], $0xffff  }
0x115: {  	v11 =	vadd.f32 v12, v11;
	v12 =	vand.u32 v0, v20;
	v20 =	vand.u32 v0, v22;
	v33 =	vld.idx.msk [tilespmem:v8+s16+$0x0], $0xffff  }
0x116: {  	v34 =	vand.u32 v0, v15;
	v4 =	vadd.f32 v17, v4;
	v17 =	vshll.u32 v15, $0x10;
	v5 =	vld.idx.msk [tilespmem:v9+s17+$0x0], $0xffff  }
0x117: {  	v12 =	vadd.f32 v12, v13;
	v13 =	vshll.u32 v22, $0x10;
	v19 =	vadd.f32 v17, v6;
	v6 =	vld.idx.msk [tilespmem:v8+s17+$0x0], $0xffff  }
0x118: {  	v21 =	vshll.u32 v16, $0x10;
	v4 =	vadd.f32 v13, v4;
	v15 =	vand.u32 v0, v27;
	v17 =	vld.idx.msk [tilespmem:v9+s3+$0x0], $0xffff  }
0x119: {  	v12 =	vadd.f32 v20, v12;
	v13 =	vshll.u32 v23, $0x10;
	v35 =	vshll.u32 v28, $0x10;
	v16 =	vld.idx.msk [tilespmem:v8+s3+$0x0], $0xffff  }
0x11a: {  	v36 =	vadd.f32 v25, v7;
	v7 =	vand.u32 v0, v23;
	v13 =	vadd.f32 v13, v4;
	v4 =	vld.idx.msk [tilespmem:v10+s16+$0x0], $0xffff  }
0x11b: {  	v22 =	vshll.u32 v26, $0x10;
	v25 =	vand.u32 v0, v28;
	v12 =	vadd.f32 v7, v12;
	v7 =	vld.idx.msk [tilespmem:v10+s17+$0x0], $0xffff  }
0x11c: {  	v18 =	vadd.f32 v14, v18;
	v11 =	vadd.f32 v15, v11;
	v28 =	vand.u32 v0, v29;
	v23 =	vld.idx.msk [tilespmem:v10+s3+$0x0], $0xffff  }
0x11d: {  	v27 =	vshll.u32 v27, $0x10;
	v20 =	vshll.u32 v29, $0x10;
	v15 =	vshll.u32 v6, $0x10;
	v9 =	vld.idx.msk [tilespmem:v9+s18+$0x0], $0xffff  }
.Ltmp6:
0x11e: {  	v30 =	vadd.f32 v25, v11;
	v14 =	vshll.u32 v33, $0x10;
	v29 =	vshll.u32 v17, $0x10;
	v11 =	vld.idx.msk [tilespmem:v2+s16+$0x0], $0xffff;
	(pc) =	sbr.rel @p0 .LBB2_15-.Ltmp6, $4  }
0x11f: {  	v25 =	vshll.u32 v5, $0x10;
	v31 =	vand.u32 v0, v17;
	v17 =	vadd.f32 v28, v12;
	v12 =	vld.idx.msk [tilespmem:v2+s3+$0x0], $0xffff  }
0x120: {  	v26 =	vand.u32 v0, v26;
	v36 =	vadd.f32 v27, v36;
	v33 =	vand.u32 v0, v33;
	v27 =	vld.idx.msk [tilespmem:v8+s18+$0x0], $0xffff  }
0x121: {  	v28 =	vadd.f32 v34, v24;
	v8 =	vadd.f32 v33, v17;
	v17 =	vshll.u32 v7, $0x10;
	v24 =	vld.idx.msk [tilespmem:v10+s18+$0x0], $0xffff  }
0x122: {  	v32 =	vadd.f32 v32, v18;
	v33 =	vadd.f32 v35, v36;
	v10 =	vand.u32 v0, v23;
	v18 =	vld.idx.msk [tilespmem:v2+s18+$0x0], $0xffff  }
0x123: {  	v1 =	vadd.f32 v21, v19;
	v36 =	vadd.f32 v31, v30  }
0x124: {  	v9 =	vshll.u32 v9, $0x10;
	v38 =	vand.u32 v0, v16;
	v39 =	vand.u32 v0, v11  }
0x125: {  	v40 =	vand.u32 v0, v4;
	v3 =	vadd.f32 v3, v28;
	v13 =	vadd.f32 v20, v13  }
0x126: {  	v42 =	vshll.u32 v16, $0x10;
	v37 =	vadd.f32 v29, v33;
	v8 =	vadd.f32 v40, v8  }
0x127: {  	v43 =	vshll.u32 v23, $0x10;
	v9 =	vadd.f32 v9, v32;
	v19 =	vadd.f32 v38, v36  }
0x128: {  	v5 =	vand.u32 v0, v5;
	v1 =	vadd.f32 v22, v1;
	v3 =	vadd.f32 v26, v3  }
0x129: {  	v44 =	vshll.u32 v27, $0x10;
	v13 =	vadd.f32 v14, v13;
	v8 =	vadd.f32 v39, v8  }
0x12a: {  	v6 =	vand.u32 v0, v6;
	v45 =	vadd.f32 v42, v37;
	v9 =	vadd.f32 v44, v9  }
0x12b: {  	v47 =	vshll.u32 v4, $0x10;
	v10 =	vadd.f32 v10, v19;
	v1 =	vadd.f32 v25, v1  }
0x12c: {  	v2 =	vld.idx.msk [tilespmem:v2+s17+$0x0], $0xffff;
	v46 =	vshll.u32 v24, $0x10;
	v3 =	vadd.f32 v5, v3;
	v4 =	vadd.f32 v47, v13  }
0x12d: {  	v41 =	vand.u32 v0, v12;
	v48 =	vadd.f32 v43, v45;
	v9 =	vadd.f32 v46, v9  }
0x12e: {  	v49 =	vshll.u32 v12, $0x10;
	v10 =	vadd.f32 v41, v10;
	v1 =	vadd.f32 v15, v1  }
0x12f: {  	v50 =	vshll.u32 v11, $0x10;
	v3 =	vadd.f32 v6, v3;
	v5 =	vadd.f32 v49, v48  }
0x130: {  	v7 =	vand.u32 v0, v7;
	v4 =	vadd.f32 v50, v4;
	v1 =	vadd.f32 v17, v1  }
0x131: {  	v51 =	vshll.u32 v2, $0x10;
	v3 =	vadd.f32 v7, v3;
	v52 =	vmax.f32 v5, v10  }
0x132: {  	v2 =	vand.u32 v0, v2;
	v1 =	vadd.f32 v51, v1;
	v53 =	vmax.f32 v52, v4  }
0x133: {  	v54 =	vshll.u32 v18, $0x10;
	v2 =	vadd.f32 v2, v3;
	v3 =	vmax.f32 v53, v8  }
0x134: {  	v55 =	vadd.f32 v54, v9;
	v3 =	vmax.f32 v3, v1  }
0x135: {  	v3 =	vmax.f32 v3, v2  }
0x136: {  	v3 =	vmax.f32 v3, v55  }
0x137: {  	v5 =	vsub.f32 v5, v3  }
0x138: {  	v56 =	vsub.f32 v10, v3  }
0x139: {  	v5 =	vmul.f32 $1.442695020e+00, v5  }
0x13a: {  	v4 =	vsub.f32 v4, v3;
	v7 =	vmul.f32 $1.442695020e+00, v56  }
0x13b: {  	(erf) = vpow2.f32 v5  }
0x13c: {  	v57 =	vsub.f32 v8, v3;
	v4 =	vmul.f32 $1.442695020e+00, v4;
	(erf) = vpow2.f32 v7  }
0x13d: {  	v1 =	vsub.f32 v1, v3  }
0x13e: {  	v58 =	vmul.f32 $1.442695020e+00, v57;
	(erf) = vpow2.f32 v4  }
0x13f: {  	v2 =	vsub.f32 v2, v3;
	v1 =	vmul.f32 $1.442695020e+00, v1  }
0x140: {  	(erf) = vpow2.f32 v58  }
0x141: {  	(erf) = vpow2.f32 v1;
	v1 =	vmul.f32 $1.442695020e+00, v2;
	v2 =	vsub.f32 v55, v3;
	_ =	sdelay $0x2  }
0x142: {  	v3 =	vpop (erf);
	(erf) = vpow2.f32 v1;
	v1 =	vmul.f32 $1.442695020e+00, v2  }
0x143: {  	v2 =	vpop (erf)  }
0x144: {  	(erf) = vpow2.f32 v1;
	v1 =	vadd.f32 v2, v3  }
0x145: {  	v59 =	vpop (erf)  }
0x146: {  	v1 =	vadd.f32 v1, v59  }
0x147: {  	v60 =	vpop (erf)  }
0x148: {  	v1 =	vadd.f32 v1, v60  }
0x149: {  	v61 =	vpop (erf)  }
0x14a: {  	v1 =	vadd.f32 v1, v61  }
0x14b: {  	v62 =	vpop (erf)  }
0x14c: {  	v1 =	vadd.f32 v1, v62  }
0x14d: {  	v63 =	vpop (erf)  }
0x14e: {  	v1 =	vadd.f32 v1, v63;
	_ =	sdelay $0x1  }
0x14f: {  	(erf) = vrcp.f32 v1;
	_ =	sdelay $0x8  }
0x150: {  	v1 =	vpop (erf)  }
0x151: {  	v3 =	vmul.f32 v1, v3  }
0x152: {  	v2 =	vmul.f32 v1, v2  }
0x153: {  	s28 =	sadd.s32 $0x1, s28;
	[tilespmem:s30+$0x1A000] =	vst v3;
	v3 =	vmul.f32 v1, v59  }
0x154: {  	p0 =	sne.s32 s28, $0x10;
	[tilespmem:s30+$0x1A200] =	vst v2;
	v2 =	vmul.f32 v1, v60  }
.Ltmp7:
0x155: {  	[tilespmem:s30+$0x1A400] =	vst v3;
	v3 =	vmul.f32 v1, v61;
	(pc) =	sbr.rel @p0 .LBB2_14-.Ltmp7, $4  }
0x156: {  	[tilespmem:s30+$0x1A600] =	vst v2;
	v2 =	vmul.f32 v1, v62  }
0x157: {  	v1 =	vmul.f32 v1, v63;
	[tilespmem:s30+$0x1A800] =	vst v3  }
0x158: {  	[tilespmem:s30+$0x1AA00] =	vst v2  }
0x159: {  	s29 =	sadd.s32 $0x10, s29;
	[tilespmem:s30+$0x1AC00] =	vst v1  }
0x15a: {  	_ =	swait.ge [sflag:s21], $0x6400  }
0x15b: {  	[sflag:s21] =	ssyncset.done $0x0  }
0x15c: {  	s28 =	simm.s32 $0x10;
	s29 =	simm.s32 $0x1900;
	[sflag:s21] =	ssyncadd.s32 $0xFFFF9C00  }
.LBB2_18:
0x15d: {  	v1 =	vmov s29;
	_ =	sdelay $0x3  }
0x15e: {  	s0 =	simm.s32 $0x0  }
0x15f: {  	v3 =	vld.idx.msk [tilespmem:v1+s0+$0xFFFFF800 ss:$0x1], $0xffff;
	_ =	sdelay $0x1  }
0x160: {  	v4 =	vld.idx.msk [tilespmem:v1+s0+$0xFFFFFC00 ss:$0x1], $0xffff  }
0x161: {  	v5 =	vld.idx.msk [tilespmem:v1+s0+$0xFFFFFA00 ss:$0x1], $0xffff  }
0x162: {  	v8 =	vld.idx.msk [tilespmem:v1+s0+$0x0 ss:$0x1], $0xffff  }
0x163: {  	v6 =	vld.idx.msk [tilespmem:v1+s0+$0xFFFFFE00 ss:$0x1], $0xffff  }
0x164: {  	v10 =	vld.idx.msk [tilespmem:v1+s0+$0x200 ss:$0x1], $0xffff  }
0x165: {  	v18 =	vld.idx.msk [tilespmem:v1+s0+$0x400 ss:$0x1], $0xffff  }
0x166: {  	v7 =	vld.idx.msk [tilespmem:v3+s17+$0x0], $0xffff  }
0x167: {  	v9 =	vld.idx.msk [tilespmem:v3+s16+$0x0], $0xffff  }
0x168: {  	v11 =	vld.idx.msk [tilespmem:v4+s18+$0x0], $0xffff  }
0x169: {  	v12 =	vld.idx.msk [tilespmem:v5+s3+$0x0], $0xffff  }
0x16a: {  	v13 =	vld.idx.msk [tilespmem:v3+s3+$0x0], $0xffff  }
0x16b: {  	v15 =	vld.idx.msk [tilespmem:v6+s18+$0x0], $0xffff  }
0x16c: {  	v16 =	vld.idx.msk [tilespmem:v3+s18+$0x0], $0xffff  }
0x16d: {  	v17 =	vld.idx.msk [tilespmem:v5+s18+$0x0], $0xffff  }
0x16e: {  	v20 =	vld.idx.msk [tilespmem:v5+s17+$0x0], $0xffff  }
0x16f: {  	v28 =	vld.idx.msk [tilespmem:v6+s3+$0x0], $0xffff  }
0x170: {  	v19 =	vimm.f32 $0.0e+00;
	v14 =	vld.idx.msk [tilespmem:v4+s17+$0x0], $0xffff;
	v3 =	vshll.u32 v9, $0x10  }
0x171: {  	v5 =	vld.idx.msk [tilespmem:v5+s16+$0x0], $0xffff;
	v9 =	vand.u32 v0, v9;
	v23 =	vshll.u32 v13, $0x10;
	v16 =	vshll.u32 v16, $0x10  }
0x172: {  	v25 =	vld.idx.msk [tilespmem:v6+s16+$0x0], $0xffff;
	v11 =	vshll.u32 v11, $0x10;
	v13 =	vand.u32 v0, v13;
	v17 =	vshll.u32 v17, $0x10  }
0x173: {  	v26 =	vld.idx.msk [tilespmem:v6+s17+$0x0], $0xffff;
	v32 =	vshll.u32 v15, $0x10;
	v6 =	vand.u32 v0, v12;
	v34 =	vand.u32 v0, v20  }
0x174: {  	v22 =	vld.idx.msk [tilespmem:v4+s16+$0x0], $0xffff;
	v35 =	vshll.u32 v28, $0x10;
	v21 =	vadd.f32 v3, v19;
	v3 =	vand.u32 v0, v7  }
0x175: {  	v2 =	vld.idx.msk [tilespmem:v1+s0+$0x600 ss:$0x1], $0xffff;
	v9 =	vadd.f32 v9, v19;
	v7 =	vshll.u32 v7, $0x10;
	v23 =	vadd.f32 v23, v19  }
0x176: {  	v27 =	vld.idx.msk [tilespmem:v4+s3+$0x0], $0xffff;
	v16 =	vadd.f32 v16, v19;
	v4 =	vadd.f32 v13, v19;
	v13 =	vshll.u32 v12, $0x10  }
0x177: {  	v33 =	vld.idx.msk [tilespmem:v10+s16+$0x0], $0xffff;
	v12 =	vshll.u32 v5, $0x10;
	v24 =	vadd.f32 v3, v19;
	v7 =	vadd.f32 v7, v19  }
0x178: {  	v3 =	vand.u32 v0, v14;
	v15 =	vadd.f32 v17, v16;
	v17 =	vld.idx.msk [tilespmem:v8+s16+$0x0], $0xffff;
	v29 =	vadd.f32 v6, v4  }
0x179: {  	v4 =	vand.u32 v0, v5;
	v16 =	vand.u32 v0, v22;
	v12 =	vadd.f32 v12, v21;
	v5 =	vld.idx.msk [tilespmem:v8+s17+$0x0], $0xffff  }
0x17a: {  	v6 =	vshll.u32 v20, $0x10;
	v21 =	vshll.u32 v14, $0x10;
	v36 =	vadd.f32 v13, v23;
	v23 =	vld.idx.msk [tilespmem:v18+s3+$0x0], $0xffff  }
0x17b: {  	v4 =	vadd.f32 v4, v9;
	v19 =	vadd.f32 v6, v7;
	v7 =	vshll.u32 v22, $0x10;
	v6 =	vld.idx.msk [tilespmem:v10+s17+$0x0], $0xffff  }
0x17c: {  	v9 =	vand.u32 v0, v27;
	v22 =	vshll.u32 v26, $0x10;
	v7 =	vadd.f32 v7, v12;
	v12 =	vld.idx.msk [tilespmem:v8+s3+$0x0], $0xffff  }
0x17d: {  	v27 =	vshll.u32 v27, $0x10;
	v26 =	vand.u32 v0, v26;
	v37 =	vadd.f32 v11, v15;
	v11 =	vld.idx.msk [tilespmem:v2+s16+$0x0], $0xffff  }
0x17e: {  	v36 =	vadd.f32 v27, v36;
	v27 =	vld.idx.msk [tilespmem:v10+s18+$0x0], $0xffff;
	v14 =	vadd.f32 v16, v4;
	v4 =	vshll.u32 v25, $0x10  }
0x17f: {  	v16 =	vld.idx.msk [tilespmem:v10+s3+$0x0], $0xffff;
	v13 =	vadd.f32 v4, v7;
	v7 =	vand.u32 v0, v25;
	v32 =	vadd.f32 v32, v37  }
0x180: {  	v25 =	vand.u32 v0, v28;
	v28 =	vadd.f32 v7, v14;
	v7 =	vld.idx.msk [tilespmem:v18+s17+$0x0], $0xffff;
	v14 =	vadd.f32 v9, v29  }
0x181: {  	v38 =	vand.u32 v0, v17;
	v20 =	vshll.u32 v17, $0x10;
	v9 =	vld.idx.msk [tilespmem:v8+s18+$0x0], $0xffff;
	v17 =	vand.u32 v0, v33  }
0x182: {  	v4 =	vld.idx.msk [tilespmem:v18+s16+$0x0], $0xffff;
	v10 =	vand.u32 v0, v23;
	v15 =	vshll.u32 v6, $0x10;
	v30 =	vadd.f32 v25, v14  }
0x183: {  	v29 =	vshll.u32 v12, $0x10;
	v31 =	vand.u32 v0, v12;
	v8 =	vadd.f32 v38, v28;
	v12 =	vld.idx.msk [tilespmem:v2+s3+$0x0], $0xffff  }
0x184: {  	v14 =	vshll.u32 v33, $0x10;
	v25 =	vshll.u32 v5, $0x10;
	v28 =	vadd.f32 v34, v24;
	v24 =	vld.idx.msk [tilespmem:v18+s18+$0x0], $0xffff  }
0x185: {  	s30 =	sshll.u32 s28, $0x4;
	s31 =	simm.s32 $0x4000;
	v33 =	vadd.f32 v35, v36;
	v18 =	vld.idx.msk [tilespmem:v2+s18+$0x0], $0xffff;
	v8 =	vadd.f32 v17, v8;
	v17 =	vshll.u32 v7, $0x10  }
.LBB2_19:
0x186: {  	s0 =	sshra.s32 s31, $0x2;
	p0 =	sne.s32 s31, $0x60000;
	s31 =	sadd.s32 $0x4000, s31;
	v19 =	vadd.f32 v21, v19;
	v21 =	vadd.f32 v31, v30;
	v30 =	vshll.u32 v9, $0x10;
	v31 =	vld.idx.msk [tilespmem:v2+s17+$0x0], $0xffff  }
0x187: {  	v2 =	vand.u32 v0, v16;
	v34 =	vld.idx.msk [tilespmem:v1+s0+$0xFFFFF800 ss:$0x1], $0xffff;
	v29 =	vadd.f32 v29, v33;
	v33 =	vand.u32 v0, v11  }
0x188: {  	v35 =	vand.u32 v0, v12;
	v9 =	vld.idx.msk [tilespmem:v1+s0+$0x0 ss:$0x1], $0xffff;
	v2 =	vadd.f32 v2, v21;
	v21 =	vand.u32 v0, v4  }
0x189: {  	v16 =	vshll.u32 v16, $0x10;
	v19 =	vadd.f32 v22, v19;
	v36 =	vld.idx.msk [tilespmem:v1+s0+$0xFFFFFC00 ss:$0x1], $0xffff;
	v21 =	vadd.f32 v21, v8  }
0x18a: {  	v23 =	vshll.u32 v23, $0x10;
	v30 =	vadd.f32 v30, v32;
	v22 =	vld.idx.msk [tilespmem:v1+s0+$0xFFFFFA00 ss:$0x1], $0xffff;
	v2 =	vadd.f32 v10, v2  }
0x18b: {  	v3 =	vadd.f32 v3, v28;
	v5 =	vand.u32 v0, v5;
	v8 =	vld.idx.msk [tilespmem:v1+s0+$0x200 ss:$0x1], $0xffff;
	v21 =	vadd.f32 v33, v21  }
0x18c: {  	v13 =	vadd.f32 v20, v13;
	v6 =	vand.u32 v0, v6;
	v19 =	vadd.f32 v25, v19;
	v28 =	vld.idx.msk [tilespmem:v1+s0+$0xFFFFFE00 ss:$0x1], $0xffff  }
0x18d: {  	v3 =	vadd.f32 v26, v3;
	v20 =	vshll.u32 v27, $0x10;
	v25 =	vadd.f32 v35, v2;
	v10 =	vld.idx.msk [tilespmem:v1+s0+$0x400 ss:$0x1], $0xffff  }
0x18e: {  	v7 =	vand.u32 v0, v7;
	v15 =	vadd.f32 v15, v19;
	v19 =	vadd.f32 v20, v30;
	v2 =	vld.idx.msk [tilespmem:v1+s0+$0x600 ss:$0x1], $0xffff  }
0x18f: {  	v13 =	vadd.f32 v14, v13;
	v16 =	vadd.f32 v16, v29;
	v14 =	vshll.u32 v24, $0x10;
	v20 =	vld.idx.msk [tilespmem:v34+s17+$0x0], $0xffff  }
0x190: {  	v4 =	vshll.u32 v4, $0x10;
	v3 =	vadd.f32 v5, v3;
	v5 =	vadd.f32 v14, v19;
	v24 =	vld.idx.msk [tilespmem:v34+s16+$0x0], $0xffff  }
0x191: {  	v4 =	vadd.f32 v4, v13;
	v13 =	vadd.f32 v17, v15;
	v15 =	vshll.u32 v18, $0x10;
	v14 =	vld.idx.msk [tilespmem:v36+s18+$0x0], $0xffff  }
0x192: {  	v3 =	vadd.f32 v6, v3;
	v6 =	vshll.u32 v11, $0x10;
	v5 =	vadd.f32 v15, v5;
	v17 =	vld.idx.msk [tilespmem:v22+s3+$0x0], $0xffff  }
0x193: {  	v4 =	vadd.f32 v6, v4;
	v6 =	vshll.u32 v31, $0x10;
	v15 =	vadd.f32 v23, v16;
	v11 =	vld.idx.msk [tilespmem:v34+s3+$0x0], $0xffff  }
0x194: {  	v3 =	vadd.f32 v7, v3;
	v7 =	vshll.u32 v12, $0x10;
	v6 =	vadd.f32 v6, v13;
	v16 =	vld.idx.msk [tilespmem:v36+s17+$0x0], $0xffff  }
0x195: {  	v13 =	vand.u32 v0, v31;
	v7 =	vadd.f32 v7, v15;
	v12 =	vld.idx.msk [tilespmem:v28+s18+$0x0], $0xffff  }
0x196: {  	v3 =	vadd.f32 v13, v3;
	v15 =	vshll.u32 v24, $0x10;
	v18 =	vand.u32 v0, v24;
	v19 =	vld.idx.msk [tilespmem:v34+s18+$0x0], $0xffff  }
0x197: {  	v4 =	vadd.f32 v15, v4;
	v13 =	vadd.f32 v18, v21;
	v15 =	vand.u32 v0, v20;
	v18 =	vld.idx.msk [tilespmem:v22+s18+$0x0], $0xffff  }
0x198: {  	v20 =	vshll.u32 v20, $0x10;
	v24 =	vadd.f32 v15, v3;
	v15 =	vld.idx.msk [tilespmem:v22+s17+$0x0], $0xffff  }
0x199: {  	v6 =	vadd.f32 v20, v6;
	v21 =	vshll.u32 v11, $0x10;
	v20 =	vld.idx.msk [tilespmem:v22+s16+$0x0], $0xffff  }
0x19a: {  	v22 =	vld.idx.msk [tilespmem:v36+s16+$0x0], $0xffff  }
0x19b: {  	v3 =	vand.u32 v0, v16;
	v23 =	vld.idx.msk [tilespmem:v28+s16+$0x0], $0xffff  }
0x19c: {  	v14 =	vshll.u32 v14, $0x10;
	v7 =	vadd.f32 v21, v7;
	v19 =	vshll.u32 v19, $0x10;
	v26 =	vld.idx.msk [tilespmem:v28+s17+$0x0], $0xffff  }
0x19d: {  	v11 =	vand.u32 v0, v11;
	v5 =	vadd.f32 v19, v5;
	v18 =	vshll.u32 v18, $0x10;
	v27 =	vld.idx.msk [tilespmem:v36+s3+$0x0], $0xffff  }
0x19e: {  	v11 =	vadd.f32 v11, v25;
	v25 =	vshll.u32 v17, $0x10;
	v32 =	vshll.u32 v12, $0x10;
	v28 =	vld.idx.msk [tilespmem:v28+s3+$0x0], $0xffff  }
0x19f: {  	v12 =	vand.u32 v0, v17;
	v17 =	vshll.u32 v20, $0x10;
	v18 =	vadd.f32 v18, v5;
	v29 =	vld.idx.msk [tilespmem:v9+s16+$0x0], $0xffff  }
0x1a0: {  	v11 =	vadd.f32 v12, v11;
	v12 =	vand.u32 v0, v20;
	v20 =	vand.u32 v0, v22;
	v33 =	vld.idx.msk [tilespmem:v8+s16+$0x0], $0xffff  }
0x1a1: {  	v34 =	vand.u32 v0, v15;
	v4 =	vadd.f32 v17, v4;
	v17 =	vshll.u32 v15, $0x10;
	v5 =	vld.idx.msk [tilespmem:v9+s17+$0x0], $0xffff  }
0x1a2: {  	v12 =	vadd.f32 v12, v13;
	v13 =	vshll.u32 v22, $0x10;
	v19 =	vadd.f32 v17, v6;
	v6 =	vld.idx.msk [tilespmem:v8+s17+$0x0], $0xffff  }
0x1a3: {  	v21 =	vshll.u32 v16, $0x10;
	v4 =	vadd.f32 v13, v4;
	v15 =	vand.u32 v0, v27;
	v17 =	vld.idx.msk [tilespmem:v9+s3+$0x0], $0xffff  }
0x1a4: {  	v12 =	vadd.f32 v20, v12;
	v13 =	vshll.u32 v23, $0x10;
	v35 =	vshll.u32 v28, $0x10;
	v16 =	vld.idx.msk [tilespmem:v8+s3+$0x0], $0xffff  }
0x1a5: {  	v36 =	vadd.f32 v25, v7;
	v7 =	vand.u32 v0, v23;
	v13 =	vadd.f32 v13, v4;
	v4 =	vld.idx.msk [tilespmem:v10+s16+$0x0], $0xffff  }
0x1a6: {  	v22 =	vshll.u32 v26, $0x10;
	v25 =	vand.u32 v0, v28;
	v12 =	vadd.f32 v7, v12;
	v7 =	vld.idx.msk [tilespmem:v10+s17+$0x0], $0xffff  }
0x1a7: {  	v18 =	vadd.f32 v14, v18;
	v11 =	vadd.f32 v15, v11;
	v28 =	vand.u32 v0, v29;
	v23 =	vld.idx.msk [tilespmem:v10+s3+$0x0], $0xffff  }
0x1a8: {  	v27 =	vshll.u32 v27, $0x10;
	v20 =	vshll.u32 v29, $0x10;
	v15 =	vshll.u32 v6, $0x10;
	v9 =	vld.idx.msk [tilespmem:v9+s18+$0x0], $0xffff  }
.Ltmp8:
0x1a9: {  	v30 =	vadd.f32 v25, v11;
	v14 =	vshll.u32 v33, $0x10;
	v29 =	vshll.u32 v17, $0x10;
	v11 =	vld.idx.msk [tilespmem:v2+s16+$0x0], $0xffff;
	(pc) =	sbr.rel @p0 .LBB2_19-.Ltmp8, $4  }
0x1aa: {  	v25 =	vshll.u32 v5, $0x10;
	v31 =	vand.u32 v0, v17;
	v17 =	vadd.f32 v28, v12;
	v12 =	vld.idx.msk [tilespmem:v2+s3+$0x0], $0xffff  }
0x1ab: {  	v26 =	vand.u32 v0, v26;
	v36 =	vadd.f32 v27, v36;
	v33 =	vand.u32 v0, v33;
	v27 =	vld.idx.msk [tilespmem:v8+s18+$0x0], $0xffff  }
0x1ac: {  	v28 =	vadd.f32 v34, v24;
	v8 =	vadd.f32 v33, v17;
	v17 =	vshll.u32 v7, $0x10;
	v24 =	vld.idx.msk [tilespmem:v10+s18+$0x0], $0xffff  }
0x1ad: {  	v32 =	vadd.f32 v32, v18;
	v33 =	vadd.f32 v35, v36;
	v10 =	vand.u32 v0, v23;
	v18 =	vld.idx.msk [tilespmem:v2+s18+$0x0], $0xffff  }
0x1ae: {  	v1 =	vadd.f32 v21, v19;
	v36 =	vadd.f32 v31, v30  }
0x1af: {  	v9 =	vshll.u32 v9, $0x10;
	v38 =	vand.u32 v0, v16;
	v39 =	vand.u32 v0, v11  }
0x1b0: {  	v40 =	vand.u32 v0, v4;
	v3 =	vadd.f32 v3, v28;
	v13 =	vadd.f32 v20, v13  }
0x1b1: {  	v42 =	vshll.u32 v16, $0x10;
	v37 =	vadd.f32 v29, v33;
	v8 =	vadd.f32 v40, v8  }
0x1b2: {  	v43 =	vshll.u32 v23, $0x10;
	v9 =	vadd.f32 v9, v32;
	v19 =	vadd.f32 v38, v36  }
0x1b3: {  	v5 =	vand.u32 v0, v5;
	v1 =	vadd.f32 v22, v1;
	v3 =	vadd.f32 v26, v3  }
0x1b4: {  	v44 =	vshll.u32 v27, $0x10;
	v13 =	vadd.f32 v14, v13;
	v8 =	vadd.f32 v39, v8  }
0x1b5: {  	v6 =	vand.u32 v0, v6;
	v45 =	vadd.f32 v42, v37;
	v9 =	vadd.f32 v44, v9  }
0x1b6: {  	v47 =	vshll.u32 v4, $0x10;
	v10 =	vadd.f32 v10, v19;
	v1 =	vadd.f32 v25, v1  }
0x1b7: {  	v2 =	vld.idx.msk [tilespmem:v2+s17+$0x0], $0xffff;
	v46 =	vshll.u32 v24, $0x10;
	v3 =	vadd.f32 v5, v3;
	v4 =	vadd.f32 v47, v13  }
0x1b8: {  	v41 =	vand.u32 v0, v12;
	v48 =	vadd.f32 v43, v45;
	v9 =	vadd.f32 v46, v9  }
0x1b9: {  	v49 =	vshll.u32 v12, $0x10;
	v10 =	vadd.f32 v41, v10;
	v1 =	vadd.f32 v15, v1  }
0x1ba: {  	v50 =	vshll.u32 v11, $0x10;
	v3 =	vadd.f32 v6, v3;
	v5 =	vadd.f32 v49, v48  }
0x1bb: {  	v7 =	vand.u32 v0, v7;
	v4 =	vadd.f32 v50, v4;
	v1 =	vadd.f32 v17, v1  }
0x1bc: {  	v51 =	vshll.u32 v2, $0x10;
	v3 =	vadd.f32 v7, v3;
	v52 =	vmax.f32 v5, v10  }
0x1bd: {  	v2 =	vand.u32 v0, v2;
	v1 =	vadd.f32 v51, v1;
	v53 =	vmax.f32 v52, v4  }
0x1be: {  	v54 =	vshll.u32 v18, $0x10;
	v2 =	vadd.f32 v2, v3;
	v3 =	vmax.f32 v53, v8  }
0x1bf: {  	v55 =	vadd.f32 v54, v9;
	v3 =	vmax.f32 v3, v1  }
0x1c0: {  	v3 =	vmax.f32 v3, v2  }
0x1c1: {  	v3 =	vmax.f32 v3, v55  }
0x1c2: {  	v5 =	vsub.f32 v5, v3  }
0x1c3: {  	v56 =	vsub.f32 v10, v3  }
0x1c4: {  	v5 =	vmul.f32 $1.442695020e+00, v5  }
0x1c5: {  	v4 =	vsub.f32 v4, v3;
	v7 =	vmul.f32 $1.442695020e+00, v56  }
0x1c6: {  	(erf) = vpow2.f32 v5  }
0x1c7: {  	v57 =	vsub.f32 v8, v3;
	v4 =	vmul.f32 $1.442695020e+00, v4;
	(erf) = vpow2.f32 v7  }
0x1c8: {  	v1 =	vsub.f32 v1, v3  }
0x1c9: {  	v58 =	vmul.f32 $1.442695020e+00, v57;
	(erf) = vpow2.f32 v4  }
0x1ca: {  	v2 =	vsub.f32 v2, v3;
	v1 =	vmul.f32 $1.442695020e+00, v1  }
0x1cb: {  	(erf) = vpow2.f32 v58  }
0x1cc: {  	(erf) = vpow2.f32 v1;
	v1 =	vmul.f32 $1.442695020e+00, v2;
	v2 =	vsub.f32 v55, v3;
	_ =	sdelay $0x2  }
0x1cd: {  	v3 =	vpop (erf);
	(erf) = vpow2.f32 v1;
	v1 =	vmul.f32 $1.442695020e+00, v2  }
0x1ce: {  	v2 =	vpop (erf)  }
0x1cf: {  	(erf) = vpow2.f32 v1;
	v1 =	vadd.f32 v2, v3  }
0x1d0: {  	v59 =	vpop (erf)  }
0x1d1: {  	v1 =	vadd.f32 v1, v59  }
0x1d2: {  	v60 =	vpop (erf)  }
0x1d3: {  	v1 =	vadd.f32 v1, v60  }
0x1d4: {  	v61 =	vpop (erf)  }
0x1d5: {  	v1 =	vadd.f32 v1, v61  }
0x1d6: {  	v62 =	vpop (erf)  }
0x1d7: {  	v1 =	vadd.f32 v1, v62  }
0x1d8: {  	v63 =	vpop (erf)  }
0x1d9: {  	v1 =	vadd.f32 v1, v63;
	_ =	sdelay $0x1  }
0x1da: {  	(erf) = vrcp.f32 v1;
	_ =	sdelay $0x8  }
0x1db: {  	v1 =	vpop (erf)  }
0x1dc: {  	v3 =	vmul.f32 v1, v3  }
0x1dd: {  	v2 =	vmul.f32 v1, v2  }
0x1de: {  	s28 =	sadd.s32 $0x1, s28;
	[tilespmem:s30+$0x1A000] =	vst v3;
	v3 =	vmul.f32 v1, v59  }
0x1df: {  	p0 =	sne.s32 s28, $0x18;
	[tilespmem:s30+$0x1A200] =	vst v2;
	v2 =	vmul.f32 v1, v60  }
.Ltmp9:
0x1e0: {  	[tilespmem:s30+$0x1A400] =	vst v3;
	v3 =	vmul.f32 v1, v61;
	(pc) =	sbr.rel @p0 .LBB2_18-.Ltmp9, $4  }
0x1e1: {  	[tilespmem:s30+$0x1A600] =	vst v2;
	v2 =	vmul.f32 v1, v62  }
0x1e2: {  	v1 =	vmul.f32 v1, v63;
	[tilespmem:s30+$0x1A800] =	vst v3  }
0x1e3: {  	[tilespmem:s30+$0x1AA00] =	vst v2  }
0x1e4: {  	s29 =	sadd.s32 $0x10, s29;
	[tilespmem:s30+$0x1AC00] =	vst v1  }
0x1e5: {  	_ =	swait.ge [sflag:s22], $0x6400  }
0x1e6: {  	[sflag:s22] =	ssyncset.done $0x0  }
0x1e7: {  	s28 =	simm.s32 $0x18;
	s29 =	simm.s32 $0x1980;
	[sflag:s22] =	ssyncadd.s32 $0xFFFF9C00  }
.LBB2_22:
0x1e8: {  	v1 =	vmov s29;
	_ =	sdelay $0x3  }
0x1e9: {  	s0 =	simm.s32 $0x0  }
0x1ea: {  	v3 =	vld.idx.msk [tilespmem:v1+s0+$0xFFFFF800 ss:$0x1], $0xffff;
	_ =	sdelay $0x1  }
0x1eb: {  	v4 =	vld.idx.msk [tilespmem:v1+s0+$0xFFFFFC00 ss:$0x1], $0xffff  }
0x1ec: {  	v5 =	vld.idx.msk [tilespmem:v1+s0+$0xFFFFFA00 ss:$0x1], $0xffff  }
0x1ed: {  	v8 =	vld.idx.msk [tilespmem:v1+s0+$0x0 ss:$0x1], $0xffff  }
0x1ee: {  	v6 =	vld.idx.msk [tilespmem:v1+s0+$0xFFFFFE00 ss:$0x1], $0xffff  }
0x1ef: {  	v10 =	vld.idx.msk [tilespmem:v1+s0+$0x200 ss:$0x1], $0xffff  }
0x1f0: {  	v18 =	vld.idx.msk [tilespmem:v1+s0+$0x400 ss:$0x1], $0xffff  }
0x1f1: {  	v7 =	vld.idx.msk [tilespmem:v3+s17+$0x0], $0xffff  }
0x1f2: {  	v9 =	vld.idx.msk [tilespmem:v3+s16+$0x0], $0xffff  }
0x1f3: {  	v11 =	vld.idx.msk [tilespmem:v4+s18+$0x0], $0xffff  }
0x1f4: {  	v12 =	vld.idx.msk [tilespmem:v5+s3+$0x0], $0xffff  }
0x1f5: {  	v13 =	vld.idx.msk [tilespmem:v3+s3+$0x0], $0xffff  }
0x1f6: {  	v15 =	vld.idx.msk [tilespmem:v6+s18+$0x0], $0xffff  }
0x1f7: {  	v16 =	vld.idx.msk [tilespmem:v3+s18+$0x0], $0xffff  }
0x1f8: {  	v17 =	vld.idx.msk [tilespmem:v5+s18+$0x0], $0xffff  }
0x1f9: {  	v20 =	vld.idx.msk [tilespmem:v5+s17+$0x0], $0xffff  }
0x1fa: {  	v28 =	vld.idx.msk [tilespmem:v6+s3+$0x0], $0xffff  }
0x1fb: {  	v19 =	vimm.f32 $0.0e+00;
	v14 =	vld.idx.msk [tilespmem:v4+s17+$0x0], $0xffff;
	v3 =	vshll.u32 v9, $0x10  }
0x1fc: {  	v5 =	vld.idx.msk [tilespmem:v5+s16+$0x0], $0xffff;
	v9 =	vand.u32 v0, v9;
	v23 =	vshll.u32 v13, $0x10;
	v16 =	vshll.u32 v16, $0x10  }
0x1fd: {  	v25 =	vld.idx.msk [tilespmem:v6+s16+$0x0], $0xffff;
	v11 =	vshll.u32 v11, $0x10;
	v13 =	vand.u32 v0, v13;
	v17 =	vshll.u32 v17, $0x10  }
0x1fe: {  	v26 =	vld.idx.msk [tilespmem:v6+s17+$0x0], $0xffff;
	v32 =	vshll.u32 v15, $0x10;
	v6 =	vand.u32 v0, v12;
	v34 =	vand.u32 v0, v20  }
0x1ff: {  	v22 =	vld.idx.msk [tilespmem:v4+s16+$0x0], $0xffff;
	v35 =	vshll.u32 v28, $0x10;
	v21 =	vadd.f32 v3, v19;
	v3 =	vand.u32 v0, v7  }
0x200: {  	v2 =	vld.idx.msk [tilespmem:v1+s0+$0x600 ss:$0x1], $0xffff;
	v9 =	vadd.f32 v9, v19;
	v7 =	vshll.u32 v7, $0x10;
	v23 =	vadd.f32 v23, v19  }
0x201: {  	v27 =	vld.idx.msk [tilespmem:v4+s3+$0x0], $0xffff;
	v16 =	vadd.f32 v16, v19;
	v4 =	vadd.f32 v13, v19;
	v13 =	vshll.u32 v12, $0x10  }
0x202: {  	v33 =	vld.idx.msk [tilespmem:v10+s16+$0x0], $0xffff;
	v12 =	vshll.u32 v5, $0x10;
	v24 =	vadd.f32 v3, v19;
	v7 =	vadd.f32 v7, v19  }
0x203: {  	v3 =	vand.u32 v0, v14;
	v15 =	vadd.f32 v17, v16;
	v17 =	vld.idx.msk [tilespmem:v8+s16+$0x0], $0xffff;
	v29 =	vadd.f32 v6, v4  }
0x204: {  	v4 =	vand.u32 v0, v5;
	v16 =	vand.u32 v0, v22;
	v12 =	vadd.f32 v12, v21;
	v5 =	vld.idx.msk [tilespmem:v8+s17+$0x0], $0xffff  }
0x205: {  	v6 =	vshll.u32 v20, $0x10;
	v21 =	vshll.u32 v14, $0x10;
	v36 =	vadd.f32 v13, v23;
	v23 =	vld.idx.msk [tilespmem:v18+s3+$0x0], $0xffff  }
0x206: {  	v4 =	vadd.f32 v4, v9;
	v19 =	vadd.f32 v6, v7;
	v7 =	vshll.u32 v22, $0x10;
	v6 =	vld.idx.msk [tilespmem:v10+s17+$0x0], $0xffff  }
0x207: {  	v9 =	vand.u32 v0, v27;
	v22 =	vshll.u32 v26, $0x10;
	v7 =	vadd.f32 v7, v12;
	v12 =	vld.idx.msk [tilespmem:v8+s3+$0x0], $0xffff  }
0x208: {  	v27 =	vshll.u32 v27, $0x10;
	v26 =	vand.u32 v0, v26;
	v37 =	vadd.f32 v11, v15;
	v11 =	vld.idx.msk [tilespmem:v2+s16+$0x0], $0xffff  }
0x209: {  	v36 =	vadd.f32 v27, v36;
	v27 =	vld.idx.msk [tilespmem:v10+s18+$0x0], $0xffff;
	v14 =	vadd.f32 v16, v4;
	v4 =	vshll.u32 v25, $0x10  }
0x20a: {  	v16 =	vld.idx.msk [tilespmem:v10+s3+$0x0], $0xffff;
	v13 =	vadd.f32 v4, v7;
	v7 =	vand.u32 v0, v25;
	v32 =	vadd.f32 v32, v37  }
0x20b: {  	v25 =	vand.u32 v0, v28;
	v28 =	vadd.f32 v7, v14;
	v7 =	vld.idx.msk [tilespmem:v18+s17+$0x0], $0xffff;
	v14 =	vadd.f32 v9, v29  }
0x20c: {  	v38 =	vand.u32 v0, v17;
	v20 =	vshll.u32 v17, $0x10;
	v9 =	vld.idx.msk [tilespmem:v8+s18+$0x0], $0xffff;
	v17 =	vand.u32 v0, v33  }
0x20d: {  	v4 =	vld.idx.msk [tilespmem:v18+s16+$0x0], $0xffff;
	v10 =	vand.u32 v0, v23;
	v15 =	vshll.u32 v6, $0x10;
	v30 =	vadd.f32 v25, v14  }
0x20e: {  	v29 =	vshll.u32 v12, $0x10;
	v31 =	vand.u32 v0, v12;
	v8 =	vadd.f32 v38, v28;
	v12 =	vld.idx.msk [tilespmem:v2+s3+$0x0], $0xffff  }
0x20f: {  	v14 =	vshll.u32 v33, $0x10;
	v25 =	vshll.u32 v5, $0x10;
	v28 =	vadd.f32 v34, v24;
	v24 =	vld.idx.msk [tilespmem:v18+s18+$0x0], $0xffff  }
0x210: {  	s30 =	sshll.u32 s28, $0x4;
	s31 =	simm.s32 $0x4000;
	v33 =	vadd.f32 v35, v36;
	v18 =	vld.idx.msk [tilespmem:v2+s18+$0x0], $0xffff;
	v8 =	vadd.f32 v17, v8;
	v17 =	vshll.u32 v7, $0x10  }
.LBB2_23:
0x211: {  	s0 =	sshra.s32 s31, $0x2;
	p0 =	sne.s32 s31, $0x60000;
	s31 =	sadd.s32 $0x4000, s31;
	v19 =	vadd.f32 v21, v19;
	v21 =	vadd.f32 v31, v30;
	v30 =	vshll.u32 v9, $0x10;
	v31 =	vld.idx.msk [tilespmem:v2+s17+$0x0], $0xffff  }
0x212: {  	v2 =	vand.u32 v0, v16;
	v34 =	vld.idx.msk [tilespmem:v1+s0+$0xFFFFF800 ss:$0x1], $0xffff;
	v29 =	vadd.f32 v29, v33;
	v33 =	vand.u32 v0, v11  }
0x213: {  	v35 =	vand.u32 v0, v12;
	v9 =	vld.idx.msk [tilespmem:v1+s0+$0x0 ss:$0x1], $0xffff;
	v2 =	vadd.f32 v2, v21;
	v21 =	vand.u32 v0, v4  }
0x214: {  	v16 =	vshll.u32 v16, $0x10;
	v19 =	vadd.f32 v22, v19;
	v36 =	vld.idx.msk [tilespmem:v1+s0+$0xFFFFFC00 ss:$0x1], $0xffff;
	v21 =	vadd.f32 v21, v8  }
0x215: {  	v23 =	vshll.u32 v23, $0x10;
	v30 =	vadd.f32 v30, v32;
	v22 =	vld.idx.msk [tilespmem:v1+s0+$0xFFFFFA00 ss:$0x1], $0xffff;
	v2 =	vadd.f32 v10, v2  }
0x216: {  	v3 =	vadd.f32 v3, v28;
	v5 =	vand.u32 v0, v5;
	v8 =	vld.idx.msk [tilespmem:v1+s0+$0x200 ss:$0x1], $0xffff;
	v21 =	vadd.f32 v33, v21  }
0x217: {  	v13 =	vadd.f32 v20, v13;
	v6 =	vand.u32 v0, v6;
	v19 =	vadd.f32 v25, v19;
	v28 =	vld.idx.msk [tilespmem:v1+s0+$0xFFFFFE00 ss:$0x1], $0xffff  }
0x218: {  	v3 =	vadd.f32 v26, v3;
	v20 =	vshll.u32 v27, $0x10;
	v25 =	vadd.f32 v35, v2;
	v10 =	vld.idx.msk [tilespmem:v1+s0+$0x400 ss:$0x1], $0xffff  }
0x219: {  	v7 =	vand.u32 v0, v7;
	v15 =	vadd.f32 v15, v19;
	v19 =	vadd.f32 v20, v30;
	v2 =	vld.idx.msk [tilespmem:v1+s0+$0x600 ss:$0x1], $0xffff  }
0x21a: {  	v13 =	vadd.f32 v14, v13;
	v16 =	vadd.f32 v16, v29;
	v14 =	vshll.u32 v24, $0x10;
	v20 =	vld.idx.msk [tilespmem:v34+s17+$0x0], $0xffff  }
0x21b: {  	v4 =	vshll.u32 v4, $0x10;
	v3 =	vadd.f32 v5, v3;
	v5 =	vadd.f32 v14, v19;
	v24 =	vld.idx.msk [tilespmem:v34+s16+$0x0], $0xffff  }
0x21c: {  	v4 =	vadd.f32 v4, v13;
	v13 =	vadd.f32 v17, v15;
	v15 =	vshll.u32 v18, $0x10;
	v14 =	vld.idx.msk [tilespmem:v36+s18+$0x0], $0xffff  }
0x21d: {  	v3 =	vadd.f32 v6, v3;
	v6 =	vshll.u32 v11, $0x10;
	v5 =	vadd.f32 v15, v5;
	v17 =	vld.idx.msk [tilespmem:v22+s3+$0x0], $0xffff  }
0x21e: {  	v4 =	vadd.f32 v6, v4;
	v6 =	vshll.u32 v31, $0x10;
	v15 =	vadd.f32 v23, v16;
	v11 =	vld.idx.msk [tilespmem:v34+s3+$0x0], $0xffff  }
0x21f: {  	v3 =	vadd.f32 v7, v3;
	v7 =	vshll.u32 v12, $0x10;
	v6 =	vadd.f32 v6, v13;
	v16 =	vld.idx.msk [tilespmem:v36+s17+$0x0], $0xffff  }
0x220: {  	v13 =	vand.u32 v0, v31;
	v7 =	vadd.f32 v7, v15;
	v12 =	vld.idx.msk [tilespmem:v28+s18+$0x0], $0xffff  }
0x221: {  	v3 =	vadd.f32 v13, v3;
	v15 =	vshll.u32 v24, $0x10;
	v18 =	vand.u32 v0, v24;
	v19 =	vld.idx.msk [tilespmem:v34+s18+$0x0], $0xffff  }
0x222: {  	v4 =	vadd.f32 v15, v4;
	v13 =	vadd.f32 v18, v21;
	v15 =	vand.u32 v0, v20;
	v18 =	vld.idx.msk [tilespmem:v22+s18+$0x0], $0xffff  }
0x223: {  	v20 =	vshll.u32 v20, $0x10;
	v24 =	vadd.f32 v15, v3;
	v15 =	vld.idx.msk [tilespmem:v22+s17+$0x0], $0xffff  }
0x224: {  	v6 =	vadd.f32 v20, v6;
	v21 =	vshll.u32 v11, $0x10;
	v20 =	vld.idx.msk [tilespmem:v22+s16+$0x0], $0xffff  }
0x225: {  	v22 =	vld.idx.msk [tilespmem:v36+s16+$0x0], $0xffff  }
0x226: {  	v3 =	vand.u32 v0, v16;
	v23 =	vld.idx.msk [tilespmem:v28+s16+$0x0], $0xffff  }
0x227: {  	v14 =	vshll.u32 v14, $0x10;
	v7 =	vadd.f32 v21, v7;
	v19 =	vshll.u32 v19, $0x10;
	v26 =	vld.idx.msk [tilespmem:v28+s17+$0x0], $0xffff  }
0x228: {  	v11 =	vand.u32 v0, v11;
	v5 =	vadd.f32 v19, v5;
	v18 =	vshll.u32 v18, $0x10;
	v27 =	vld.idx.msk [tilespmem:v36+s3+$0x0], $0xffff  }
0x229: {  	v11 =	vadd.f32 v11, v25;
	v25 =	vshll.u32 v17, $0x10;
	v32 =	vshll.u32 v12, $0x10;
	v28 =	vld.idx.msk [tilespmem:v28+s3+$0x0], $0xffff  }
0x22a: {  	v12 =	vand.u32 v0, v17;
	v17 =	vshll.u32 v20, $0x10;
	v18 =	vadd.f32 v18, v5;
	v29 =	vld.idx.msk [tilespmem:v9+s16+$0x0], $0xffff  }
0x22b: {  	v11 =	vadd.f32 v12, v11;
	v12 =	vand.u32 v0, v20;
	v20 =	vand.u32 v0, v22;
	v33 =	vld.idx.msk [tilespmem:v8+s16+$0x0], $0xffff  }
0x22c: {  	v34 =	vand.u32 v0, v15;
	v4 =	vadd.f32 v17, v4;
	v17 =	vshll.u32 v15, $0x10;
	v5 =	vld.idx.msk [tilespmem:v9+s17+$0x0], $0xffff  }
0x22d: {  	v12 =	vadd.f32 v12, v13;
	v13 =	vshll.u32 v22, $0x10;
	v19 =	vadd.f32 v17, v6;
	v6 =	vld.idx.msk [tilespmem:v8+s17+$0x0], $0xffff  }
0x22e: {  	v21 =	vshll.u32 v16, $0x10;
	v4 =	vadd.f32 v13, v4;
	v15 =	vand.u32 v0, v27;
	v17 =	vld.idx.msk [tilespmem:v9+s3+$0x0], $0xffff  }
0x22f: {  	v12 =	vadd.f32 v20, v12;
	v13 =	vshll.u32 v23, $0x10;
	v35 =	vshll.u32 v28, $0x10;
	v16 =	vld.idx.msk [tilespmem:v8+s3+$0x0], $0xffff  }
0x230: {  	v36 =	vadd.f32 v25, v7;
	v7 =	vand.u32 v0, v23;
	v13 =	vadd.f32 v13, v4;
	v4 =	vld.idx.msk [tilespmem:v10+s16+$0x0], $0xffff  }
0x231: {  	v22 =	vshll.u32 v26, $0x10;
	v25 =	vand.u32 v0, v28;
	v12 =	vadd.f32 v7, v12;
	v7 =	vld.idx.msk [tilespmem:v10+s17+$0x0], $0xffff  }
0x232: {  	v18 =	vadd.f32 v14, v18;
	v11 =	vadd.f32 v15, v11;
	v28 =	vand.u32 v0, v29;
	v23 =	vld.idx.msk [tilespmem:v10+s3+$0x0], $0xffff  }
0x233: {  	v27 =	vshll.u32 v27, $0x10;
	v20 =	vshll.u32 v29, $0x10;
	v15 =	vshll.u32 v6, $0x10;
	v9 =	vld.idx.msk [tilespmem:v9+s18+$0x0], $0xffff  }
.Ltmp10:
0x234: {  	v30 =	vadd.f32 v25, v11;
	v14 =	vshll.u32 v33, $0x10;
	v29 =	vshll.u32 v17, $0x10;
	v11 =	vld.idx.msk [tilespmem:v2+s16+$0x0], $0xffff;
	(pc) =	sbr.rel @p0 .LBB2_23-.Ltmp10, $4  }
0x235: {  	v25 =	vshll.u32 v5, $0x10;
	v31 =	vand.u32 v0, v17;
	v17 =	vadd.f32 v28, v12;
	v12 =	vld.idx.msk [tilespmem:v2+s3+$0x0], $0xffff  }
0x236: {  	v26 =	vand.u32 v0, v26;
	v36 =	vadd.f32 v27, v36;
	v33 =	vand.u32 v0, v33;
	v27 =	vld.idx.msk [tilespmem:v8+s18+$0x0], $0xffff  }
0x237: {  	v28 =	vadd.f32 v34, v24;
	v8 =	vadd.f32 v33, v17;
	v17 =	vshll.u32 v7, $0x10;
	v24 =	vld.idx.msk [tilespmem:v10+s18+$0x0], $0xffff  }
0x238: {  	v32 =	vadd.f32 v32, v18;
	v33 =	vadd.f32 v35, v36;
	v10 =	vand.u32 v0, v23;
	v18 =	vld.idx.msk [tilespmem:v2+s18+$0x0], $0xffff  }
0x239: {  	v1 =	vadd.f32 v21, v19;
	v36 =	vadd.f32 v31, v30  }
0x23a: {  	v9 =	vshll.u32 v9, $0x10;
	v38 =	vand.u32 v0, v16;
	v39 =	vand.u32 v0, v11  }
0x23b: {  	v40 =	vand.u32 v0, v4;
	v3 =	vadd.f32 v3, v28;
	v13 =	vadd.f32 v20, v13  }
0x23c: {  	v42 =	vshll.u32 v16, $0x10;
	v37 =	vadd.f32 v29, v33;
	v8 =	vadd.f32 v40, v8  }
0x23d: {  	v43 =	vshll.u32 v23, $0x10;
	v9 =	vadd.f32 v9, v32;
	v19 =	vadd.f32 v38, v36  }
0x23e: {  	v5 =	vand.u32 v0, v5;
	v1 =	vadd.f32 v22, v1;
	v3 =	vadd.f32 v26, v3  }
0x23f: {  	v44 =	vshll.u32 v27, $0x10;
	v13 =	vadd.f32 v14, v13;
	v8 =	vadd.f32 v39, v8  }
0x240: {  	v6 =	vand.u32 v0, v6;
	v45 =	vadd.f32 v42, v37;
	v9 =	vadd.f32 v44, v9  }
0x241: {  	v47 =	vshll.u32 v4, $0x10;
	v10 =	vadd.f32 v10, v19;
	v1 =	vadd.f32 v25, v1  }
0x242: {  	v2 =	vld.idx.msk [tilespmem:v2+s17+$0x0], $0xffff;
	v46 =	vshll.u32 v24, $0x10;
	v3 =	vadd.f32 v5, v3;
	v4 =	vadd.f32 v47, v13  }
0x243: {  	v41 =	vand.u32 v0, v12;
	v48 =	vadd.f32 v43, v45;
	v9 =	vadd.f32 v46, v9  }
0x244: {  	v49 =	vshll.u32 v12, $0x10;
	v10 =	vadd.f32 v41, v10;
	v1 =	vadd.f32 v15, v1  }
0x245: {  	v50 =	vshll.u32 v11, $0x10;
	v3 =	vadd.f32 v6, v3;
	v5 =	vadd.f32 v49, v48  }
0x246: {  	v7 =	vand.u32 v0, v7;
	v4 =	vadd.f32 v50, v4;
	v1 =	vadd.f32 v17, v1  }
0x247: {  	v51 =	vshll.u32 v2, $0x10;
	v3 =	vadd.f32 v7, v3;
	v52 =	vmax.f32 v5, v10  }
0x248: {  	v2 =	vand.u32 v0, v2;
	v1 =	vadd.f32 v51, v1;
	v53 =	vmax.f32 v52, v4  }
0x249: {  	v54 =	vshll.u32 v18, $0x10;
	v2 =	vadd.f32 v2, v3;
	v3 =	vmax.f32 v53, v8  }
0x24a: {  	v55 =	vadd.f32 v54, v9;
	v3 =	vmax.f32 v3, v1  }
0x24b: {  	v3 =	vmax.f32 v3, v2  }
0x24c: {  	v3 =	vmax.f32 v3, v55  }
0x24d: {  	v5 =	vsub.f32 v5, v3  }
0x24e: {  	v56 =	vsub.f32 v10, v3  }
0x24f: {  	v5 =	vmul.f32 $1.442695020e+00, v5  }
0x250: {  	v4 =	vsub.f32 v4, v3;
	v7 =	vmul.f32 $1.442695020e+00, v56  }
0x251: {  	(erf) = vpow2.f32 v5  }
0x252: {  	v57 =	vsub.f32 v8, v3;
	v4 =	vmul.f32 $1.442695020e+00, v4;
	(erf) = vpow2.f32 v7  }
0x253: {  	v1 =	vsub.f32 v1, v3  }
0x254: {  	v58 =	vmul.f32 $1.442695020e+00, v57;
	(erf) = vpow2.f32 v4  }
0x255: {  	v2 =	vsub.f32 v2, v3;
	v1 =	vmul.f32 $1.442695020e+00, v1  }
0x256: {  	(erf) = vpow2.f32 v58  }
0x257: {  	(erf) = vpow2.f32 v1;
	v1 =	vmul.f32 $1.442695020e+00, v2;
	v2 =	vsub.f32 v55, v3;
	_ =	sdelay $0x2  }
0x258: {  	v3 =	vpop (erf);
	(erf) = vpow2.f32 v1;
	v1 =	vmul.f32 $1.442695020e+00, v2  }
0x259: {  	v2 =	vpop (erf)  }
0x25a: {  	(erf) = vpow2.f32 v1;
	v1 =	vadd.f32 v2, v3  }
0x25b: {  	v59 =	vpop (erf)  }
0x25c: {  	v1 =	vadd.f32 v1, v59  }
0x25d: {  	v60 =	vpop (erf)  }
0x25e: {  	v1 =	vadd.f32 v1, v60  }
0x25f: {  	v61 =	vpop (erf)  }
0x260: {  	v1 =	vadd.f32 v1, v61  }
0x261: {  	v62 =	vpop (erf)  }
0x262: {  	v1 =	vadd.f32 v1, v62  }
0x263: {  	v63 =	vpop (erf)  }
0x264: {  	v1 =	vadd.f32 v1, v63;
	_ =	sdelay $0x1  }
0x265: {  	(erf) = vrcp.f32 v1;
	_ =	sdelay $0x8  }
0x266: {  	v1 =	vpop (erf)  }
0x267: {  	v3 =	vmul.f32 v1, v3  }
0x268: {  	v2 =	vmul.f32 v1, v2  }
0x269: {  	s28 =	sadd.s32 $0x1, s28;
	[tilespmem:s30+$0x1A000] =	vst v3;
	v3 =	vmul.f32 v1, v59  }
0x26a: {  	p0 =	sne.s32 s28, $0x20;
	[tilespmem:s30+$0x1A200] =	vst v2;
	v2 =	vmul.f32 v1, v60  }
.Ltmp11:
0x26b: {  	[tilespmem:s30+$0x1A400] =	vst v3;
	v3 =	vmul.f32 v1, v61;
	(pc) =	sbr.rel @p0 .LBB2_22-.Ltmp11, $4  }
0x26c: {  	[tilespmem:s30+$0x1A600] =	vst v2;
	v2 =	vmul.f32 v1, v62  }
0x26d: {  	v1 =	vmul.f32 v1, v63;
	[tilespmem:s30+$0x1A800] =	vst v3  }
0x26e: {  	[tilespmem:s30+$0x1AA00] =	vst v2  }
0x26f: {  	s29 =	sadd.s32 $0x10, s29;
	[tilespmem:s30+$0x1AC00] =	vst v1  }
0x270: {  	s26 =	sadd.s32 $0x1, s26  }
0x271: {  	p0 =	sne.s32 s26, s13  }
.Ltmp12:
0x272: {  	_ = 	snop;
	(pc) =	sbr.rel @p0 .LBB2_1-.Ltmp12, $4  }
0x273: {  	[hbm4b:s12+s23] =	stream.strided.scatter [tilespmem:s25], [sflag:$0x5], $0xE00, s24, s23, $0x38;
	[tilespmem:$0x1AE10] =	vst v63  }
0x274: {  	_ =	swait.ge [sflag:s15], $0xE00  }
0x275: {  	[sflag:s15] =	ssyncset.done $0x0  }
0x276: {  	[sflag:s15] =	ssyncadd.s32 $0xFFFFF200  }
0x277: {  	_ =	sfence.sel $0x180000  }
0x278: {  	[bflag:$0x0] =	sbarrier.arrive $0xFFFF  }
0x279: {  	_ =	strace $0x90000047  }
0x27a: {  	[bflag:$0x2] =	sbarrier.arrive $0xFFFF  }
0x27b: {  	p0 =	sne.s32 s1, $0x0;
	s0 =	rddreg [dreg:$0x2]  }
0x27c: {  	s0 =	sadd.s32 @!p0 $0x100000, s0  }
0x27d: {  	[sflag:s0] =	ssyncadd.tile.s32 @!p0 $0x1;
	_ =	shalt  }
.Lfunc_end2:
_tile_overlayer_lowered:
.L_overlay_start_2:
0x27e: {  	(tag) =	ssettag $0x2  }
0x27f: {  	s0 =	rddreg [dreg:$0x0];
	s2 =	stileid.u32  }
0x280: {  	s1 =	rddreg [dreg:$0x1];
	p0 =	sne.s32 s2, $0x0  }
0x281: {  	s3 =	rddreg [dreg:$0x2];
	[bflag:$0x3] =	sbarrier.arrive $0xFFFF;
	s2 =	simm.s32 @!p0 $0x1C05  }
0x282: {  	[timem:s3], [sflag:s2] =	dma.local @!p0 [hbm:s0], s1  }
0x283: {  	s0 =	simm.s32 @!p0 $0x5  }
0x284: {  	_ =	swait.ge @!p0 [sflag:s0], s1  }
0x285: {  	s1 =	ssub.s32 @!p0 $0x0, s1;
	[sflag:s0] =	ssyncset.done @!p0 $0x0  }
0x286: {  	[sflag:s0] =	ssyncadd.s32 @!p0 s1  }
0x287: {  	[bflag:$0x3] =	sbarrier.arrive $0xFFFF  }
0x288: {  	_ =	shalt  }

</sc_bundles>
